<compile_context>
chip_gen: v7x
topology: tpu7x:2x2x1
jax: 0.10.2.dev20260603
libtpu: 0.0.44.dev20260713+nightly
codegen_flags: <defaults>
</compile_context>

<pallas_src>
import functools

import jax
import jax.numpy as jnp
from jax import lax
from jax.experimental import pallas as pl
from jax.experimental.pallas import tpu as pltpu
from jax.experimental.pallas import tpu_sc as plsc


def kernel(unary, binary, index1, index2):
    V, D = unary.shape
    B, F = binary.shape
    out_cols = 2 * D + F

    info = plsc.get_sparse_core_info()
    NC, NS = info.num_cores, info.num_subcores
    NW = NC * NS
    per_w = B // NW
    E = 80
    NBUF = 4
    LAG = 2
    n_chunks = per_w // E

    mesh = plsc.VectorSubcoreMesh(core_axis_name="c", subcore_axis_name="s")

    @functools.partial(
        pl.kernel,
        mesh=mesh,
        out_type=jax.ShapeDtypeStruct((B, out_cols), jnp.float32),
        scratch_types=[
            [pltpu.VMEM((E,), jnp.int32) for _ in range(NBUF)],
            [pltpu.VMEM((E,), jnp.int32) for _ in range(NBUF)],
            [pltpu.VMEM((E, D), jnp.float32) for _ in range(NBUF)],
            [pltpu.VMEM((E, D), jnp.float32) for _ in range(NBUF)],
            [pltpu.VMEM((E, F), jnp.float32) for _ in range(NBUF)],
            [pltpu.SemaphoreType.DMA for _ in range(NBUF)],
            [pltpu.SemaphoreType.DMA for _ in range(NBUF)],
            [pltpu.SemaphoreType.DMA for _ in range(NBUF)],
        ],
    )
    def join_k(unary_hbm, binary_hbm, idx1_hbm, idx2_hbm, out_hbm,
               idx1b, idx2b, rows1, rows2, binb, isem, gsem, wsem):
        wid = lax.axis_index("s") * NC + lax.axis_index("c")
        base = wid * per_w

        def stage_idx(c, b):
            off = base + c * E
            pltpu.async_copy(idx1_hbm.at[pl.ds(off, E)], idx1b[b], isem[b])
            pltpu.async_copy(idx2_hbm.at[pl.ds(off, E)], idx2b[b], isem[b])

        def wait_idx(b):
            pltpu.make_async_copy(idx1_hbm.at[pl.ds(0, E)], idx1b[b],
                                  isem[b]).wait()
            pltpu.make_async_copy(idx2_hbm.at[pl.ds(0, E)], idx2b[b],
                                  isem[b]).wait()

        def gathers(c, b):
            off = base + c * E
            pltpu.async_copy(unary_hbm.at[idx1b[b]], rows1[b], gsem[b])
            pltpu.async_copy(unary_hbm.at[idx2b[b]], rows2[b], gsem[b])
            pltpu.async_copy(binary_hbm.at[pl.ds(off, E)], binb[b], gsem[b])

        def wait_gathers(b):
            pltpu.make_async_copy(unary_hbm.at[pl.ds(0, E)], rows1[b],
                                  gsem[b]).wait()
            pltpu.make_async_copy(unary_hbm.at[pl.ds(0, E)], rows2[b],
                                  gsem[b]).wait()
            pltpu.make_async_copy(binary_hbm.at[pl.ds(0, E)], binb[b],
                                  gsem[b]).wait()

        def scatters(c, b):
            off = base + c * E
            pltpu.async_copy(rows1[b],
                             out_hbm.at[pl.ds(off, E), pl.ds(0, D)], wsem[b])
            pltpu.async_copy(rows2[b],
                             out_hbm.at[pl.ds(off, E), pl.ds(D, D)], wsem[b])
            pltpu.async_copy(binb[b],
                             out_hbm.at[pl.ds(off, E), pl.ds(2 * D, F)],
                             wsem[b])

        def wait_scatters(b):
            pltpu.make_async_copy(rows1[b],
                                  out_hbm.at[pl.ds(base, E), pl.ds(0, D)],
                                  wsem[b]).wait()
            pltpu.make_async_copy(rows2[b],
                                  out_hbm.at[pl.ds(base, E), pl.ds(D, D)],
                                  wsem[b]).wait()
            pltpu.make_async_copy(binb[b],
                                  out_hbm.at[pl.ds(base, E),
                                             pl.ds(2 * D, F)],
                                  wsem[b]).wait()

        def step(c, b, first=False, do_stage=True, do_prefetch=True):
            wait_gathers(b)
            if do_stage:
                stage_idx(c + NBUF, b)
            scatters(c, b)
            if do_prefetch:
                bg = (b + LAG) % NBUF
                if not first:
                    wait_scatters(bg)
                wait_idx(bg)
                gathers(c + LAG, bg)

        for b in range(NBUF):
            stage_idx(b, b)
        for b in range(LAG):
            wait_idx(b)
            gathers(b, b)

        step(0, 0, first=True)
        step(1, 1, first=True)
        step(2, 2)
        step(3, 3)

        steady_iters = (n_chunks - 2 * NBUF) // NBUF

        def body(i, carry):
            for b in range(NBUF):
                c = NBUF + i * NBUF + b
                step(c, b)
            return carry

        lax.fori_loop(0, steady_iters, body, 0)

        for c in range(NBUF + steady_iters * NBUF, n_chunks):
            step(c, c % NBUF,
                 do_stage=(c + NBUF < n_chunks),
                 do_prefetch=(c + LAG < n_chunks))

        for c in range(n_chunks - NBUF, n_chunks):
            wait_scatters(c % NBUF)

    return join_k(unary, binary, index1, index2)

# --- scband reference (transcript-rebuilt; emitter-appended) ---
"""Pipeline reference for scband-join-90933047591162 (READ-ONLY COPY).

The authoritative reference and input builder live on the scoring server;
editing this copy changes nothing except your own understanding.
"""

import jax, jax.numpy as jnp
import numpy as np


def setup_inputs(seed: int = 0) -> dict:
    key = jax.random.key(seed)
    k1, k2, k3, k4 = jax.random.split(key, 4)
    unary = jax.random.normal(k1, (10000, 128), dtype=jnp.float32)
    binary = jax.random.normal(k2, (320000, 16), dtype=jnp.float32)
    index1 = jax.random.randint(k3, (320000,), 0, 10000, dtype=jnp.int64 if jax.config.jax_enable_x64 else jnp.int32).astype(jnp.int32)
    index2 = jax.random.randint(k4, (320000,), 0, 10000, dtype=jnp.int64 if jax.config.jax_enable_x64 else jnp.int32).astype(jnp.int32)
    return {"unary": unary, "binary": binary, "index1": index1, "index2": index2}


def reference(unary, binary, index1, index2):
    # Join layer: gather unary features for both endpoints of each pair
    # and concatenate with the binary (edge) pre-activations along dim 1.
    if index1.ndim == 0 and index2.ndim == 0:
        index1 = jnp.reshape(index1, (1,))
        index2 = jnp.reshape(index2, (1,))
    u1 = jnp.take(unary, index1, axis=0)
    u2 = jnp.take(unary, index2, axis=0)
    return jnp.concatenate([u1, u2, binary], axis=1)

if __name__ == "__main__":
    import jax
    _d = setup_inputs()
    print(jax.jit(kernel)(*tuple(_d.values())))

</pallas_src>

<mosaic_0001>
#map = affine_map<(d0, d1) -> (0, 0)>
#map1 = affine_map<(d0, d1) -> (0)>
module attributes {stable_mosaic.version = 14 : i64} {
  func.func @join_k(%arg0: i32, %arg1: i32, %arg2: memref<10000x128xf32, #tpu.memory_space<hbm>>, %arg3: memref<320000x16xf32, #tpu.memory_space<hbm>>, %arg4: memref<320000xi32, #tpu.memory_space<hbm>>, %arg5: memref<320000xi32, #tpu.memory_space<hbm>>, %arg6: memref<320000x272xf32, #tpu.memory_space<hbm>>, %arg7: memref<80xi32, #tpu.memory_space<vmem>>, %arg8: memref<80xi32, #tpu.memory_space<vmem>>, %arg9: memref<80xi32, #tpu.memory_space<vmem>>, %arg10: memref<80xi32, #tpu.memory_space<vmem>>, %arg11: memref<80xi32, #tpu.memory_space<vmem>>, %arg12: memref<80xi32, #tpu.memory_space<vmem>>, %arg13: memref<80xi32, #tpu.memory_space<vmem>>, %arg14: memref<80xi32, #tpu.memory_space<vmem>>, %arg15: memref<80x128xf32, #tpu.memory_space<vmem>>, %arg16: memref<80x128xf32, #tpu.memory_space<vmem>>, %arg17: memref<80x128xf32, #tpu.memory_space<vmem>>, %arg18: memref<80x128xf32, #tpu.memory_space<vmem>>, %arg19: memref<80x128xf32, #tpu.memory_space<vmem>>, %arg20: memref<80x128xf32, #tpu.memory_space<vmem>>, %arg21: memref<80x128xf32, #tpu.memory_space<vmem>>, %arg22: memref<80x128xf32, #tpu.memory_space<vmem>>, %arg23: memref<80x16xf32, #tpu.memory_space<vmem>>, %arg24: memref<80x16xf32, #tpu.memory_space<vmem>>, %arg25: memref<80x16xf32, #tpu.memory_space<vmem>>, %arg26: memref<80x16xf32, #tpu.memory_space<vmem>>, %arg27: memref<!tpu.dma_semaphore, #tpu.memory_space<semaphore_mem>>, %arg28: memref<!tpu.dma_semaphore, #tpu.memory_space<semaphore_mem>>, %arg29: memref<!tpu.dma_semaphore, #tpu.memory_space<semaphore_mem>>, %arg30: memref<!tpu.dma_semaphore, #tpu.memory_space<semaphore_mem>>, %arg31: memref<!tpu.dma_semaphore, #tpu.memory_space<semaphore_mem>>, %arg32: memref<!tpu.dma_semaphore, #tpu.memory_space<semaphore_mem>>, %arg33: memref<!tpu.dma_semaphore, #tpu.memory_space<semaphore_mem>>, %arg34: memref<!tpu.dma_semaphore, #tpu.memory_space<semaphore_mem>>, %arg35: memref<!tpu.dma_semaphore, #tpu.memory_space<semaphore_mem>>, %arg36: memref<!tpu.dma_semaphore, #tpu.memory_space<semaphore_mem>>, %arg37: memref<!tpu.dma_semaphore, #tpu.memory_space<semaphore_mem>>, %arg38: memref<!tpu.dma_semaphore, #tpu.memory_space<semaphore_mem>>) attributes {dimension_semantics = [#tpu.dimension_semantics<core_parallel>, #tpu.dimension_semantics<subcore_parallel>], iteration_bounds = array<i64: 2, 16>, scalar_prefetch = 0 : i64, scratch_operands = 32 : i64, tpu.core_type = #tpu.core_type<sc_vector_subcore>, window_params = [{transform_indices = #map}, {transform_indices = #map}, {transform_indices = #map1}, {transform_indices = #map1}, {transform_indices = #map}]} {
    %mul3A = arith.constant 2 : i32
    %mul3A_0 = arith.muli %arg1, %mul3A : i32
    %add3A = arith.addi %mul3A_0, %arg0 : i32
    %mul3A_1 = arith.constant 10000 : i32
    %mul3A_2 = arith.muli %add3A, %mul3A_1 : i32
    %add3A_3 = arith.constant 0 : i32
    %add3A_4 = arith.addi %mul3A_2, %add3A_3 : i32
    %dma_start3A = tpu.memref_slice %arg4[%add3A_4] : memref<320000xi32, #tpu.memory_space<hbm>> -> memref<80xi32, #tpu.memory_space<hbm>>
    %dma_start3A_5 = tpu.memref_slice %arg4[%add3A_4] : memref<320000xi32, #tpu.memory_space<hbm>> -> memref<80xi32, #tpu.memory_space<hbm>>
    tpu.enqueue_dma source(%dma_start3A_5 : memref<80xi32, #tpu.memory_space<hbm>>) target(%arg7 : memref<80xi32, #tpu.memory_space<vmem>>) target_semaphore(%arg27 : memref<!tpu.dma_semaphore, #tpu.memory_space<semaphore_mem>>)
    %dma_start3A_6 = tpu.memref_slice %arg5[%add3A_4] : memref<320000xi32, #tpu.memory_space<hbm>> -> memref<80xi32, #tpu.memory_space<hbm>>
    %dma_start3A_7 = tpu.memref_slice %arg5[%add3A_4] : memref<320000xi32, #tpu.memory_space<hbm>> -> memref<80xi32, #tpu.memory_space<hbm>>
    tpu.enqueue_dma source(%dma_start3A_7 : memref<80xi32, #tpu.memory_space<hbm>>) target(%arg11 : memref<80xi32, #tpu.memory_space<vmem>>) target_semaphore(%arg27 : memref<!tpu.dma_semaphore, #tpu.memory_space<semaphore_mem>>)
    %add3A_8 = arith.constant 80 : i32
    %add3A_9 = arith.addi %mul3A_2, %add3A_8 : i32
    %dma_start3A_10 = tpu.memref_slice %arg4[%add3A_9] : memref<320000xi32, #tpu.memory_space<hbm>> -> memref<80xi32, #tpu.memory_space<hbm>>
    %dma_start3A_11 = tpu.memref_slice %arg4[%add3A_9] : memref<320000xi32, #tpu.memory_space<hbm>> -> memref<80xi32, #tpu.memory_space<hbm>>
    tpu.enqueue_dma source(%dma_start3A_11 : memref<80xi32, #tpu.memory_space<hbm>>) target(%arg8 : memref<80xi32, #tpu.memory_space<vmem>>) target_semaphore(%arg28 : memref<!tpu.dma_semaphore, #tpu.memory_space<semaphore_mem>>)
    %dma_start3A_12 = tpu.memref_slice %arg5[%add3A_9] : memref<320000xi32, #tpu.memory_space<hbm>> -> memref<80xi32, #tpu.memory_space<hbm>>
    %dma_start3A_13 = tpu.memref_slice %arg5[%add3A_9] : memref<320000xi32, #tpu.memory_space<hbm>> -> memref<80xi32, #tpu.memory_space<hbm>>
    tpu.enqueue_dma source(%dma_start3A_13 : memref<80xi32, #tpu.memory_space<hbm>>) target(%arg12 : memref<80xi32, #tpu.memory_space<vmem>>) target_semaphore(%arg28 : memref<!tpu.dma_semaphore, #tpu.memory_space<semaphore_mem>>)
    %add3A_14 = arith.constant 160 : i32
    %add3A_15 = arith.addi %mul3A_2, %add3A_14 : i32
    %dma_start3A_16 = tpu.memref_slice %arg4[%add3A_15] : memref<320000xi32, #tpu.memory_space<hbm>> -> memref<80xi32, #tpu.memory_space<hbm>>
    %dma_start3A_17 = tpu.memref_slice %arg4[%add3A_15] : memref<320000xi32, #tpu.memory_space<hbm>> -> memref<80xi32, #tpu.memory_space<hbm>>
    tpu.enqueue_dma source(%dma_start3A_17 : memref<80xi32, #tpu.memory_space<hbm>>) target(%arg9 : memref<80xi32, #tpu.memory_space<vmem>>) target_semaphore(%arg29 : memref<!tpu.dma_semaphore, #tpu.memory_space<semaphore_mem>>)
    %dma_start3A_18 = tpu.memref_slice %arg5[%add3A_15] : memref<320000xi32, #tpu.memory_space<hbm>> -> memref<80xi32, #tpu.memory_space<hbm>>
    %dma_start3A_19 = tpu.memref_slice %arg5[%add3A_15] : memref<320000xi32, #tpu.memory_space<hbm>> -> memref<80xi32, #tpu.memory_space<hbm>>
    tpu.enqueue_dma source(%dma_start3A_19 : memref<80xi32, #tpu.memory_space<hbm>>) target(%arg13 : memref<80xi32, #tpu.memory_space<vmem>>) target_semaphore(%arg29 : memref<!tpu.dma_semaphore, #tpu.memory_space<semaphore_mem>>)
    %add3A_20 = arith.constant 240 : i32
    %add3A_21 = arith.addi %mul3A_2, %add3A_20 : i32
    %dma_start3A_22 = tpu.memref_slice %arg4[%add3A_21] : memref<320000xi32, #tpu.memory_space<hbm>> -> memref<80xi32, #tpu.memory_space<hbm>>
    %dma_start3A_23 = tpu.memref_slice %arg4[%add3A_21] : memref<320000xi32, #tpu.memory_space<hbm>> -> memref<80xi32, #tpu.memory_space<hbm>>
    tpu.enqueue_dma source(%dma_start3A_23 : memref<80xi32, #tpu.memory_space<hbm>>) target(%arg10 : memref<80xi32, #tpu.memory_space<vmem>>) target_semaphore(%arg30 : memref<!tpu.dma_semaphore, #tpu.memory_space<semaphore_mem>>)
    %dma_start3A_24 = tpu.memref_slice %arg5[%add3A_21] : memref<320000xi32, #tpu.memory_space<hbm>> -> memref<80xi32, #tpu.memory_space<hbm>>
    %dma_start3A_25 = tpu.memref_slice %arg5[%add3A_21] : memref<320000xi32, #tpu.memory_space<hbm>> -> memref<80xi32, #tpu.memory_space<hbm>>
    tpu.enqueue_dma source(%dma_start3A_25 : memref<80xi32, #tpu.memory_space<hbm>>) target(%arg14 : memref<80xi32, #tpu.memory_space<vmem>>) target_semaphore(%arg30 : memref<!tpu.dma_semaphore, #tpu.memory_space<semaphore_mem>>)
    %dma_wait3A = arith.constant 0 : i32
    %dma_wait3A_26 = tpu.memref_slice %arg4[%dma_wait3A] : memref<320000xi32, #tpu.memory_space<hbm>> -> memref<80xi32, #tpu.memory_space<hbm>>
    %dma_wait3A_27 = arith.constant 0 : i32
    %dma_wait3A_28 = tpu.memref_slice %arg4[%dma_wait3A_27] : memref<320000xi32, #tpu.memory_space<hbm>> -> memref<80xi32, #tpu.memory_space<hbm>>
    tpu.wait_dma2 semaphore(%arg27 : memref<!tpu.dma_semaphore, #tpu.memory_space<semaphore_mem>>) src(%dma_wait3A_28 : memref<80xi32, #tpu.memory_space<hbm>>) dst(%arg7 : memref<80xi32, #tpu.memory_space<vmem>>)
    %dma_wait3A_29 = arith.constant 0 : i32
    %dma_wait3A_30 = tpu.memref_slice %arg5[%dma_wait3A_29] : memref<320000xi32, #tpu.memory_space<hbm>> -> memref<80xi32, #tpu.memory_space<hbm>>
    %dma_wait3A_31 = arith.constant 0 : i32
    %dma_wait3A_32 = tpu.memref_slice %arg5[%dma_wait3A_31] : memref<320000xi32, #tpu.memory_space<hbm>> -> memref<80xi32, #tpu.memory_space<hbm>>
    tpu.wait_dma2 semaphore(%arg27 : memref<!tpu.dma_semaphore, #tpu.memory_space<semaphore_mem>>) src(%dma_wait3A_32 : memref<80xi32, #tpu.memory_space<hbm>>) dst(%arg11 : memref<80xi32, #tpu.memory_space<vmem>>)
    %add3A_33 = arith.constant 0 : i32
    %add3A_34 = arith.addi %mul3A_2, %add3A_33 : i32
    %dma_start3A_35 = arith.constant 0 : i32
    %dma_start3A_36 = arith.constant 0 : i32
    %dma_start3A_37 = tpu.memref_slice %arg2[%dma_start3A_35, %dma_start3A_36] : memref<10000x128xf32, #tpu.memory_space<hbm>> -> memref<10000x128xf32, #tpu.memory_space<hbm>>
    tpu.enqueue_indirect_dma source(%dma_start3A_37 : memref<10000x128xf32, #tpu.memory_space<hbm>>) target(%arg15 : memref<80x128xf32, #tpu.memory_space<vmem>>) offsets(%arg7 : memref<80xi32, #tpu.memory_space<vmem>>) semaphore(%arg31 : memref<!tpu.dma_semaphore, #tpu.memory_space<semaphore_mem>>)
    %dma_start3A_38 = arith.constant 0 : i32
    %dma_start3A_39 = arith.constant 0 : i32
    %dma_start3A_40 = tpu.memref_slice %arg2[%dma_start3A_38, %dma_start3A_39] : memref<10000x128xf32, #tpu.memory_space<hbm>> -> memref<10000x128xf32, #tpu.memory_space<hbm>>
    tpu.enqueue_indirect_dma source(%dma_start3A_40 : memref<10000x128xf32, #tpu.memory_space<hbm>>) target(%arg19 : memref<80x128xf32, #tpu.memory_space<vmem>>) offsets(%arg11 : memref<80xi32, #tpu.memory_space<vmem>>) semaphore(%arg31 : memref<!tpu.dma_semaphore, #tpu.memory_space<semaphore_mem>>)
    %dma_start3A_41 = arith.constant 0 : i32
    %dma_start3A_42 = tpu.memref_slice %arg3[%add3A_34, %dma_start3A_41] : memref<320000x16xf32, #tpu.memory_space<hbm>> -> memref<80x16xf32, #tpu.memory_space<hbm>>
    %dma_start3A_43 = arith.constant 0 : i32
    %dma_start3A_44 = tpu.memref_slice %arg3[%add3A_34, %dma_start3A_43] : memref<320000x16xf32, #tpu.memory_space<hbm>> -> memref<80x16xf32, #tpu.memory_space<hbm>>
    tpu.enqueue_dma source(%dma_start3A_44 : memref<80x16xf32, #tpu.memory_space<hbm>>) target(%arg23 : memref<80x16xf32, #tpu.memory_space<vmem>>) target_semaphore(%arg31 : memref<!tpu.dma_semaphore, #tpu.memory_space<semaphore_mem>>)
    %dma_wait3A_45 = arith.constant 0 : i32
    %dma_wait3A_46 = tpu.memref_slice %arg4[%dma_wait3A_45] : memref<320000xi32, #tpu.memory_space<hbm>> -> memref<80xi32, #tpu.memory_space<hbm>>
    %dma_wait3A_47 = arith.constant 0 : i32
    %dma_wait3A_48 = tpu.memref_slice %arg4[%dma_wait3A_47] : memref<320000xi32, #tpu.memory_space<hbm>> -> memref<80xi32, #tpu.memory_space<hbm>>
    tpu.wait_dma2 semaphore(%arg28 : memref<!tpu.dma_semaphore, #tpu.memory_space<semaphore_mem>>) src(%dma_wait3A_48 : memref<80xi32, #tpu.memory_space<hbm>>) dst(%arg8 : memref<80xi32, #tpu.memory_space<vmem>>)
    %dma_wait3A_49 = arith.constant 0 : i32
    %dma_wait3A_50 = tpu.memref_slice %arg5[%dma_wait3A_49] : memref<320000xi32, #tpu.memory_space<hbm>> -> memref<80xi32, #tpu.memory_space<hbm>>
    %dma_wait3A_51 = arith.constant 0 : i32
    %dma_wait3A_52 = tpu.memref_slice %arg5[%dma_wait3A_51] : memref<320000xi32, #tpu.memory_space<hbm>> -> memref<80xi32, #tpu.memory_space<hbm>>
    tpu.wait_dma2 semaphore(%arg28 : memref<!tpu.dma_semaphore, #tpu.memory_space<semaphore_mem>>) src(%dma_wait3A_52 : memref<80xi32, #tpu.memory_space<hbm>>) dst(%arg12 : memref<80xi32, #tpu.memory_space<vmem>>)
    %add3A_53 = arith.constant 80 : i32
    %add3A_54 = arith.addi %mul3A_2, %add3A_53 : i32
    %dma_start3A_55 = arith.constant 0 : i32
    %dma_start3A_56 = arith.constant 0 : i32
    %dma_start3A_57 = tpu.memref_slice %arg2[%dma_start3A_55, %dma_start3A_56] : memref<10000x128xf32, #tpu.memory_space<hbm>> -> memref<10000x128xf32, #tpu.memory_space<hbm>>
    tpu.enqueue_indirect_dma source(%dma_start3A_57 : memref<10000x128xf32, #tpu.memory_space<hbm>>) target(%arg16 : memref<80x128xf32, #tpu.memory_space<vmem>>) offsets(%arg8 : memref<80xi32, #tpu.memory_space<vmem>>) semaphore(%arg32 : memref<!tpu.dma_semaphore, #tpu.memory_space<semaphore_mem>>)
    %dma_start3A_58 = arith.constant 0 : i32
    %dma_start3A_59 = arith.constant 0 : i32
    %dma_start3A_60 = tpu.memref_slice %arg2[%dma_start3A_58, %dma_start3A_59] : memref<10000x128xf32, #tpu.memory_space<hbm>> -> memref<10000x128xf32, #tpu.memory_space<hbm>>
    tpu.enqueue_indirect_dma source(%dma_start3A_60 : memref<10000x128xf32, #tpu.memory_space<hbm>>) target(%arg20 : memref<80x128xf32, #tpu.memory_space<vmem>>) offsets(%arg12 : memref<80xi32, #tpu.memory_space<vmem>>) semaphore(%arg32 : memref<!tpu.dma_semaphore, #tpu.memory_space<semaphore_mem>>)
    %dma_start3A_61 = arith.constant 0 : i32
    %dma_start3A_62 = tpu.memref_slice %arg3[%add3A_54, %dma_start3A_61] : memref<320000x16xf32, #tpu.memory_space<hbm>> -> memref<80x16xf32, #tpu.memory_space<hbm>>
    %dma_start3A_63 = arith.constant 0 : i32
    %dma_start3A_64 = tpu.memref_slice %arg3[%add3A_54, %dma_start3A_63] : memref<320000x16xf32, #tpu.memory_space<hbm>> -> memref<80x16xf32, #tpu.memory_space<hbm>>
    tpu.enqueue_dma source(%dma_start3A_64 : memref<80x16xf32, #tpu.memory_space<hbm>>) target(%arg24 : memref<80x16xf32, #tpu.memory_space<vmem>>) target_semaphore(%arg32 : memref<!tpu.dma_semaphore, #tpu.memory_space<semaphore_mem>>)
    %dma_wait3A_65 = arith.constant 0 : i32
    %dma_wait3A_66 = arith.constant 0 : i32
    %dma_wait3A_67 = tpu.memref_slice %arg2[%dma_wait3A_65, %dma_wait3A_66] : memref<10000x128xf32, #tpu.memory_space<hbm>> -> memref<80x128xf32, #tpu.memory_space<hbm>>
    %dma_wait3A_68 = arith.constant 0 : i32
    %dma_wait3A_69 = arith.constant 0 : i32
    %dma_wait3A_70 = tpu.memref_slice %arg2[%dma_wait3A_68, %dma_wait3A_69] : memref<10000x128xf32, #tpu.memory_space<hbm>> -> memref<80x128xf32, #tpu.memory_space<hbm>>
    tpu.wait_dma2 semaphore(%arg31 : memref<!tpu.dma_semaphore, #tpu.memory_space<semaphore_mem>>) src(%dma_wait3A_70 : memref<80x128xf32, #tpu.memory_space<hbm>>) dst(%arg15 : memref<80x128xf32, #tpu.memory_space<vmem>>)
    %dma_wait3A_71 = arith.constant 0 : i32
    %dma_wait3A_72 = arith.constant 0 : i32
    %dma_wait3A_73 = tpu.memref_slice %arg2[%dma_wait3A_71, %dma_wait3A_72] : memref<10000x128xf32, #tpu.memory_space<hbm>> -> memref<80x128xf32, #tpu.memory_space<hbm>>
    %dma_wait3A_74 = arith.constant 0 : i32
    %dma_wait3A_75 = arith.constant 0 : i32
    %dma_wait3A_76 = tpu.memref_slice %arg2[%dma_wait3A_74, %dma_wait3A_75] : memref<10000x128xf32, #tpu.memory_space<hbm>> -> memref<80x128xf32, #tpu.memory_space<hbm>>
    tpu.wait_dma2 semaphore(%arg31 : memref<!tpu.dma_semaphore, #tpu.memory_space<semaphore_mem>>) src(%dma_wait3A_76 : memref<80x128xf32, #tpu.memory_space<hbm>>) dst(%arg19 : memref<80x128xf32, #tpu.memory_space<vmem>>)
    %dma_wait3A_77 = arith.constant 0 : i32
    %dma_wait3A_78 = arith.constant 0 : i32
    %dma_wait3A_79 = tpu.memref_slice %arg3[%dma_wait3A_77, %dma_wait3A_78] : memref<320000x16xf32, #tpu.memory_space<hbm>> -> memref<80x16xf32, #tpu.memory_space<hbm>>
    %dma_wait3A_80 = arith.constant 0 : i32
    %dma_wait3A_81 = arith.constant 0 : i32
    %dma_wait3A_82 = tpu.memref_slice %arg3[%dma_wait3A_80, %dma_wait3A_81] : memref<320000x16xf32, #tpu.memory_space<hbm>> -> memref<80x16xf32, #tpu.memory_space<hbm>>
    tpu.wait_dma2 semaphore(%arg31 : memref<!tpu.dma_semaphore, #tpu.memory_space<semaphore_mem>>) src(%dma_wait3A_82 : memref<80x16xf32, #tpu.memory_space<hbm>>) dst(%arg23 : memref<80x16xf32, #tpu.memory_space<vmem>>)
    %add3A_83 = arith.constant 320 : i32
    %add3A_84 = arith.addi %mul3A_2, %add3A_83 : i32
    %dma_start3A_85 = tpu.memref_slice %arg4[%add3A_84] : memref<320000xi32, #tpu.memory_space<hbm>> -> memref<80xi32, #tpu.memory_space<hbm>>
    %dma_start3A_86 = tpu.memref_slice %arg4[%add3A_84] : memref<320000xi32, #tpu.memory_space<hbm>> -> memref<80xi32, #tpu.memory_space<hbm>>
    tpu.enqueue_dma source(%dma_start3A_86 : memref<80xi32, #tpu.memory_space<hbm>>) target(%arg7 : memref<80xi32, #tpu.memory_space<vmem>>) target_semaphore(%arg27 : memref<!tpu.dma_semaphore, #tpu.memory_space<semaphore_mem>>)
    %dma_start3A_87 = tpu.memref_slice %arg5[%add3A_84] : memref<320000xi32, #tpu.memory_space<hbm>> -> memref<80xi32, #tpu.memory_space<hbm>>
    %dma_start3A_88 = tpu.memref_slice %arg5[%add3A_84] : memref<320000xi32, #tpu.memory_space<hbm>> -> memref<80xi32, #tpu.memory_space<hbm>>
    tpu.enqueue_dma source(%dma_start3A_88 : memref<80xi32, #tpu.memory_space<hbm>>) target(%arg11 : memref<80xi32, #tpu.memory_space<vmem>>) target_semaphore(%arg27 : memref<!tpu.dma_semaphore, #tpu.memory_space<semaphore_mem>>)
    %add3A_89 = arith.constant 0 : i32
    %add3A_90 = arith.addi %mul3A_2, %add3A_89 : i32
    %dma_start3A_91 = arith.constant 0 : i32
    %dma_start3A_92 = tpu.memref_slice %arg6[%add3A_90, %dma_start3A_91] : memref<320000x272xf32, #tpu.memory_space<hbm>> -> memref<80x128xf32, #tpu.memory_space<hbm>>
    %dma_start3A_93 = arith.constant 0 : i32
    %dma_start3A_94 = tpu.memref_slice %arg6[%add3A_90, %dma_start3A_93] : memref<320000x272xf32, #tpu.memory_space<hbm>> -> memref<80x128xf32, #tpu.memory_space<hbm>>
    tpu.enqueue_dma source(%arg15 : memref<80x128xf32, #tpu.memory_space<vmem>>) target(%dma_start3A_94 : memref<80x128xf32, #tpu.memory_space<hbm>>) target_semaphore(%arg35 : memref<!tpu.dma_semaphore, #tpu.memory_space<semaphore_mem>>)
    %dma_start3A_95 = arith.constant 128 : i32
    %dma_start3A_96 = tpu.memref_slice %arg6[%add3A_90, %dma_start3A_95] : memref<320000x272xf32, #tpu.memory_space<hbm>> -> memref<80x128xf32, #tpu.memory_space<hbm>>
    %dma_start3A_97 = arith.constant 128 : i32
    %dma_start3A_98 = tpu.memref_slice %arg6[%add3A_90, %dma_start3A_97] : memref<320000x272xf32, #tpu.memory_space<hbm>> -> memref<80x128xf32, #tpu.memory_space<hbm>>
    tpu.enqueue_dma source(%arg19 : memref<80x128xf32, #tpu.memory_space<vmem>>) target(%dma_start3A_98 : memref<80x128xf32, #tpu.memory_space<hbm>>) target_semaphore(%arg35 : memref<!tpu.dma_semaphore, #tpu.memory_space<semaphore_mem>>)
    %dma_start3A_99 = arith.constant 256 : i32
    %dma_start3A_100 = tpu.memref_slice %arg6[%add3A_90, %dma_start3A_99] : memref<320000x272xf32, #tpu.memory_space<hbm>> -> memref<80x16xf32, #tpu.memory_space<hbm>>
    %dma_start3A_101 = arith.constant 256 : i32
    %dma_start3A_102 = tpu.memref_slice %arg6[%add3A_90, %dma_start3A_101] : memref<320000x272xf32, #tpu.memory_space<hbm>> -> memref<80x16xf32, #tpu.memory_space<hbm>>
    tpu.enqueue_dma source(%arg23 : memref<80x16xf32, #tpu.memory_space<vmem>>) target(%dma_start3A_102 : memref<80x16xf32, #tpu.memory_space<hbm>>) target_semaphore(%arg35 : memref<!tpu.dma_semaphore, #tpu.memory_space<semaphore_mem>>)
    %dma_wait3A_103 = arith.constant 0 : i32
    %dma_wait3A_104 = tpu.memref_slice %arg4[%dma_wait3A_103] : memref<320000xi32, #tpu.memory_space<hbm>> -> memref<80xi32, #tpu.memory_space<hbm>>
    %dma_wait3A_105 = arith.constant 0 : i32
    %dma_wait3A_106 = tpu.memref_slice %arg4[%dma_wait3A_105] : memref<320000xi32, #tpu.memory_space<hbm>> -> memref<80xi32, #tpu.memory_space<hbm>>
    tpu.wait_dma2 semaphore(%arg29 : memref<!tpu.dma_semaphore, #tpu.memory_space<semaphore_mem>>) src(%dma_wait3A_106 : memref<80xi32, #tpu.memory_space<hbm>>) dst(%arg9 : memref<80xi32, #tpu.memory_space<vmem>>)
    %dma_wait3A_107 = arith.constant 0 : i32
    %dma_wait3A_108 = tpu.memref_slice %arg5[%dma_wait3A_107] : memref<320000xi32, #tpu.memory_space<hbm>> -> memref<80xi32, #tpu.memory_space<hbm>>
    %dma_wait3A_109 = arith.constant 0 : i32
    %dma_wait3A_110 = tpu.memref_slice %arg5[%dma_wait3A_109] : memref<320000xi32, #tpu.memory_space<hbm>> -> memref<80xi32, #tpu.memory_space<hbm>>
    tpu.wait_dma2 semaphore(%arg29 : memref<!tpu.dma_semaphore, #tpu.memory_space<semaphore_mem>>) src(%dma_wait3A_110 : memref<80xi32, #tpu.memory_space<hbm>>) dst(%arg13 : memref<80xi32, #tpu.memory_space<vmem>>)
    %add3A_111 = arith.constant 160 : i32
    %add3A_112 = arith.addi %mul3A_2, %add3A_111 : i32
    %dma_start3A_113 = arith.constant 0 : i32
    %dma_start3A_114 = arith.constant 0 : i32
    %dma_start3A_115 = tpu.memref_slice %arg2[%dma_start3A_113, %dma_start3A_114] : memref<10000x128xf32, #tpu.memory_space<hbm>> -> memref<10000x128xf32, #tpu.memory_space<hbm>>
    tpu.enqueue_indirect_dma source(%dma_start3A_115 : memref<10000x128xf32, #tpu.memory_space<hbm>>) target(%arg17 : memref<80x128xf32, #tpu.memory_space<vmem>>) offsets(%arg9 : memref<80xi32, #tpu.memory_space<vmem>>) semaphore(%arg33 : memref<!tpu.dma_semaphore, #tpu.memory_space<semaphore_mem>>)
    %dma_start3A_116 = arith.constant 0 : i32
    %dma_start3A_117 = arith.constant 0 : i32
    %dma_start3A_118 = tpu.memref_slice %arg2[%dma_start3A_116, %dma_start3A_117] : memref<10000x128xf32, #tpu.memory_space<hbm>> -> memref<10000x128xf32, #tpu.memory_space<hbm>>
    tpu.enqueue_indirect_dma source(%dma_start3A_118 : memref<10000x128xf32, #tpu.memory_space<hbm>>) target(%arg21 : memref<80x128xf32, #tpu.memory_space<vmem>>) offsets(%arg13 : memref<80xi32, #tpu.memory_space<vmem>>) semaphore(%arg33 : memref<!tpu.dma_semaphore, #tpu.memory_space<semaphore_mem>>)
    %dma_start3A_119 = arith.constant 0 : i32
    %dma_start3A_120 = tpu.memref_slice %arg3[%add3A_112, %dma_start3A_119] : memref<320000x16xf32, #tpu.memory_space<hbm>> -> memref<80x16xf32, #tpu.memory_space<hbm>>
    %dma_start3A_121 = arith.constant 0 : i32
    %dma_start3A_122 = tpu.memref_slice %arg3[%add3A_112, %dma_start3A_121] : memref<320000x16xf32, #tpu.memory_space<hbm>> -> memref<80x16xf32, #tpu.memory_space<hbm>>
    tpu.enqueue_dma source(%dma_start3A_122 : memref<80x16xf32, #tpu.memory_space<hbm>>) target(%arg25 : memref<80x16xf32, #tpu.memory_space<vmem>>) target_semaphore(%arg33 : memref<!tpu.dma_semaphore, #tpu.memory_space<semaphore_mem>>)
    %dma_wait3A_123 = arith.constant 0 : i32
    %dma_wait3A_124 = arith.constant 0 : i32
    %dma_wait3A_125 = tpu.memref_slice %arg2[%dma_wait3A_123, %dma_wait3A_124] : memref<10000x128xf32, #tpu.memory_space<hbm>> -> memref<80x128xf32, #tpu.memory_space<hbm>>
    %dma_wait3A_126 = arith.constant 0 : i32
    %dma_wait3A_127 = arith.constant 0 : i32
    %dma_wait3A_128 = tpu.memref_slice %arg2[%dma_wait3A_126, %dma_wait3A_127] : memref<10000x128xf32, #tpu.memory_space<hbm>> -> memref<80x128xf32, #tpu.memory_space<hbm>>
    tpu.wait_dma2 semaphore(%arg32 : memref<!tpu.dma_semaphore, #tpu.memory_space<semaphore_mem>>) src(%dma_wait3A_128 : memref<80x128xf32, #tpu.memory_space<hbm>>) dst(%arg16 : memref<80x128xf32, #tpu.memory_space<vmem>>)
    %dma_wait3A_129 = arith.constant 0 : i32
    %dma_wait3A_130 = arith.constant 0 : i32
    %dma_wait3A_131 = tpu.memref_slice %arg2[%dma_wait3A_129, %dma_wait3A_130] : memref<10000x128xf32, #tpu.memory_space<hbm>> -> memref<80x128xf32, #tpu.memory_space<hbm>>
    %dma_wait3A_132 = arith.constant 0 : i32
    %dma_wait3A_133 = arith.constant 0 : i32
    %dma_wait3A_134 = tpu.memref_slice %arg2[%dma_wait3A_132, %dma_wait3A_133] : memref<10000x128xf32, #tpu.memory_space<hbm>> -> memref<80x128xf32, #tpu.memory_space<hbm>>
    tpu.wait_dma2 semaphore(%arg32 : memref<!tpu.dma_semaphore, #tpu.memory_space<semaphore_mem>>) src(%dma_wait3A_134 : memref<80x128xf32, #tpu.memory_space<hbm>>) dst(%arg20 : memref<80x128xf32, #tpu.memory_space<vmem>>)
    %dma_wait3A_135 = arith.constant 0 : i32
    %dma_wait3A_136 = arith.constant 0 : i32
    %dma_wait3A_137 = tpu.memref_slice %arg3[%dma_wait3A_135, %dma_wait3A_136] : memref<320000x16xf32, #tpu.memory_space<hbm>> -> memref<80x16xf32, #tpu.memory_space<hbm>>
    %dma_wait3A_138 = arith.constant 0 : i32
    %dma_wait3A_139 = arith.constant 0 : i32
    %dma_wait3A_140 = tpu.memref_slice %arg3[%dma_wait3A_138, %dma_wait3A_139] : memref<320000x16xf32, #tpu.memory_space<hbm>> -> memref<80x16xf32, #tpu.memory_space<hbm>>
    tpu.wait_dma2 semaphore(%arg32 : memref<!tpu.dma_semaphore, #tpu.memory_space<semaphore_mem>>) src(%dma_wait3A_140 : memref<80x16xf32, #tpu.memory_space<hbm>>) dst(%arg24 : memref<80x16xf32, #tpu.memory_space<vmem>>)
    %add3A_141 = arith.constant 400 : i32
    %add3A_142 = arith.addi %mul3A_2, %add3A_141 : i32
    %dma_start3A_143 = tpu.memref_slice %arg4[%add3A_142] : memref<320000xi32, #tpu.memory_space<hbm>> -> memref<80xi32, #tpu.memory_space<hbm>>
    %dma_start3A_144 = tpu.memref_slice %arg4[%add3A_142] : memref<320000xi32, #tpu.memory_space<hbm>> -> memref<80xi32, #tpu.memory_space<hbm>>
    tpu.enqueue_dma source(%dma_start3A_144 : memref<80xi32, #tpu.memory_space<hbm>>) target(%arg8 : memref<80xi32, #tpu.memory_space<vmem>>) target_semaphore(%arg28 : memref<!tpu.dma_semaphore, #tpu.memory_space<semaphore_mem>>)
    %dma_start3A_145 = tpu.memref_slice %arg5[%add3A_142] : memref<320000xi32, #tpu.memory_space<hbm>> -> memref<80xi32, #tpu.memory_space<hbm>>
    %dma_start3A_146 = tpu.memref_slice %arg5[%add3A_142] : memref<320000xi32, #tpu.memory_space<hbm>> -> memref<80xi32, #tpu.memory_space<hbm>>
    tpu.enqueue_dma source(%dma_start3A_146 : memref<80xi32, #tpu.memory_space<hbm>>) target(%arg12 : memref<80xi32, #tpu.memory_space<vmem>>) target_semaphore(%arg28 : memref<!tpu.dma_semaphore, #tpu.memory_space<semaphore_mem>>)
    %add3A_147 = arith.constant 80 : i32
    %add3A_148 = arith.addi %mul3A_2, %add3A_147 : i32
    %dma_start3A_149 = arith.constant 0 : i32
    %dma_start3A_150 = tpu.memref_slice %arg6[%add3A_148, %dma_start3A_149] : memref<320000x272xf32, #tpu.memory_space<hbm>> -> memref<80x128xf32, #tpu.memory_space<hbm>>
    %dma_start3A_151 = arith.constant 0 : i32
    %dma_start3A_152 = tpu.memref_slice %arg6[%add3A_148, %dma_start3A_151] : memref<320000x272xf32, #tpu.memory_space<hbm>> -> memref<80x128xf32, #tpu.memory_space<hbm>>
    tpu.enqueue_dma source(%arg16 : memref<80x128xf32, #tpu.memory_space<vmem>>) target(%dma_start3A_152 : memref<80x128xf32, #tpu.memory_space<hbm>>) target_semaphore(%arg36 : memref<!tpu.dma_semaphore, #tpu.memory_space<semaphore_mem>>)
    %dma_start3A_153 = arith.constant 128 : i32
    %dma_start3A_154 = tpu.memref_slice %arg6[%add3A_148, %dma_start3A_153] : memref<320000x272xf32, #tpu.memory_space<hbm>> -> memref<80x128xf32, #tpu.memory_space<hbm>>
    %dma_start3A_155 = arith.constant 128 : i32
    %dma_start3A_156 = tpu.memref_slice %arg6[%add3A_148, %dma_start3A_155] : memref<320000x272xf32, #tpu.memory_space<hbm>> -> memref<80x128xf32, #tpu.memory_space<hbm>>
    tpu.enqueue_dma source(%arg20 : memref<80x128xf32, #tpu.memory_space<vmem>>) target(%dma_start3A_156 : memref<80x128xf32, #tpu.memory_space<hbm>>) target_semaphore(%arg36 : memref<!tpu.dma_semaphore, #tpu.memory_space<semaphore_mem>>)
    %dma_start3A_157 = arith.constant 256 : i32
    %dma_start3A_158 = tpu.memref_slice %arg6[%add3A_148, %dma_start3A_157] : memref<320000x272xf32, #tpu.memory_space<hbm>> -> memref<80x16xf32, #tpu.memory_space<hbm>>
    %dma_start3A_159 = arith.constant 256 : i32
    %dma_start3A_160 = tpu.memref_slice %arg6[%add3A_148, %dma_start3A_159] : memref<320000x272xf32, #tpu.memory_space<hbm>> -> memref<80x16xf32, #tpu.memory_space<hbm>>
    tpu.enqueue_dma source(%arg24 : memref<80x16xf32, #tpu.memory_space<vmem>>) target(%dma_start3A_160 : memref<80x16xf32, #tpu.memory_space<hbm>>) target_semaphore(%arg36 : memref<!tpu.dma_semaphore, #tpu.memory_space<semaphore_mem>>)
    %dma_wait3A_161 = arith.constant 0 : i32
    %dma_wait3A_162 = tpu.memref_slice %arg4[%dma_wait3A_161] : memref<320000xi32, #tpu.memory_space<hbm>> -> memref<80xi32, #tpu.memory_space<hbm>>
    %dma_wait3A_163 = arith.constant 0 : i32
    %dma_wait3A_164 = tpu.memref_slice %arg4[%dma_wait3A_163] : memref<320000xi32, #tpu.memory_space<hbm>> -> memref<80xi32, #tpu.memory_space<hbm>>
    tpu.wait_dma2 semaphore(%arg30 : memref<!tpu.dma_semaphore, #tpu.memory_space<semaphore_mem>>) src(%dma_wait3A_164 : memref<80xi32, #tpu.memory_space<hbm>>) dst(%arg10 : memref<80xi32, #tpu.memory_space<vmem>>)
    %dma_wait3A_165 = arith.constant 0 : i32
    %dma_wait3A_166 = tpu.memref_slice %arg5[%dma_wait3A_165] : memref<320000xi32, #tpu.memory_space<hbm>> -> memref<80xi32, #tpu.memory_space<hbm>>
    %dma_wait3A_167 = arith.constant 0 : i32
    %dma_wait3A_168 = tpu.memref_slice %arg5[%dma_wait3A_167] : memref<320000xi32, #tpu.memory_space<hbm>> -> memref<80xi32, #tpu.memory_space<hbm>>
    tpu.wait_dma2 semaphore(%arg30 : memref<!tpu.dma_semaphore, #tpu.memory_space<semaphore_mem>>) src(%dma_wait3A_168 : memref<80xi32, #tpu.memory_space<hbm>>) dst(%arg14 : memref<80xi32, #tpu.memory_space<vmem>>)
    %add3A_169 = arith.constant 240 : i32
    %add3A_170 = arith.addi %mul3A_2, %add3A_169 : i32
    %dma_start3A_171 = arith.constant 0 : i32
    %dma_start3A_172 = arith.constant 0 : i32
    %dma_start3A_173 = tpu.memref_slice %arg2[%dma_start3A_171, %dma_start3A_172] : memref<10000x128xf32, #tpu.memory_space<hbm>> -> memref<10000x128xf32, #tpu.memory_space<hbm>>
    tpu.enqueue_indirect_dma source(%dma_start3A_173 : memref<10000x128xf32, #tpu.memory_space<hbm>>) target(%arg18 : memref<80x128xf32, #tpu.memory_space<vmem>>) offsets(%arg10 : memref<80xi32, #tpu.memory_space<vmem>>) semaphore(%arg34 : memref<!tpu.dma_semaphore, #tpu.memory_space<semaphore_mem>>)
    %dma_start3A_174 = arith.constant 0 : i32
    %dma_start3A_175 = arith.constant 0 : i32
    %dma_start3A_176 = tpu.memref_slice %arg2[%dma_start3A_174, %dma_start3A_175] : memref<10000x128xf32, #tpu.memory_space<hbm>> -> memref<10000x128xf32, #tpu.memory_space<hbm>>
    tpu.enqueue_indirect_dma source(%dma_start3A_176 : memref<10000x128xf32, #tpu.memory_space<hbm>>) target(%arg22 : memref<80x128xf32, #tpu.memory_space<vmem>>) offsets(%arg14 : memref<80xi32, #tpu.memory_space<vmem>>) semaphore(%arg34 : memref<!tpu.dma_semaphore, #tpu.memory_space<semaphore_mem>>)
    %dma_start3A_177 = arith.constant 0 : i32
    %dma_start3A_178 = tpu.memref_slice %arg3[%add3A_170, %dma_start3A_177] : memref<320000x16xf32, #tpu.memory_space<hbm>> -> memref<80x16xf32, #tpu.memory_space<hbm>>
    %dma_start3A_179 = arith.constant 0 : i32
    %dma_start3A_180 = tpu.memref_slice %arg3[%add3A_170, %dma_start3A_179] : memref<320000x16xf32, #tpu.memory_space<hbm>> -> memref<80x16xf32, #tpu.memory_space<hbm>>
    tpu.enqueue_dma source(%dma_start3A_180 : memref<80x16xf32, #tpu.memory_space<hbm>>) target(%arg26 : memref<80x16xf32, #tpu.memory_space<vmem>>) target_semaphore(%arg34 : memref<!tpu.dma_semaphore, #tpu.memory_space<semaphore_mem>>)
    %dma_wait3A_181 = arith.constant 0 : i32
    %dma_wait3A_182 = arith.constant 0 : i32
    %dma_wait3A_183 = tpu.memref_slice %arg2[%dma_wait3A_181, %dma_wait3A_182] : memref<10000x128xf32, #tpu.memory_space<hbm>> -> memref<80x128xf32, #tpu.memory_space<hbm>>
    %dma_wait3A_184 = arith.constant 0 : i32
    %dma_wait3A_185 = arith.constant 0 : i32
    %dma_wait3A_186 = tpu.memref_slice %arg2[%dma_wait3A_184, %dma_wait3A_185] : memref<10000x128xf32, #tpu.memory_space<hbm>> -> memref<80x128xf32, #tpu.memory_space<hbm>>
    tpu.wait_dma2 semaphore(%arg33 : memref<!tpu.dma_semaphore, #tpu.memory_space<semaphore_mem>>) src(%dma_wait3A_186 : memref<80x128xf32, #tpu.memory_space<hbm>>) dst(%arg17 : memref<80x128xf32, #tpu.memory_space<vmem>>)
    %dma_wait3A_187 = arith.constant 0 : i32
    %dma_wait3A_188 = arith.constant 0 : i32
    %dma_wait3A_189 = tpu.memref_slice %arg2[%dma_wait3A_187, %dma_wait3A_188] : memref<10000x128xf32, #tpu.memory_space<hbm>> -> memref<80x128xf32, #tpu.memory_space<hbm>>
    %dma_wait3A_190 = arith.constant 0 : i32
    %dma_wait3A_191 = arith.constant 0 : i32
    %dma_wait3A_192 = tpu.memref_slice %arg2[%dma_wait3A_190, %dma_wait3A_191] : memref<10000x128xf32, #tpu.memory_space<hbm>> -> memref<80x128xf32, #tpu.memory_space<hbm>>
    tpu.wait_dma2 semaphore(%arg33 : memref<!tpu.dma_semaphore, #tpu.memory_space<semaphore_mem>>) src(%dma_wait3A_192 : memref<80x128xf32, #tpu.memory_space<hbm>>) dst(%arg21 : memref<80x128xf32, #tpu.memory_space<vmem>>)
    %dma_wait3A_193 = arith.constant 0 : i32
    %dma_wait3A_194 = arith.constant 0 : i32
    %dma_wait3A_195 = tpu.memref_slice %arg3[%dma_wait3A_193, %dma_wait3A_194] : memref<320000x16xf32, #tpu.memory_space<hbm>> -> memref<80x16xf32, #tpu.memory_space<hbm>>
    %dma_wait3A_196 = arith.constant 0 : i32
    %dma_wait3A_197 = arith.constant 0 : i32
    %dma_wait3A_198 = tpu.memref_slice %arg3[%dma_wait3A_196, %dma_wait3A_197] : memref<320000x16xf32, #tpu.memory_space<hbm>> -> memref<80x16xf32, #tpu.memory_space<hbm>>
    tpu.wait_dma2 semaphore(%arg33 : memref<!tpu.dma_semaphore, #tpu.memory_space<semaphore_mem>>) src(%dma_wait3A_198 : memref<80x16xf32, #tpu.memory_space<hbm>>) dst(%arg25 : memref<80x16xf32, #tpu.memory_space<vmem>>)
    %add3A_199 = arith.constant 480 : i32
    %add3A_200 = arith.addi %mul3A_2, %add3A_199 : i32
    %dma_start3A_201 = tpu.memref_slice %arg4[%add3A_200] : memref<320000xi32, #tpu.memory_space<hbm>> -> memref<80xi32, #tpu.memory_space<hbm>>
    %dma_start3A_202 = tpu.memref_slice %arg4[%add3A_200] : memref<320000xi32, #tpu.memory_space<hbm>> -> memref<80xi32, #tpu.memory_space<hbm>>
    tpu.enqueue_dma source(%dma_start3A_202 : memref<80xi32, #tpu.memory_space<hbm>>) target(%arg9 : memref<80xi32, #tpu.memory_space<vmem>>) target_semaphore(%arg29 : memref<!tpu.dma_semaphore, #tpu.memory_space<semaphore_mem>>)
    %dma_start3A_203 = tpu.memref_slice %arg5[%add3A_200] : memref<320000xi32, #tpu.memory_space<hbm>> -> memref<80xi32, #tpu.memory_space<hbm>>
    %dma_start3A_204 = tpu.memref_slice %arg5[%add3A_200] : memref<320000xi32, #tpu.memory_space<hbm>> -> memref<80xi32, #tpu.memory_space<hbm>>
    tpu.enqueue_dma source(%dma_start3A_204 : memref<80xi32, #tpu.memory_space<hbm>>) target(%arg13 : memref<80xi32, #tpu.memory_space<vmem>>) target_semaphore(%arg29 : memref<!tpu.dma_semaphore, #tpu.memory_space<semaphore_mem>>)
    %add3A_205 = arith.constant 160 : i32
    %add3A_206 = arith.addi %mul3A_2, %add3A_205 : i32
    %dma_start3A_207 = arith.constant 0 : i32
    %dma_start3A_208 = tpu.memref_slice %arg6[%add3A_206, %dma_start3A_207] : memref<320000x272xf32, #tpu.memory_space<hbm>> -> memref<80x128xf32, #tpu.memory_space<hbm>>
    %dma_start3A_209 = arith.constant 0 : i32
    %dma_start3A_210 = tpu.memref_slice %arg6[%add3A_206, %dma_start3A_209] : memref<320000x272xf32, #tpu.memory_space<hbm>> -> memref<80x128xf32, #tpu.memory_space<hbm>>
    tpu.enqueue_dma source(%arg17 : memref<80x128xf32, #tpu.memory_space<vmem>>) target(%dma_start3A_210 : memref<80x128xf32, #tpu.memory_space<hbm>>) target_semaphore(%arg37 : memref<!tpu.dma_semaphore, #tpu.memory_space<semaphore_mem>>)
    %dma_start3A_211 = arith.constant 128 : i32
    %dma_start3A_212 = tpu.memref_slice %arg6[%add3A_206, %dma_start3A_211] : memref<320000x272xf32, #tpu.memory_space<hbm>> -> memref<80x128xf32, #tpu.memory_space<hbm>>
    %dma_start3A_213 = arith.constant 128 : i32
    %dma_start3A_214 = tpu.memref_slice %arg6[%add3A_206, %dma_start3A_213] : memref<320000x272xf32, #tpu.memory_space<hbm>> -> memref<80x128xf32, #tpu.memory_space<hbm>>
    tpu.enqueue_dma source(%arg21 : memref<80x128xf32, #tpu.memory_space<vmem>>) target(%dma_start3A_214 : memref<80x128xf32, #tpu.memory_space<hbm>>) target_semaphore(%arg37 : memref<!tpu.dma_semaphore, #tpu.memory_space<semaphore_mem>>)
    %dma_start3A_215 = arith.constant 256 : i32
    %dma_start3A_216 = tpu.memref_slice %arg6[%add3A_206, %dma_start3A_215] : memref<320000x272xf32, #tpu.memory_space<hbm>> -> memref<80x16xf32, #tpu.memory_space<hbm>>
    %dma_start3A_217 = arith.constant 256 : i32
    %dma_start3A_218 = tpu.memref_slice %arg6[%add3A_206, %dma_start3A_217] : memref<320000x272xf32, #tpu.memory_space<hbm>> -> memref<80x16xf32, #tpu.memory_space<hbm>>
    tpu.enqueue_dma source(%arg25 : memref<80x16xf32, #tpu.memory_space<vmem>>) target(%dma_start3A_218 : memref<80x16xf32, #tpu.memory_space<hbm>>) target_semaphore(%arg37 : memref<!tpu.dma_semaphore, #tpu.memory_space<semaphore_mem>>)
    %dma_wait3A_219 = arith.constant 0 : i32
    %dma_wait3A_220 = tpu.memref_slice %arg6[%mul3A_2, %dma_wait3A_219] : memref<320000x272xf32, #tpu.memory_space<hbm>> -> memref<80x128xf32, #tpu.memory_space<hbm>>
    %dma_wait3A_221 = arith.constant 0 : i32
    %dma_wait3A_222 = tpu.memref_slice %arg6[%mul3A_2, %dma_wait3A_221] : memref<320000x272xf32, #tpu.memory_space<hbm>> -> memref<80x128xf32, #tpu.memory_space<hbm>>
    tpu.wait_dma2 semaphore(%arg35 : memref<!tpu.dma_semaphore, #tpu.memory_space<semaphore_mem>>) src(%arg15 : memref<80x128xf32, #tpu.memory_space<vmem>>) dst(%dma_wait3A_222 : memref<80x128xf32, #tpu.memory_space<hbm>>)
    %dma_wait3A_223 = arith.constant 128 : i32
    %dma_wait3A_224 = tpu.memref_slice %arg6[%mul3A_2, %dma_wait3A_223] : memref<320000x272xf32, #tpu.memory_space<hbm>> -> memref<80x128xf32, #tpu.memory_space<hbm>>
    %dma_wait3A_225 = arith.constant 128 : i32
    %dma_wait3A_226 = tpu.memref_slice %arg6[%mul3A_2, %dma_wait3A_225] : memref<320000x272xf32, #tpu.memory_space<hbm>> -> memref<80x128xf32, #tpu.memory_space<hbm>>
    tpu.wait_dma2 semaphore(%arg35 : memref<!tpu.dma_semaphore, #tpu.memory_space<semaphore_mem>>) src(%arg19 : memref<80x128xf32, #tpu.memory_space<vmem>>) dst(%dma_wait3A_226 : memref<80x128xf32, #tpu.memory_space<hbm>>)
    %dma_wait3A_227 = arith.constant 256 : i32
    %dma_wait3A_228 = tpu.memref_slice %arg6[%mul3A_2, %dma_wait3A_227] : memref<320000x272xf32, #tpu.memory_space<hbm>> -> memref<80x16xf32, #tpu.memory_space<hbm>>
    %dma_wait3A_229 = arith.constant 256 : i32
    %dma_wait3A_230 = tpu.memref_slice %arg6[%mul3A_2, %dma_wait3A_229] : memref<320000x272xf32, #tpu.memory_space<hbm>> -> memref<80x16xf32, #tpu.memory_space<hbm>>
    tpu.wait_dma2 semaphore(%arg35 : memref<!tpu.dma_semaphore, #tpu.memory_space<semaphore_mem>>) src(%arg23 : memref<80x16xf32, #tpu.memory_space<vmem>>) dst(%dma_wait3A_230 : memref<80x16xf32, #tpu.memory_space<hbm>>)
    %dma_wait3A_231 = arith.constant 0 : i32
    %dma_wait3A_232 = tpu.memref_slice %arg4[%dma_wait3A_231] : memref<320000xi32, #tpu.memory_space<hbm>> -> memref<80xi32, #tpu.memory_space<hbm>>
    %dma_wait3A_233 = arith.constant 0 : i32
    %dma_wait3A_234 = tpu.memref_slice %arg4[%dma_wait3A_233] : memref<320000xi32, #tpu.memory_space<hbm>> -> memref<80xi32, #tpu.memory_space<hbm>>
    tpu.wait_dma2 semaphore(%arg27 : memref<!tpu.dma_semaphore, #tpu.memory_space<semaphore_mem>>) src(%dma_wait3A_234 : memref<80xi32, #tpu.memory_space<hbm>>) dst(%arg7 : memref<80xi32, #tpu.memory_space<vmem>>)
    %dma_wait3A_235 = arith.constant 0 : i32
    %dma_wait3A_236 = tpu.memref_slice %arg5[%dma_wait3A_235] : memref<320000xi32, #tpu.memory_space<hbm>> -> memref<80xi32, #tpu.memory_space<hbm>>
    %dma_wait3A_237 = arith.constant 0 : i32
    %dma_wait3A_238 = tpu.memref_slice %arg5[%dma_wait3A_237] : memref<320000xi32, #tpu.memory_space<hbm>> -> memref<80xi32, #tpu.memory_space<hbm>>
    tpu.wait_dma2 semaphore(%arg27 : memref<!tpu.dma_semaphore, #tpu.memory_space<semaphore_mem>>) src(%dma_wait3A_238 : memref<80xi32, #tpu.memory_space<hbm>>) dst(%arg11 : memref<80xi32, #tpu.memory_space<vmem>>)
    %add3A_239 = arith.constant 320 : i32
    %add3A_240 = arith.addi %mul3A_2, %add3A_239 : i32
    %dma_start3A_241 = arith.constant 0 : i32
    %dma_start3A_242 = arith.constant 0 : i32
    %dma_start3A_243 = tpu.memref_slice %arg2[%dma_start3A_241, %dma_start3A_242] : memref<10000x128xf32, #tpu.memory_space<hbm>> -> memref<10000x128xf32, #tpu.memory_space<hbm>>
    tpu.enqueue_indirect_dma source(%dma_start3A_243 : memref<10000x128xf32, #tpu.memory_space<hbm>>) target(%arg15 : memref<80x128xf32, #tpu.memory_space<vmem>>) offsets(%arg7 : memref<80xi32, #tpu.memory_space<vmem>>) semaphore(%arg31 : memref<!tpu.dma_semaphore, #tpu.memory_space<semaphore_mem>>)
    %dma_start3A_244 = arith.constant 0 : i32
    %dma_start3A_245 = arith.constant 0 : i32
    %dma_start3A_246 = tpu.memref_slice %arg2[%dma_start3A_244, %dma_start3A_245] : memref<10000x128xf32, #tpu.memory_space<hbm>> -> memref<10000x128xf32, #tpu.memory_space<hbm>>
    tpu.enqueue_indirect_dma source(%dma_start3A_246 : memref<10000x128xf32, #tpu.memory_space<hbm>>) target(%arg19 : memref<80x128xf32, #tpu.memory_space<vmem>>) offsets(%arg11 : memref<80xi32, #tpu.memory_space<vmem>>) semaphore(%arg31 : memref<!tpu.dma_semaphore, #tpu.memory_space<semaphore_mem>>)
    %dma_start3A_247 = arith.constant 0 : i32
    %dma_start3A_248 = tpu.memref_slice %arg3[%add3A_240, %dma_start3A_247] : memref<320000x16xf32, #tpu.memory_space<hbm>> -> memref<80x16xf32, #tpu.memory_space<hbm>>
    %dma_start3A_249 = arith.constant 0 : i32
    %dma_start3A_250 = tpu.memref_slice %arg3[%add3A_240, %dma_start3A_249] : memref<320000x16xf32, #tpu.memory_space<hbm>> -> memref<80x16xf32, #tpu.memory_space<hbm>>
    tpu.enqueue_dma source(%dma_start3A_250 : memref<80x16xf32, #tpu.memory_space<hbm>>) target(%arg23 : memref<80x16xf32, #tpu.memory_space<vmem>>) target_semaphore(%arg31 : memref<!tpu.dma_semaphore, #tpu.memory_space<semaphore_mem>>)
    %dma_wait3A_251 = arith.constant 0 : i32
    %dma_wait3A_252 = arith.constant 0 : i32
    %dma_wait3A_253 = tpu.memref_slice %arg2[%dma_wait3A_251, %dma_wait3A_252] : memref<10000x128xf32, #tpu.memory_space<hbm>> -> memref<80x128xf32, #tpu.memory_space<hbm>>
    %dma_wait3A_254 = arith.constant 0 : i32
    %dma_wait3A_255 = arith.constant 0 : i32
    %dma_wait3A_256 = tpu.memref_slice %arg2[%dma_wait3A_254, %dma_wait3A_255] : memref<10000x128xf32, #tpu.memory_space<hbm>> -> memref<80x128xf32, #tpu.memory_space<hbm>>
    tpu.wait_dma2 semaphore(%arg34 : memref<!tpu.dma_semaphore, #tpu.memory_space<semaphore_mem>>) src(%dma_wait3A_256 : memref<80x128xf32, #tpu.memory_space<hbm>>) dst(%arg18 : memref<80x128xf32, #tpu.memory_space<vmem>>)
    %dma_wait3A_257 = arith.constant 0 : i32
    %dma_wait3A_258 = arith.constant 0 : i32
    %dma_wait3A_259 = tpu.memref_slice %arg2[%dma_wait3A_257, %dma_wait3A_258] : memref<10000x128xf32, #tpu.memory_space<hbm>> -> memref<80x128xf32, #tpu.memory_space<hbm>>
    %dma_wait3A_260 = arith.constant 0 : i32
    %dma_wait3A_261 = arith.constant 0 : i32
    %dma_wait3A_262 = tpu.memref_slice %arg2[%dma_wait3A_260, %dma_wait3A_261] : memref<10000x128xf32, #tpu.memory_space<hbm>> -> memref<80x128xf32, #tpu.memory_space<hbm>>
    tpu.wait_dma2 semaphore(%arg34 : memref<!tpu.dma_semaphore, #tpu.memory_space<semaphore_mem>>) src(%dma_wait3A_262 : memref<80x128xf32, #tpu.memory_space<hbm>>) dst(%arg22 : memref<80x128xf32, #tpu.memory_space<vmem>>)
    %dma_wait3A_263 = arith.constant 0 : i32
    %dma_wait3A_264 = arith.constant 0 : i32
    %dma_wait3A_265 = tpu.memref_slice %arg3[%dma_wait3A_263, %dma_wait3A_264] : memref<320000x16xf32, #tpu.memory_space<hbm>> -> memref<80x16xf32, #tpu.memory_space<hbm>>
    %dma_wait3A_266 = arith.constant 0 : i32
    %dma_wait3A_267 = arith.constant 0 : i32
    %dma_wait3A_268 = tpu.memref_slice %arg3[%dma_wait3A_266, %dma_wait3A_267] : memref<320000x16xf32, #tpu.memory_space<hbm>> -> memref<80x16xf32, #tpu.memory_space<hbm>>
    tpu.wait_dma2 semaphore(%arg34 : memref<!tpu.dma_semaphore, #tpu.memory_space<semaphore_mem>>) src(%dma_wait3A_268 : memref<80x16xf32, #tpu.memory_space<hbm>>) dst(%arg26 : memref<80x16xf32, #tpu.memory_space<vmem>>)
    %add3A_269 = arith.constant 560 : i32
    %add3A_270 = arith.addi %mul3A_2, %add3A_269 : i32
    %dma_start3A_271 = tpu.memref_slice %arg4[%add3A_270] : memref<320000xi32, #tpu.memory_space<hbm>> -> memref<80xi32, #tpu.memory_space<hbm>>
    %dma_start3A_272 = tpu.memref_slice %arg4[%add3A_270] : memref<320000xi32, #tpu.memory_space<hbm>> -> memref<80xi32, #tpu.memory_space<hbm>>
    tpu.enqueue_dma source(%dma_start3A_272 : memref<80xi32, #tpu.memory_space<hbm>>) target(%arg10 : memref<80xi32, #tpu.memory_space<vmem>>) target_semaphore(%arg30 : memref<!tpu.dma_semaphore, #tpu.memory_space<semaphore_mem>>)
    %dma_start3A_273 = tpu.memref_slice %arg5[%add3A_270] : memref<320000xi32, #tpu.memory_space<hbm>> -> memref<80xi32, #tpu.memory_space<hbm>>
    %dma_start3A_274 = tpu.memref_slice %arg5[%add3A_270] : memref<320000xi32, #tpu.memory_space<hbm>> -> memref<80xi32, #tpu.memory_space<hbm>>
    tpu.enqueue_dma source(%dma_start3A_274 : memref<80xi32, #tpu.memory_space<hbm>>) target(%arg14 : memref<80xi32, #tpu.memory_space<vmem>>) target_semaphore(%arg30 : memref<!tpu.dma_semaphore, #tpu.memory_space<semaphore_mem>>)
    %add3A_275 = arith.constant 240 : i32
    %add3A_276 = arith.addi %mul3A_2, %add3A_275 : i32
    %dma_start3A_277 = arith.constant 0 : i32
    %dma_start3A_278 = tpu.memref_slice %arg6[%add3A_276, %dma_start3A_277] : memref<320000x272xf32, #tpu.memory_space<hbm>> -> memref<80x128xf32, #tpu.memory_space<hbm>>
    %dma_start3A_279 = arith.constant 0 : i32
    %dma_start3A_280 = tpu.memref_slice %arg6[%add3A_276, %dma_start3A_279] : memref<320000x272xf32, #tpu.memory_space<hbm>> -> memref<80x128xf32, #tpu.memory_space<hbm>>
    tpu.enqueue_dma source(%arg18 : memref<80x128xf32, #tpu.memory_space<vmem>>) target(%dma_start3A_280 : memref<80x128xf32, #tpu.memory_space<hbm>>) target_semaphore(%arg38 : memref<!tpu.dma_semaphore, #tpu.memory_space<semaphore_mem>>)
    %dma_start3A_281 = arith.constant 128 : i32
    %dma_start3A_282 = tpu.memref_slice %arg6[%add3A_276, %dma_start3A_281] : memref<320000x272xf32, #tpu.memory_space<hbm>> -> memref<80x128xf32, #tpu.memory_space<hbm>>
    %dma_start3A_283 = arith.constant 128 : i32
    %dma_start3A_284 = tpu.memref_slice %arg6[%add3A_276, %dma_start3A_283] : memref<320000x272xf32, #tpu.memory_space<hbm>> -> memref<80x128xf32, #tpu.memory_space<hbm>>
    tpu.enqueue_dma source(%arg22 : memref<80x128xf32, #tpu.memory_space<vmem>>) target(%dma_start3A_284 : memref<80x128xf32, #tpu.memory_space<hbm>>) target_semaphore(%arg38 : memref<!tpu.dma_semaphore, #tpu.memory_space<semaphore_mem>>)
    %dma_start3A_285 = arith.constant 256 : i32
    %dma_start3A_286 = tpu.memref_slice %arg6[%add3A_276, %dma_start3A_285] : memref<320000x272xf32, #tpu.memory_space<hbm>> -> memref<80x16xf32, #tpu.memory_space<hbm>>
    %dma_start3A_287 = arith.constant 256 : i32
    %dma_start3A_288 = tpu.memref_slice %arg6[%add3A_276, %dma_start3A_287] : memref<320000x272xf32, #tpu.memory_space<hbm>> -> memref<80x16xf32, #tpu.memory_space<hbm>>
    tpu.enqueue_dma source(%arg26 : memref<80x16xf32, #tpu.memory_space<vmem>>) target(%dma_start3A_288 : memref<80x16xf32, #tpu.memory_space<hbm>>) target_semaphore(%arg38 : memref<!tpu.dma_semaphore, #tpu.memory_space<semaphore_mem>>)
    %dma_wait3A_289 = arith.constant 0 : i32
    %dma_wait3A_290 = tpu.memref_slice %arg6[%mul3A_2, %dma_wait3A_289] : memref<320000x272xf32, #tpu.memory_space<hbm>> -> memref<80x128xf32, #tpu.memory_space<hbm>>
    %dma_wait3A_291 = arith.constant 0 : i32
    %dma_wait3A_292 = tpu.memref_slice %arg6[%mul3A_2, %dma_wait3A_291] : memref<320000x272xf32, #tpu.memory_space<hbm>> -> memref<80x128xf32, #tpu.memory_space<hbm>>
    tpu.wait_dma2 semaphore(%arg36 : memref<!tpu.dma_semaphore, #tpu.memory_space<semaphore_mem>>) src(%arg16 : memref<80x128xf32, #tpu.memory_space<vmem>>) dst(%dma_wait3A_292 : memref<80x128xf32, #tpu.memory_space<hbm>>)
    %dma_wait3A_293 = arith.constant 128 : i32
    %dma_wait3A_294 = tpu.memref_slice %arg6[%mul3A_2, %dma_wait3A_293] : memref<320000x272xf32, #tpu.memory_space<hbm>> -> memref<80x128xf32, #tpu.memory_space<hbm>>
    %dma_wait3A_295 = arith.constant 128 : i32
    %dma_wait3A_296 = tpu.memref_slice %arg6[%mul3A_2, %dma_wait3A_295] : memref<320000x272xf32, #tpu.memory_space<hbm>> -> memref<80x128xf32, #tpu.memory_space<hbm>>
    tpu.wait_dma2 semaphore(%arg36 : memref<!tpu.dma_semaphore, #tpu.memory_space<semaphore_mem>>) src(%arg20 : memref<80x128xf32, #tpu.memory_space<vmem>>) dst(%dma_wait3A_296 : memref<80x128xf32, #tpu.memory_space<hbm>>)
    %dma_wait3A_297 = arith.constant 256 : i32
    %dma_wait3A_298 = tpu.memref_slice %arg6[%mul3A_2, %dma_wait3A_297] : memref<320000x272xf32, #tpu.memory_space<hbm>> -> memref<80x16xf32, #tpu.memory_space<hbm>>
    %dma_wait3A_299 = arith.constant 256 : i32
    %dma_wait3A_300 = tpu.memref_slice %arg6[%mul3A_2, %dma_wait3A_299] : memref<320000x272xf32, #tpu.memory_space<hbm>> -> memref<80x16xf32, #tpu.memory_space<hbm>>
    tpu.wait_dma2 semaphore(%arg36 : memref<!tpu.dma_semaphore, #tpu.memory_space<semaphore_mem>>) src(%arg24 : memref<80x16xf32, #tpu.memory_space<vmem>>) dst(%dma_wait3A_300 : memref<80x16xf32, #tpu.memory_space<hbm>>)
    %dma_wait3A_301 = arith.constant 0 : i32
    %dma_wait3A_302 = tpu.memref_slice %arg4[%dma_wait3A_301] : memref<320000xi32, #tpu.memory_space<hbm>> -> memref<80xi32, #tpu.memory_space<hbm>>
    %dma_wait3A_303 = arith.constant 0 : i32
    %dma_wait3A_304 = tpu.memref_slice %arg4[%dma_wait3A_303] : memref<320000xi32, #tpu.memory_space<hbm>> -> memref<80xi32, #tpu.memory_space<hbm>>
    tpu.wait_dma2 semaphore(%arg28 : memref<!tpu.dma_semaphore, #tpu.memory_space<semaphore_mem>>) src(%dma_wait3A_304 : memref<80xi32, #tpu.memory_space<hbm>>) dst(%arg8 : memref<80xi32, #tpu.memory_space<vmem>>)
    %dma_wait3A_305 = arith.constant 0 : i32
    %dma_wait3A_306 = tpu.memref_slice %arg5[%dma_wait3A_305] : memref<320000xi32, #tpu.memory_space<hbm>> -> memref<80xi32, #tpu.memory_space<hbm>>
    %dma_wait3A_307 = arith.constant 0 : i32
    %dma_wait3A_308 = tpu.memref_slice %arg5[%dma_wait3A_307] : memref<320000xi32, #tpu.memory_space<hbm>> -> memref<80xi32, #tpu.memory_space<hbm>>
    tpu.wait_dma2 semaphore(%arg28 : memref<!tpu.dma_semaphore, #tpu.memory_space<semaphore_mem>>) src(%dma_wait3A_308 : memref<80xi32, #tpu.memory_space<hbm>>) dst(%arg12 : memref<80xi32, #tpu.memory_space<vmem>>)
    %add3A_309 = arith.constant 400 : i32
    %add3A_310 = arith.addi %mul3A_2, %add3A_309 : i32
    %dma_start3A_311 = arith.constant 0 : i32
    %dma_start3A_312 = arith.constant 0 : i32
    %dma_start3A_313 = tpu.memref_slice %arg2[%dma_start3A_311, %dma_start3A_312] : memref<10000x128xf32, #tpu.memory_space<hbm>> -> memref<10000x128xf32, #tpu.memory_space<hbm>>
    tpu.enqueue_indirect_dma source(%dma_start3A_313 : memref<10000x128xf32, #tpu.memory_space<hbm>>) target(%arg16 : memref<80x128xf32, #tpu.memory_space<vmem>>) offsets(%arg8 : memref<80xi32, #tpu.memory_space<vmem>>) semaphore(%arg32 : memref<!tpu.dma_semaphore, #tpu.memory_space<semaphore_mem>>)
    %dma_start3A_314 = arith.constant 0 : i32
    %dma_start3A_315 = arith.constant 0 : i32
    %dma_start3A_316 = tpu.memref_slice %arg2[%dma_start3A_314, %dma_start3A_315] : memref<10000x128xf32, #tpu.memory_space<hbm>> -> memref<10000x128xf32, #tpu.memory_space<hbm>>
    tpu.enqueue_indirect_dma source(%dma_start3A_316 : memref<10000x128xf32, #tpu.memory_space<hbm>>) target(%arg20 : memref<80x128xf32, #tpu.memory_space<vmem>>) offsets(%arg12 : memref<80xi32, #tpu.memory_space<vmem>>) semaphore(%arg32 : memref<!tpu.dma_semaphore, #tpu.memory_space<semaphore_mem>>)
    %dma_start3A_317 = arith.constant 0 : i32
    %dma_start3A_318 = tpu.memref_slice %arg3[%add3A_310, %dma_start3A_317] : memref<320000x16xf32, #tpu.memory_space<hbm>> -> memref<80x16xf32, #tpu.memory_space<hbm>>
    %dma_start3A_319 = arith.constant 0 : i32
    %dma_start3A_320 = tpu.memref_slice %arg3[%add3A_310, %dma_start3A_319] : memref<320000x16xf32, #tpu.memory_space<hbm>> -> memref<80x16xf32, #tpu.memory_space<hbm>>
    tpu.enqueue_dma source(%dma_start3A_320 : memref<80x16xf32, #tpu.memory_space<hbm>>) target(%arg24 : memref<80x16xf32, #tpu.memory_space<vmem>>) target_semaphore(%arg32 : memref<!tpu.dma_semaphore, #tpu.memory_space<semaphore_mem>>)
    %scan3A = arith.constant 0 : i32
    %scan3A_321 = arith.constant 0 : i32
    %scan3A_322 = arith.constant 29 : i32
    %scan3A_323 = arith.addi %scan3A_321, %scan3A_322 : i32
    %scan3A_324 = arith.constant 1 : i32
    scf.for %scan3A_636 = %scan3A_321 to %scan3A_323 step %scan3A_324  : i32 {
      %mul3A_637 = arith.constant 4 : i32
      %mul3A_638 = arith.muli %scan3A_636, %mul3A_637 : i32
      %add3A_639 = arith.constant 4 : i32
      %add3A_640 = arith.addi %add3A_639, %mul3A_638 : i32
      %add3A_641 = arith.constant 0 : i32
      %add3A_642 = arith.addi %add3A_640, %add3A_641 : i32
      %dma_wait3A_643 = arith.constant 0 : i32
      %dma_wait3A_644 = arith.constant 0 : i32
      %dma_wait3A_645 = tpu.memref_slice %arg2[%dma_wait3A_643, %dma_wait3A_644] : memref<10000x128xf32, #tpu.memory_space<hbm>> -> memref<80x128xf32, #tpu.memory_space<hbm>>
      %dma_wait3A_646 = arith.constant 0 : i32
      %dma_wait3A_647 = arith.constant 0 : i32
      %dma_wait3A_648 = tpu.memref_slice %arg2[%dma_wait3A_646, %dma_wait3A_647] : memref<10000x128xf32, #tpu.memory_space<hbm>> -> memref<80x128xf32, #tpu.memory_space<hbm>>
      tpu.wait_dma2 semaphore(%arg31 : memref<!tpu.dma_semaphore, #tpu.memory_space<semaphore_mem>>) src(%dma_wait3A_648 : memref<80x128xf32, #tpu.memory_space<hbm>>) dst(%arg15 : memref<80x128xf32, #tpu.memory_space<vmem>>)
      %dma_wait3A_649 = arith.constant 0 : i32
      %dma_wait3A_650 = arith.constant 0 : i32
      %dma_wait3A_651 = tpu.memref_slice %arg2[%dma_wait3A_649, %dma_wait3A_650] : memref<10000x128xf32, #tpu.memory_space<hbm>> -> memref<80x128xf32, #tpu.memory_space<hbm>>
      %dma_wait3A_652 = arith.constant 0 : i32
      %dma_wait3A_653 = arith.constant 0 : i32
      %dma_wait3A_654 = tpu.memref_slice %arg2[%dma_wait3A_652, %dma_wait3A_653] : memref<10000x128xf32, #tpu.memory_space<hbm>> -> memref<80x128xf32, #tpu.memory_space<hbm>>
      tpu.wait_dma2 semaphore(%arg31 : memref<!tpu.dma_semaphore, #tpu.memory_space<semaphore_mem>>) src(%dma_wait3A_654 : memref<80x128xf32, #tpu.memory_space<hbm>>) dst(%arg19 : memref<80x128xf32, #tpu.memory_space<vmem>>)
      %dma_wait3A_655 = arith.constant 0 : i32
      %dma_wait3A_656 = arith.constant 0 : i32
      %dma_wait3A_657 = tpu.memref_slice %arg3[%dma_wait3A_655, %dma_wait3A_656] : memref<320000x16xf32, #tpu.memory_space<hbm>> -> memref<80x16xf32, #tpu.memory_space<hbm>>
      %dma_wait3A_658 = arith.constant 0 : i32
      %dma_wait3A_659 = arith.constant 0 : i32
      %dma_wait3A_660 = tpu.memref_slice %arg3[%dma_wait3A_658, %dma_wait3A_659] : memref<320000x16xf32, #tpu.memory_space<hbm>> -> memref<80x16xf32, #tpu.memory_space<hbm>>
      tpu.wait_dma2 semaphore(%arg31 : memref<!tpu.dma_semaphore, #tpu.memory_space<semaphore_mem>>) src(%dma_wait3A_660 : memref<80x16xf32, #tpu.memory_space<hbm>>) dst(%arg23 : memref<80x16xf32, #tpu.memory_space<vmem>>)
      %add3A_661 = arith.constant 4 : i32
      %add3A_662 = arith.addi %add3A_642, %add3A_661 : i32
      %mul3A_663 = arith.constant 80 : i32
      %mul3A_664 = arith.muli %add3A_662, %mul3A_663 : i32
      %add3A_665 = arith.addi %mul3A_2, %mul3A_664 : i32
      %dma_start3A_666 = tpu.memref_slice %arg4[%add3A_665] : memref<320000xi32, #tpu.memory_space<hbm>> -> memref<80xi32, #tpu.memory_space<hbm>>
      %dma_start3A_667 = tpu.memref_slice %arg4[%add3A_665] : memref<320000xi32, #tpu.memory_space<hbm>> -> memref<80xi32, #tpu.memory_space<hbm>>
      tpu.enqueue_dma source(%dma_start3A_667 : memref<80xi32, #tpu.memory_space<hbm>>) target(%arg7 : memref<80xi32, #tpu.memory_space<vmem>>) target_semaphore(%arg27 : memref<!tpu.dma_semaphore, #tpu.memory_space<semaphore_mem>>)
      %dma_start3A_668 = tpu.memref_slice %arg5[%add3A_665] : memref<320000xi32, #tpu.memory_space<hbm>> -> memref<80xi32, #tpu.memory_space<hbm>>
      %dma_start3A_669 = tpu.memref_slice %arg5[%add3A_665] : memref<320000xi32, #tpu.memory_space<hbm>> -> memref<80xi32, #tpu.memory_space<hbm>>
      tpu.enqueue_dma source(%dma_start3A_669 : memref<80xi32, #tpu.memory_space<hbm>>) target(%arg11 : memref<80xi32, #tpu.memory_space<vmem>>) target_semaphore(%arg27 : memref<!tpu.dma_semaphore, #tpu.memory_space<semaphore_mem>>)
      %mul3A_670 = arith.constant 80 : i32
      %mul3A_671 = arith.muli %add3A_642, %mul3A_670 : i32
      %add3A_672 = arith.addi %mul3A_2, %mul3A_671 : i32
      %dma_start3A_673 = arith.constant 0 : i32
      %dma_start3A_674 = tpu.memref_slice %arg6[%add3A_672, %dma_start3A_673] : memref<320000x272xf32, #tpu.memory_space<hbm>> -> memref<80x128xf32, #tpu.memory_space<hbm>>
      %dma_start3A_675 = arith.constant 0 : i32
      %dma_start3A_676 = tpu.memref_slice %arg6[%add3A_672, %dma_start3A_675] : memref<320000x272xf32, #tpu.memory_space<hbm>> -> memref<80x128xf32, #tpu.memory_space<hbm>>
      tpu.enqueue_dma source(%arg15 : memref<80x128xf32, #tpu.memory_space<vmem>>) target(%dma_start3A_676 : memref<80x128xf32, #tpu.memory_space<hbm>>) target_semaphore(%arg35 : memref<!tpu.dma_semaphore, #tpu.memory_space<semaphore_mem>>)
      %dma_start3A_677 = arith.constant 128 : i32
      %dma_start3A_678 = tpu.memref_slice %arg6[%add3A_672, %dma_start3A_677] : memref<320000x272xf32, #tpu.memory_space<hbm>> -> memref<80x128xf32, #tpu.memory_space<hbm>>
      %dma_start3A_679 = arith.constant 128 : i32
      %dma_start3A_680 = tpu.memref_slice %arg6[%add3A_672, %dma_start3A_679] : memref<320000x272xf32, #tpu.memory_space<hbm>> -> memref<80x128xf32, #tpu.memory_space<hbm>>
      tpu.enqueue_dma source(%arg19 : memref<80x128xf32, #tpu.memory_space<vmem>>) target(%dma_start3A_680 : memref<80x128xf32, #tpu.memory_space<hbm>>) target_semaphore(%arg35 : memref<!tpu.dma_semaphore, #tpu.memory_space<semaphore_mem>>)
      %dma_start3A_681 = arith.constant 256 : i32
      %dma_start3A_682 = tpu.memref_slice %arg6[%add3A_672, %dma_start3A_681] : memref<320000x272xf32, #tpu.memory_space<hbm>> -> memref<80x16xf32, #tpu.memory_space<hbm>>
      %dma_start3A_683 = arith.constant 256 : i32
      %dma_start3A_684 = tpu.memref_slice %arg6[%add3A_672, %dma_start3A_683] : memref<320000x272xf32, #tpu.memory_space<hbm>> -> memref<80x16xf32, #tpu.memory_space<hbm>>
      tpu.enqueue_dma source(%arg23 : memref<80x16xf32, #tpu.memory_space<vmem>>) target(%dma_start3A_684 : memref<80x16xf32, #tpu.memory_space<hbm>>) target_semaphore(%arg35 : memref<!tpu.dma_semaphore, #tpu.memory_space<semaphore_mem>>)
      %dma_wait3A_685 = arith.constant 0 : i32
      %dma_wait3A_686 = tpu.memref_slice %arg6[%mul3A_2, %dma_wait3A_685] : memref<320000x272xf32, #tpu.memory_space<hbm>> -> memref<80x128xf32, #tpu.memory_space<hbm>>
      %dma_wait3A_687 = arith.constant 0 : i32
      %dma_wait3A_688 = tpu.memref_slice %arg6[%mul3A_2, %dma_wait3A_687] : memref<320000x272xf32, #tpu.memory_space<hbm>> -> memref<80x128xf32, #tpu.memory_space<hbm>>
      tpu.wait_dma2 semaphore(%arg37 : memref<!tpu.dma_semaphore, #tpu.memory_space<semaphore_mem>>) src(%arg17 : memref<80x128xf32, #tpu.memory_space<vmem>>) dst(%dma_wait3A_688 : memref<80x128xf32, #tpu.memory_space<hbm>>)
      %dma_wait3A_689 = arith.constant 128 : i32
      %dma_wait3A_690 = tpu.memref_slice %arg6[%mul3A_2, %dma_wait3A_689] : memref<320000x272xf32, #tpu.memory_space<hbm>> -> memref<80x128xf32, #tpu.memory_space<hbm>>
      %dma_wait3A_691 = arith.constant 128 : i32
      %dma_wait3A_692 = tpu.memref_slice %arg6[%mul3A_2, %dma_wait3A_691] : memref<320000x272xf32, #tpu.memory_space<hbm>> -> memref<80x128xf32, #tpu.memory_space<hbm>>
      tpu.wait_dma2 semaphore(%arg37 : memref<!tpu.dma_semaphore, #tpu.memory_space<semaphore_mem>>) src(%arg21 : memref<80x128xf32, #tpu.memory_space<vmem>>) dst(%dma_wait3A_692 : memref<80x128xf32, #tpu.memory_space<hbm>>)
      %dma_wait3A_693 = arith.constant 256 : i32
      %dma_wait3A_694 = tpu.memref_slice %arg6[%mul3A_2, %dma_wait3A_693] : memref<320000x272xf32, #tpu.memory_space<hbm>> -> memref<80x16xf32, #tpu.memory_space<hbm>>
      %dma_wait3A_695 = arith.constant 256 : i32
      %dma_wait3A_696 = tpu.memref_slice %arg6[%mul3A_2, %dma_wait3A_695] : memref<320000x272xf32, #tpu.memory_space<hbm>> -> memref<80x16xf32, #tpu.memory_space<hbm>>
      tpu.wait_dma2 semaphore(%arg37 : memref<!tpu.dma_semaphore, #tpu.memory_space<semaphore_mem>>) src(%arg25 : memref<80x16xf32, #tpu.memory_space<vmem>>) dst(%dma_wait3A_696 : memref<80x16xf32, #tpu.memory_space<hbm>>)
      %dma_wait3A_697 = arith.constant 0 : i32
      %dma_wait3A_698 = tpu.memref_slice %arg4[%dma_wait3A_697] : memref<320000xi32, #tpu.memory_space<hbm>> -> memref<80xi32, #tpu.memory_space<hbm>>
      %dma_wait3A_699 = arith.constant 0 : i32
      %dma_wait3A_700 = tpu.memref_slice %arg4[%dma_wait3A_699] : memref<320000xi32, #tpu.memory_space<hbm>> -> memref<80xi32, #tpu.memory_space<hbm>>
      tpu.wait_dma2 semaphore(%arg29 : memref<!tpu.dma_semaphore, #tpu.memory_space<semaphore_mem>>) src(%dma_wait3A_700 : memref<80xi32, #tpu.memory_space<hbm>>) dst(%arg9 : memref<80xi32, #tpu.memory_space<vmem>>)
      %dma_wait3A_701 = arith.constant 0 : i32
      %dma_wait3A_702 = tpu.memref_slice %arg5[%dma_wait3A_701] : memref<320000xi32, #tpu.memory_space<hbm>> -> memref<80xi32, #tpu.memory_space<hbm>>
      %dma_wait3A_703 = arith.constant 0 : i32
      %dma_wait3A_704 = tpu.memref_slice %arg5[%dma_wait3A_703] : memref<320000xi32, #tpu.memory_space<hbm>> -> memref<80xi32, #tpu.memory_space<hbm>>
      tpu.wait_dma2 semaphore(%arg29 : memref<!tpu.dma_semaphore, #tpu.memory_space<semaphore_mem>>) src(%dma_wait3A_704 : memref<80xi32, #tpu.memory_space<hbm>>) dst(%arg13 : memref<80xi32, #tpu.memory_space<vmem>>)
      %add3A_705 = arith.constant 2 : i32
      %add3A_706 = arith.addi %add3A_642, %add3A_705 : i32
      %mul3A_707 = arith.constant 80 : i32
      %mul3A_708 = arith.muli %add3A_706, %mul3A_707 : i32
      %add3A_709 = arith.addi %mul3A_2, %mul3A_708 : i32
      %dma_start3A_710 = arith.constant 0 : i32
      %dma_start3A_711 = arith.constant 0 : i32
      %dma_start3A_712 = tpu.memref_slice %arg2[%dma_start3A_710, %dma_start3A_711] : memref<10000x128xf32, #tpu.memory_space<hbm>> -> memref<10000x128xf32, #tpu.memory_space<hbm>>
      tpu.enqueue_indirect_dma source(%dma_start3A_712 : memref<10000x128xf32, #tpu.memory_space<hbm>>) target(%arg17 : memref<80x128xf32, #tpu.memory_space<vmem>>) offsets(%arg9 : memref<80xi32, #tpu.memory_space<vmem>>) semaphore(%arg33 : memref<!tpu.dma_semaphore, #tpu.memory_space<semaphore_mem>>)
      %dma_start3A_713 = arith.constant 0 : i32
      %dma_start3A_714 = arith.constant 0 : i32
      %dma_start3A_715 = tpu.memref_slice %arg2[%dma_start3A_713, %dma_start3A_714] : memref<10000x128xf32, #tpu.memory_space<hbm>> -> memref<10000x128xf32, #tpu.memory_space<hbm>>
      tpu.enqueue_indirect_dma source(%dma_start3A_715 : memref<10000x128xf32, #tpu.memory_space<hbm>>) target(%arg21 : memref<80x128xf32, #tpu.memory_space<vmem>>) offsets(%arg13 : memref<80xi32, #tpu.memory_space<vmem>>) semaphore(%arg33 : memref<!tpu.dma_semaphore, #tpu.memory_space<semaphore_mem>>)
      %dma_start3A_716 = arith.constant 0 : i32
      %dma_start3A_717 = tpu.memref_slice %arg3[%add3A_709, %dma_start3A_716] : memref<320000x16xf32, #tpu.memory_space<hbm>> -> memref<80x16xf32, #tpu.memory_space<hbm>>
      %dma_start3A_718 = arith.constant 0 : i32
      %dma_start3A_719 = tpu.memref_slice %arg3[%add3A_709, %dma_start3A_718] : memref<320000x16xf32, #tpu.memory_space<hbm>> -> memref<80x16xf32, #tpu.memory_space<hbm>>
      tpu.enqueue_dma source(%dma_start3A_719 : memref<80x16xf32, #tpu.memory_space<hbm>>) target(%arg25 : memref<80x16xf32, #tpu.memory_space<vmem>>) target_semaphore(%arg33 : memref<!tpu.dma_semaphore, #tpu.memory_space<semaphore_mem>>)
      %mul3A_720 = arith.constant 4 : i32
      %mul3A_721 = arith.muli %scan3A_636, %mul3A_720 : i32
      %add3A_722 = arith.constant 4 : i32
      %add3A_723 = arith.addi %add3A_722, %mul3A_721 : i32
      %add3A_724 = arith.constant 1 : i32
      %add3A_725 = arith.addi %add3A_723, %add3A_724 : i32
      %dma_wait3A_726 = arith.constant 0 : i32
      %dma_wait3A_727 = arith.constant 0 : i32
      %dma_wait3A_728 = tpu.memref_slice %arg2[%dma_wait3A_726, %dma_wait3A_727] : memref<10000x128xf32, #tpu.memory_space<hbm>> -> memref<80x128xf32, #tpu.memory_space<hbm>>
      %dma_wait3A_729 = arith.constant 0 : i32
      %dma_wait3A_730 = arith.constant 0 : i32
      %dma_wait3A_731 = tpu.memref_slice %arg2[%dma_wait3A_729, %dma_wait3A_730] : memref<10000x128xf32, #tpu.memory_space<hbm>> -> memref<80x128xf32, #tpu.memory_space<hbm>>
      tpu.wait_dma2 semaphore(%arg32 : memref<!tpu.dma_semaphore, #tpu.memory_space<semaphore_mem>>) src(%dma_wait3A_731 : memref<80x128xf32, #tpu.memory_space<hbm>>) dst(%arg16 : memref<80x128xf32, #tpu.memory_space<vmem>>)
      %dma_wait3A_732 = arith.constant 0 : i32
      %dma_wait3A_733 = arith.constant 0 : i32
      %dma_wait3A_734 = tpu.memref_slice %arg2[%dma_wait3A_732, %dma_wait3A_733] : memref<10000x128xf32, #tpu.memory_space<hbm>> -> memref<80x128xf32, #tpu.memory_space<hbm>>
      %dma_wait3A_735 = arith.constant 0 : i32
      %dma_wait3A_736 = arith.constant 0 : i32
      %dma_wait3A_737 = tpu.memref_slice %arg2[%dma_wait3A_735, %dma_wait3A_736] : memref<10000x128xf32, #tpu.memory_space<hbm>> -> memref<80x128xf32, #tpu.memory_space<hbm>>
      tpu.wait_dma2 semaphore(%arg32 : memref<!tpu.dma_semaphore, #tpu.memory_space<semaphore_mem>>) src(%dma_wait3A_737 : memref<80x128xf32, #tpu.memory_space<hbm>>) dst(%arg20 : memref<80x128xf32, #tpu.memory_space<vmem>>)
      %dma_wait3A_738 = arith.constant 0 : i32
      %dma_wait3A_739 = arith.constant 0 : i32
      %dma_wait3A_740 = tpu.memref_slice %arg3[%dma_wait3A_738, %dma_wait3A_739] : memref<320000x16xf32, #tpu.memory_space<hbm>> -> memref<80x16xf32, #tpu.memory_space<hbm>>
      %dma_wait3A_741 = arith.constant 0 : i32
      %dma_wait3A_742 = arith.constant 0 : i32
      %dma_wait3A_743 = tpu.memref_slice %arg3[%dma_wait3A_741, %dma_wait3A_742] : memref<320000x16xf32, #tpu.memory_space<hbm>> -> memref<80x16xf32, #tpu.memory_space<hbm>>
      tpu.wait_dma2 semaphore(%arg32 : memref<!tpu.dma_semaphore, #tpu.memory_space<semaphore_mem>>) src(%dma_wait3A_743 : memref<80x16xf32, #tpu.memory_space<hbm>>) dst(%arg24 : memref<80x16xf32, #tpu.memory_space<vmem>>)
      %add3A_744 = arith.constant 4 : i32
      %add3A_745 = arith.addi %add3A_725, %add3A_744 : i32
      %mul3A_746 = arith.constant 80 : i32
      %mul3A_747 = arith.muli %add3A_745, %mul3A_746 : i32
      %add3A_748 = arith.addi %mul3A_2, %mul3A_747 : i32
      %dma_start3A_749 = tpu.memref_slice %arg4[%add3A_748] : memref<320000xi32, #tpu.memory_space<hbm>> -> memref<80xi32, #tpu.memory_space<hbm>>
      %dma_start3A_750 = tpu.memref_slice %arg4[%add3A_748] : memref<320000xi32, #tpu.memory_space<hbm>> -> memref<80xi32, #tpu.memory_space<hbm>>
      tpu.enqueue_dma source(%dma_start3A_750 : memref<80xi32, #tpu.memory_space<hbm>>) target(%arg8 : memref<80xi32, #tpu.memory_space<vmem>>) target_semaphore(%arg28 : memref<!tpu.dma_semaphore, #tpu.memory_space<semaphore_mem>>)
      %dma_start3A_751 = tpu.memref_slice %arg5[%add3A_748] : memref<320000xi32, #tpu.memory_space<hbm>> -> memref<80xi32, #tpu.memory_space<hbm>>
      %dma_start3A_752 = tpu.memref_slice %arg5[%add3A_748] : memref<320000xi32, #tpu.memory_space<hbm>> -> memref<80xi32, #tpu.memory_space<hbm>>
      tpu.enqueue_dma source(%dma_start3A_752 : memref<80xi32, #tpu.memory_space<hbm>>) target(%arg12 : memref<80xi32, #tpu.memory_space<vmem>>) target_semaphore(%arg28 : memref<!tpu.dma_semaphore, #tpu.memory_space<semaphore_mem>>)
      %mul3A_753 = arith.constant 80 : i32
      %mul3A_754 = arith.muli %add3A_725, %mul3A_753 : i32
      %add3A_755 = arith.addi %mul3A_2, %mul3A_754 : i32
      %dma_start3A_756 = arith.constant 0 : i32
      %dma_start3A_757 = tpu.memref_slice %arg6[%add3A_755, %dma_start3A_756] : memref<320000x272xf32, #tpu.memory_space<hbm>> -> memref<80x128xf32, #tpu.memory_space<hbm>>
      %dma_start3A_758 = arith.constant 0 : i32
      %dma_start3A_759 = tpu.memref_slice %arg6[%add3A_755, %dma_start3A_758] : memref<320000x272xf32, #tpu.memory_space<hbm>> -> memref<80x128xf32, #tpu.memory_space<hbm>>
      tpu.enqueue_dma source(%arg16 : memref<80x128xf32, #tpu.memory_space<vmem>>) target(%dma_start3A_759 : memref<80x128xf32, #tpu.memory_space<hbm>>) target_semaphore(%arg36 : memref<!tpu.dma_semaphore, #tpu.memory_space<semaphore_mem>>)
      %dma_start3A_760 = arith.constant 128 : i32
      %dma_start3A_761 = tpu.memref_slice %arg6[%add3A_755, %dma_start3A_760] : memref<320000x272xf32, #tpu.memory_space<hbm>> -> memref<80x128xf32, #tpu.memory_space<hbm>>
      %dma_start3A_762 = arith.constant 128 : i32
      %dma_start3A_763 = tpu.memref_slice %arg6[%add3A_755, %dma_start3A_762] : memref<320000x272xf32, #tpu.memory_space<hbm>> -> memref<80x128xf32, #tpu.memory_space<hbm>>
      tpu.enqueue_dma source(%arg20 : memref<80x128xf32, #tpu.memory_space<vmem>>) target(%dma_start3A_763 : memref<80x128xf32, #tpu.memory_space<hbm>>) target_semaphore(%arg36 : memref<!tpu.dma_semaphore, #tpu.memory_space<semaphore_mem>>)
      %dma_start3A_764 = arith.constant 256 : i32
      %dma_start3A_765 = tpu.memref_slice %arg6[%add3A_755, %dma_start3A_764] : memref<320000x272xf32, #tpu.memory_space<hbm>> -> memref<80x16xf32, #tpu.memory_space<hbm>>
      %dma_start3A_766 = arith.constant 256 : i32
      %dma_start3A_767 = tpu.memref_slice %arg6[%add3A_755, %dma_start3A_766] : memref<320000x272xf32, #tpu.memory_space<hbm>> -> memref<80x16xf32, #tpu.memory_space<hbm>>
      tpu.enqueue_dma source(%arg24 : memref<80x16xf32, #tpu.memory_space<vmem>>) target(%dma_start3A_767 : memref<80x16xf32, #tpu.memory_space<hbm>>) target_semaphore(%arg36 : memref<!tpu.dma_semaphore, #tpu.memory_space<semaphore_mem>>)
      %dma_wait3A_768 = arith.constant 0 : i32
      %dma_wait3A_769 = tpu.memref_slice %arg6[%mul3A_2, %dma_wait3A_768] : memref<320000x272xf32, #tpu.memory_space<hbm>> -> memref<80x128xf32, #tpu.memory_space<hbm>>
      %dma_wait3A_770 = arith.constant 0 : i32
      %dma_wait3A_771 = tpu.memref_slice %arg6[%mul3A_2, %dma_wait3A_770] : memref<320000x272xf32, #tpu.memory_space<hbm>> -> memref<80x128xf32, #tpu.memory_space<hbm>>
      tpu.wait_dma2 semaphore(%arg38 : memref<!tpu.dma_semaphore, #tpu.memory_space<semaphore_mem>>) src(%arg18 : memref<80x128xf32, #tpu.memory_space<vmem>>) dst(%dma_wait3A_771 : memref<80x128xf32, #tpu.memory_space<hbm>>)
      %dma_wait3A_772 = arith.constant 128 : i32
      %dma_wait3A_773 = tpu.memref_slice %arg6[%mul3A_2, %dma_wait3A_772] : memref<320000x272xf32, #tpu.memory_space<hbm>> -> memref<80x128xf32, #tpu.memory_space<hbm>>
      %dma_wait3A_774 = arith.constant 128 : i32
      %dma_wait3A_775 = tpu.memref_slice %arg6[%mul3A_2, %dma_wait3A_774] : memref<320000x272xf32, #tpu.memory_space<hbm>> -> memref<80x128xf32, #tpu.memory_space<hbm>>
      tpu.wait_dma2 semaphore(%arg38 : memref<!tpu.dma_semaphore, #tpu.memory_space<semaphore_mem>>) src(%arg22 : memref<80x128xf32, #tpu.memory_space<vmem>>) dst(%dma_wait3A_775 : memref<80x128xf32, #tpu.memory_space<hbm>>)
      %dma_wait3A_776 = arith.constant 256 : i32
      %dma_wait3A_777 = tpu.memref_slice %arg6[%mul3A_2, %dma_wait3A_776] : memref<320000x272xf32, #tpu.memory_space<hbm>> -> memref<80x16xf32, #tpu.memory_space<hbm>>
      %dma_wait3A_778 = arith.constant 256 : i32
      %dma_wait3A_779 = tpu.memref_slice %arg6[%mul3A_2, %dma_wait3A_778] : memref<320000x272xf32, #tpu.memory_space<hbm>> -> memref<80x16xf32, #tpu.memory_space<hbm>>
      tpu.wait_dma2 semaphore(%arg38 : memref<!tpu.dma_semaphore, #tpu.memory_space<semaphore_mem>>) src(%arg26 : memref<80x16xf32, #tpu.memory_space<vmem>>) dst(%dma_wait3A_779 : memref<80x16xf32, #tpu.memory_space<hbm>>)
      %dma_wait3A_780 = arith.constant 0 : i32
      %dma_wait3A_781 = tpu.memref_slice %arg4[%dma_wait3A_780] : memref<320000xi32, #tpu.memory_space<hbm>> -> memref<80xi32, #tpu.memory_space<hbm>>
      %dma_wait3A_782 = arith.constant 0 : i32
      %dma_wait3A_783 = tpu.memref_slice %arg4[%dma_wait3A_782] : memref<320000xi32, #tpu.memory_space<hbm>> -> memref<80xi32, #tpu.memory_space<hbm>>
      tpu.wait_dma2 semaphore(%arg30 : memref<!tpu.dma_semaphore, #tpu.memory_space<semaphore_mem>>) src(%dma_wait3A_783 : memref<80xi32, #tpu.memory_space<hbm>>) dst(%arg10 : memref<80xi32, #tpu.memory_space<vmem>>)
      %dma_wait3A_784 = arith.constant 0 : i32
      %dma_wait3A_785 = tpu.memref_slice %arg5[%dma_wait3A_784] : memref<320000xi32, #tpu.memory_space<hbm>> -> memref<80xi32, #tpu.memory_space<hbm>>
      %dma_wait3A_786 = arith.constant 0 : i32
      %dma_wait3A_787 = tpu.memref_slice %arg5[%dma_wait3A_786] : memref<320000xi32, #tpu.memory_space<hbm>> -> memref<80xi32, #tpu.memory_space<hbm>>
      tpu.wait_dma2 semaphore(%arg30 : memref<!tpu.dma_semaphore, #tpu.memory_space<semaphore_mem>>) src(%dma_wait3A_787 : memref<80xi32, #tpu.memory_space<hbm>>) dst(%arg14 : memref<80xi32, #tpu.memory_space<vmem>>)
      %add3A_788 = arith.constant 2 : i32
      %add3A_789 = arith.addi %add3A_725, %add3A_788 : i32
      %mul3A_790 = arith.constant 80 : i32
      %mul3A_791 = arith.muli %add3A_789, %mul3A_790 : i32
      %add3A_792 = arith.addi %mul3A_2, %mul3A_791 : i32
      %dma_start3A_793 = arith.constant 0 : i32
      %dma_start3A_794 = arith.constant 0 : i32
      %dma_start3A_795 = tpu.memref_slice %arg2[%dma_start3A_793, %dma_start3A_794] : memref<10000x128xf32, #tpu.memory_space<hbm>> -> memref<10000x128xf32, #tpu.memory_space<hbm>>
      tpu.enqueue_indirect_dma source(%dma_start3A_795 : memref<10000x128xf32, #tpu.memory_space<hbm>>) target(%arg18 : memref<80x128xf32, #tpu.memory_space<vmem>>) offsets(%arg10 : memref<80xi32, #tpu.memory_space<vmem>>) semaphore(%arg34 : memref<!tpu.dma_semaphore, #tpu.memory_space<semaphore_mem>>)
      %dma_start3A_796 = arith.constant 0 : i32
      %dma_start3A_797 = arith.constant 0 : i32
      %dma_start3A_798 = tpu.memref_slice %arg2[%dma_start3A_796, %dma_start3A_797] : memref<10000x128xf32, #tpu.memory_space<hbm>> -> memref<10000x128xf32, #tpu.memory_space<hbm>>
      tpu.enqueue_indirect_dma source(%dma_start3A_798 : memref<10000x128xf32, #tpu.memory_space<hbm>>) target(%arg22 : memref<80x128xf32, #tpu.memory_space<vmem>>) offsets(%arg14 : memref<80xi32, #tpu.memory_space<vmem>>) semaphore(%arg34 : memref<!tpu.dma_semaphore, #tpu.memory_space<semaphore_mem>>)
      %dma_start3A_799 = arith.constant 0 : i32
      %dma_start3A_800 = tpu.memref_slice %arg3[%add3A_792, %dma_start3A_799] : memref<320000x16xf32, #tpu.memory_space<hbm>> -> memref<80x16xf32, #tpu.memory_space<hbm>>
      %dma_start3A_801 = arith.constant 0 : i32
      %dma_start3A_802 = tpu.memref_slice %arg3[%add3A_792, %dma_start3A_801] : memref<320000x16xf32, #tpu.memory_space<hbm>> -> memref<80x16xf32, #tpu.memory_space<hbm>>
      tpu.enqueue_dma source(%dma_start3A_802 : memref<80x16xf32, #tpu.memory_space<hbm>>) target(%arg26 : memref<80x16xf32, #tpu.memory_space<vmem>>) target_semaphore(%arg34 : memref<!tpu.dma_semaphore, #tpu.memory_space<semaphore_mem>>)
      %mul3A_803 = arith.constant 4 : i32
      %mul3A_804 = arith.muli %scan3A_636, %mul3A_803 : i32
      %add3A_805 = arith.constant 4 : i32
      %add3A_806 = arith.addi %add3A_805, %mul3A_804 : i32
      %add3A_807 = arith.constant 2 : i32
      %add3A_808 = arith.addi %add3A_806, %add3A_807 : i32
      %dma_wait3A_809 = arith.constant 0 : i32
      %dma_wait3A_810 = arith.constant 0 : i32
      %dma_wait3A_811 = tpu.memref_slice %arg2[%dma_wait3A_809, %dma_wait3A_810] : memref<10000x128xf32, #tpu.memory_space<hbm>> -> memref<80x128xf32, #tpu.memory_space<hbm>>
      %dma_wait3A_812 = arith.constant 0 : i32
      %dma_wait3A_813 = arith.constant 0 : i32
      %dma_wait3A_814 = tpu.memref_slice %arg2[%dma_wait3A_812, %dma_wait3A_813] : memref<10000x128xf32, #tpu.memory_space<hbm>> -> memref<80x128xf32, #tpu.memory_space<hbm>>
      tpu.wait_dma2 semaphore(%arg33 : memref<!tpu.dma_semaphore, #tpu.memory_space<semaphore_mem>>) src(%dma_wait3A_814 : memref<80x128xf32, #tpu.memory_space<hbm>>) dst(%arg17 : memref<80x128xf32, #tpu.memory_space<vmem>>)
      %dma_wait3A_815 = arith.constant 0 : i32
      %dma_wait3A_816 = arith.constant 0 : i32
      %dma_wait3A_817 = tpu.memref_slice %arg2[%dma_wait3A_815, %dma_wait3A_816] : memref<10000x128xf32, #tpu.memory_space<hbm>> -> memref<80x128xf32, #tpu.memory_space<hbm>>
      %dma_wait3A_818 = arith.constant 0 : i32
      %dma_wait3A_819 = arith.constant 0 : i32
      %dma_wait3A_820 = tpu.memref_slice %arg2[%dma_wait3A_818, %dma_wait3A_819] : memref<10000x128xf32, #tpu.memory_space<hbm>> -> memref<80x128xf32, #tpu.memory_space<hbm>>
      tpu.wait_dma2 semaphore(%arg33 : memref<!tpu.dma_semaphore, #tpu.memory_space<semaphore_mem>>) src(%dma_wait3A_820 : memref<80x128xf32, #tpu.memory_space<hbm>>) dst(%arg21 : memref<80x128xf32, #tpu.memory_space<vmem>>)
      %dma_wait3A_821 = arith.constant 0 : i32
      %dma_wait3A_822 = arith.constant 0 : i32
      %dma_wait3A_823 = tpu.memref_slice %arg3[%dma_wait3A_821, %dma_wait3A_822] : memref<320000x16xf32, #tpu.memory_space<hbm>> -> memref<80x16xf32, #tpu.memory_space<hbm>>
      %dma_wait3A_824 = arith.constant 0 : i32
      %dma_wait3A_825 = arith.constant 0 : i32
      %dma_wait3A_826 = tpu.memref_slice %arg3[%dma_wait3A_824, %dma_wait3A_825] : memref<320000x16xf32, #tpu.memory_space<hbm>> -> memref<80x16xf32, #tpu.memory_space<hbm>>
      tpu.wait_dma2 semaphore(%arg33 : memref<!tpu.dma_semaphore, #tpu.memory_space<semaphore_mem>>) src(%dma_wait3A_826 : memref<80x16xf32, #tpu.memory_space<hbm>>) dst(%arg25 : memref<80x16xf32, #tpu.memory_space<vmem>>)
      %add3A_827 = arith.constant 4 : i32
      %add3A_828 = arith.addi %add3A_808, %add3A_827 : i32
      %mul3A_829 = arith.constant 80 : i32
      %mul3A_830 = arith.muli %add3A_828, %mul3A_829 : i32
      %add3A_831 = arith.addi %mul3A_2, %mul3A_830 : i32
      %dma_start3A_832 = tpu.memref_slice %arg4[%add3A_831] : memref<320000xi32, #tpu.memory_space<hbm>> -> memref<80xi32, #tpu.memory_space<hbm>>
      %dma_start3A_833 = tpu.memref_slice %arg4[%add3A_831] : memref<320000xi32, #tpu.memory_space<hbm>> -> memref<80xi32, #tpu.memory_space<hbm>>
      tpu.enqueue_dma source(%dma_start3A_833 : memref<80xi32, #tpu.memory_space<hbm>>) target(%arg9 : memref<80xi32, #tpu.memory_space<vmem>>) target_semaphore(%arg29 : memref<!tpu.dma_semaphore, #tpu.memory_space<semaphore_mem>>)
      %dma_start3A_834 = tpu.memref_slice %arg5[%add3A_831] : memref<320000xi32, #tpu.memory_space<hbm>> -> memref<80xi32, #tpu.memory_space<hbm>>
      %dma_start3A_835 = tpu.memref_slice %arg5[%add3A_831] : memref<320000xi32, #tpu.memory_space<hbm>> -> memref<80xi32, #tpu.memory_space<hbm>>
      tpu.enqueue_dma source(%dma_start3A_835 : memref<80xi32, #tpu.memory_space<hbm>>) target(%arg13 : memref<80xi32, #tpu.memory_space<vmem>>) target_semaphore(%arg29 : memref<!tpu.dma_semaphore, #tpu.memory_space<semaphore_mem>>)
      %mul3A_836 = arith.constant 80 : i32
      %mul3A_837 = arith.muli %add3A_808, %mul3A_836 : i32
      %add3A_838 = arith.addi %mul3A_2, %mul3A_837 : i32
      %dma_start3A_839 = arith.constant 0 : i32
      %dma_start3A_840 = tpu.memref_slice %arg6[%add3A_838, %dma_start3A_839] : memref<320000x272xf32, #tpu.memory_space<hbm>> -> memref<80x128xf32, #tpu.memory_space<hbm>>
      %dma_start3A_841 = arith.constant 0 : i32
      %dma_start3A_842 = tpu.memref_slice %arg6[%add3A_838, %dma_start3A_841] : memref<320000x272xf32, #tpu.memory_space<hbm>> -> memref<80x128xf32, #tpu.memory_space<hbm>>
      tpu.enqueue_dma source(%arg17 : memref<80x128xf32, #tpu.memory_space<vmem>>) target(%dma_start3A_842 : memref<80x128xf32, #tpu.memory_space<hbm>>) target_semaphore(%arg37 : memref<!tpu.dma_semaphore, #tpu.memory_space<semaphore_mem>>)
      %dma_start3A_843 = arith.constant 128 : i32
      %dma_start3A_844 = tpu.memref_slice %arg6[%add3A_838, %dma_start3A_843] : memref<320000x272xf32, #tpu.memory_space<hbm>> -> memref<80x128xf32, #tpu.memory_space<hbm>>
      %dma_start3A_845 = arith.constant 128 : i32
      %dma_start3A_846 = tpu.memref_slice %arg6[%add3A_838, %dma_start3A_845] : memref<320000x272xf32, #tpu.memory_space<hbm>> -> memref<80x128xf32, #tpu.memory_space<hbm>>
      tpu.enqueue_dma source(%arg21 : memref<80x128xf32, #tpu.memory_space<vmem>>) target(%dma_start3A_846 : memref<80x128xf32, #tpu.memory_space<hbm>>) target_semaphore(%arg37 : memref<!tpu.dma_semaphore, #tpu.memory_space<semaphore_mem>>)
      %dma_start3A_847 = arith.constant 256 : i32
      %dma_start3A_848 = tpu.memref_slice %arg6[%add3A_838, %dma_start3A_847] : memref<320000x272xf32, #tpu.memory_space<hbm>> -> memref<80x16xf32, #tpu.memory_space<hbm>>
      %dma_start3A_849 = arith.constant 256 : i32
      %dma_start3A_850 = tpu.memref_slice %arg6[%add3A_838, %dma_start3A_849] : memref<320000x272xf32, #tpu.memory_space<hbm>> -> memref<80x16xf32, #tpu.memory_space<hbm>>
      tpu.enqueue_dma source(%arg25 : memref<80x16xf32, #tpu.memory_space<vmem>>) target(%dma_start3A_850 : memref<80x16xf32, #tpu.memory_space<hbm>>) target_semaphore(%arg37 : memref<!tpu.dma_semaphore, #tpu.memory_space<semaphore_mem>>)
      %dma_wait3A_851 = arith.constant 0 : i32
      %dma_wait3A_852 = tpu.memref_slice %arg6[%mul3A_2, %dma_wait3A_851] : memref<320000x272xf32, #tpu.memory_space<hbm>> -> memref<80x128xf32, #tpu.memory_space<hbm>>
      %dma_wait3A_853 = arith.constant 0 : i32
      %dma_wait3A_854 = tpu.memref_slice %arg6[%mul3A_2, %dma_wait3A_853] : memref<320000x272xf32, #tpu.memory_space<hbm>> -> memref<80x128xf32, #tpu.memory_space<hbm>>
      tpu.wait_dma2 semaphore(%arg35 : memref<!tpu.dma_semaphore, #tpu.memory_space<semaphore_mem>>) src(%arg15 : memref<80x128xf32, #tpu.memory_space<vmem>>) dst(%dma_wait3A_854 : memref<80x128xf32, #tpu.memory_space<hbm>>)
      %dma_wait3A_855 = arith.constant 128 : i32
      %dma_wait3A_856 = tpu.memref_slice %arg6[%mul3A_2, %dma_wait3A_855] : memref<320000x272xf32, #tpu.memory_space<hbm>> -> memref<80x128xf32, #tpu.memory_space<hbm>>
      %dma_wait3A_857 = arith.constant 128 : i32
      %dma_wait3A_858 = tpu.memref_slice %arg6[%mul3A_2, %dma_wait3A_857] : memref<320000x272xf32, #tpu.memory_space<hbm>> -> memref<80x128xf32, #tpu.memory_space<hbm>>
      tpu.wait_dma2 semaphore(%arg35 : memref<!tpu.dma_semaphore, #tpu.memory_space<semaphore_mem>>) src(%arg19 : memref<80x128xf32, #tpu.memory_space<vmem>>) dst(%dma_wait3A_858 : memref<80x128xf32, #tpu.memory_space<hbm>>)
      %dma_wait3A_859 = arith.constant 256 : i32
      %dma_wait3A_860 = tpu.memref_slice %arg6[%mul3A_2, %dma_wait3A_859] : memref<320000x272xf32, #tpu.memory_space<hbm>> -> memref<80x16xf32, #tpu.memory_space<hbm>>
      %dma_wait3A_861 = arith.constant 256 : i32
      %dma_wait3A_862 = tpu.memref_slice %arg6[%mul3A_2, %dma_wait3A_861] : memref<320000x272xf32, #tpu.memory_space<hbm>> -> memref<80x16xf32, #tpu.memory_space<hbm>>
      tpu.wait_dma2 semaphore(%arg35 : memref<!tpu.dma_semaphore, #tpu.memory_space<semaphore_mem>>) src(%arg23 : memref<80x16xf32, #tpu.memory_space<vmem>>) dst(%dma_wait3A_862 : memref<80x16xf32, #tpu.memory_space<hbm>>)
      %dma_wait3A_863 = arith.constant 0 : i32
      %dma_wait3A_864 = tpu.memref_slice %arg4[%dma_wait3A_863] : memref<320000xi32, #tpu.memory_space<hbm>> -> memref<80xi32, #tpu.memory_space<hbm>>
      %dma_wait3A_865 = arith.constant 0 : i32
      %dma_wait3A_866 = tpu.memref_slice %arg4[%dma_wait3A_865] : memref<320000xi32, #tpu.memory_space<hbm>> -> memref<80xi32, #tpu.memory_space<hbm>>
      tpu.wait_dma2 semaphore(%arg27 : memref<!tpu.dma_semaphore, #tpu.memory_space<semaphore_mem>>) src(%dma_wait3A_866 : memref<80xi32, #tpu.memory_space<hbm>>) dst(%arg7 : memref<80xi32, #tpu.memory_space<vmem>>)
      %dma_wait3A_867 = arith.constant 0 : i32
      %dma_wait3A_868 = tpu.memref_slice %arg5[%dma_wait3A_867] : memref<320000xi32, #tpu.memory_space<hbm>> -> memref<80xi32, #tpu.memory_space<hbm>>
      %dma_wait3A_869 = arith.constant 0 : i32
      %dma_wait3A_870 = tpu.memref_slice %arg5[%dma_wait3A_869] : memref<320000xi32, #tpu.memory_space<hbm>> -> memref<80xi32, #tpu.memory_space<hbm>>
      tpu.wait_dma2 semaphore(%arg27 : memref<!tpu.dma_semaphore, #tpu.memory_space<semaphore_mem>>) src(%dma_wait3A_870 : memref<80xi32, #tpu.memory_space<hbm>>) dst(%arg11 : memref<80xi32, #tpu.memory_space<vmem>>)
      %add3A_871 = arith.constant 2 : i32
      %add3A_872 = arith.addi %add3A_808, %add3A_871 : i32
      %mul3A_873 = arith.constant 80 : i32
      %mul3A_874 = arith.muli %add3A_872, %mul3A_873 : i32
      %add3A_875 = arith.addi %mul3A_2, %mul3A_874 : i32
      %dma_start3A_876 = arith.constant 0 : i32
      %dma_start3A_877 = arith.constant 0 : i32
      %dma_start3A_878 = tpu.memref_slice %arg2[%dma_start3A_876, %dma_start3A_877] : memref<10000x128xf32, #tpu.memory_space<hbm>> -> memref<10000x128xf32, #tpu.memory_space<hbm>>
      tpu.enqueue_indirect_dma source(%dma_start3A_878 : memref<10000x128xf32, #tpu.memory_space<hbm>>) target(%arg15 : memref<80x128xf32, #tpu.memory_space<vmem>>) offsets(%arg7 : memref<80xi32, #tpu.memory_space<vmem>>) semaphore(%arg31 : memref<!tpu.dma_semaphore, #tpu.memory_space<semaphore_mem>>)
      %dma_start3A_879 = arith.constant 0 : i32
      %dma_start3A_880 = arith.constant 0 : i32
      %dma_start3A_881 = tpu.memref_slice %arg2[%dma_start3A_879, %dma_start3A_880] : memref<10000x128xf32, #tpu.memory_space<hbm>> -> memref<10000x128xf32, #tpu.memory_space<hbm>>
      tpu.enqueue_indirect_dma source(%dma_start3A_881 : memref<10000x128xf32, #tpu.memory_space<hbm>>) target(%arg19 : memref<80x128xf32, #tpu.memory_space<vmem>>) offsets(%arg11 : memref<80xi32, #tpu.memory_space<vmem>>) semaphore(%arg31 : memref<!tpu.dma_semaphore, #tpu.memory_space<semaphore_mem>>)
      %dma_start3A_882 = arith.constant 0 : i32
      %dma_start3A_883 = tpu.memref_slice %arg3[%add3A_875, %dma_start3A_882] : memref<320000x16xf32, #tpu.memory_space<hbm>> -> memref<80x16xf32, #tpu.memory_space<hbm>>
      %dma_start3A_884 = arith.constant 0 : i32
      %dma_start3A_885 = tpu.memref_slice %arg3[%add3A_875, %dma_start3A_884] : memref<320000x16xf32, #tpu.memory_space<hbm>> -> memref<80x16xf32, #tpu.memory_space<hbm>>
      tpu.enqueue_dma source(%dma_start3A_885 : memref<80x16xf32, #tpu.memory_space<hbm>>) target(%arg23 : memref<80x16xf32, #tpu.memory_space<vmem>>) target_semaphore(%arg31 : memref<!tpu.dma_semaphore, #tpu.memory_space<semaphore_mem>>)
      %mul3A_886 = arith.constant 4 : i32
      %mul3A_887 = arith.muli %scan3A_636, %mul3A_886 : i32
      %add3A_888 = arith.constant 4 : i32
      %add3A_889 = arith.addi %add3A_888, %mul3A_887 : i32
      %add3A_890 = arith.constant 3 : i32
      %add3A_891 = arith.addi %add3A_889, %add3A_890 : i32
      %dma_wait3A_892 = arith.constant 0 : i32
      %dma_wait3A_893 = arith.constant 0 : i32
      %dma_wait3A_894 = tpu.memref_slice %arg2[%dma_wait3A_892, %dma_wait3A_893] : memref<10000x128xf32, #tpu.memory_space<hbm>> -> memref<80x128xf32, #tpu.memory_space<hbm>>
      %dma_wait3A_895 = arith.constant 0 : i32
      %dma_wait3A_896 = arith.constant 0 : i32
      %dma_wait3A_897 = tpu.memref_slice %arg2[%dma_wait3A_895, %dma_wait3A_896] : memref<10000x128xf32, #tpu.memory_space<hbm>> -> memref<80x128xf32, #tpu.memory_space<hbm>>
      tpu.wait_dma2 semaphore(%arg34 : memref<!tpu.dma_semaphore, #tpu.memory_space<semaphore_mem>>) src(%dma_wait3A_897 : memref<80x128xf32, #tpu.memory_space<hbm>>) dst(%arg18 : memref<80x128xf32, #tpu.memory_space<vmem>>)
      %dma_wait3A_898 = arith.constant 0 : i32
      %dma_wait3A_899 = arith.constant 0 : i32
      %dma_wait3A_900 = tpu.memref_slice %arg2[%dma_wait3A_898, %dma_wait3A_899] : memref<10000x128xf32, #tpu.memory_space<hbm>> -> memref<80x128xf32, #tpu.memory_space<hbm>>
      %dma_wait3A_901 = arith.constant 0 : i32
      %dma_wait3A_902 = arith.constant 0 : i32
      %dma_wait3A_903 = tpu.memref_slice %arg2[%dma_wait3A_901, %dma_wait3A_902] : memref<10000x128xf32, #tpu.memory_space<hbm>> -> memref<80x128xf32, #tpu.memory_space<hbm>>
      tpu.wait_dma2 semaphore(%arg34 : memref<!tpu.dma_semaphore, #tpu.memory_space<semaphore_mem>>) src(%dma_wait3A_903 : memref<80x128xf32, #tpu.memory_space<hbm>>) dst(%arg22 : memref<80x128xf32, #tpu.memory_space<vmem>>)
      %dma_wait3A_904 = arith.constant 0 : i32
      %dma_wait3A_905 = arith.constant 0 : i32
      %dma_wait3A_906 = tpu.memref_slice %arg3[%dma_wait3A_904, %dma_wait3A_905] : memref<320000x16xf32, #tpu.memory_space<hbm>> -> memref<80x16xf32, #tpu.memory_space<hbm>>
      %dma_wait3A_907 = arith.constant 0 : i32
      %dma_wait3A_908 = arith.constant 0 : i32
      %dma_wait3A_909 = tpu.memref_slice %arg3[%dma_wait3A_907, %dma_wait3A_908] : memref<320000x16xf32, #tpu.memory_space<hbm>> -> memref<80x16xf32, #tpu.memory_space<hbm>>
      tpu.wait_dma2 semaphore(%arg34 : memref<!tpu.dma_semaphore, #tpu.memory_space<semaphore_mem>>) src(%dma_wait3A_909 : memref<80x16xf32, #tpu.memory_space<hbm>>) dst(%arg26 : memref<80x16xf32, #tpu.memory_space<vmem>>)
      %add3A_910 = arith.constant 4 : i32
      %add3A_911 = arith.addi %add3A_891, %add3A_910 : i32
      %mul3A_912 = arith.constant 80 : i32
      %mul3A_913 = arith.muli %add3A_911, %mul3A_912 : i32
      %add3A_914 = arith.addi %mul3A_2, %mul3A_913 : i32
      %dma_start3A_915 = tpu.memref_slice %arg4[%add3A_914] : memref<320000xi32, #tpu.memory_space<hbm>> -> memref<80xi32, #tpu.memory_space<hbm>>
      %dma_start3A_916 = tpu.memref_slice %arg4[%add3A_914] : memref<320000xi32, #tpu.memory_space<hbm>> -> memref<80xi32, #tpu.memory_space<hbm>>
      tpu.enqueue_dma source(%dma_start3A_916 : memref<80xi32, #tpu.memory_space<hbm>>) target(%arg10 : memref<80xi32, #tpu.memory_space<vmem>>) target_semaphore(%arg30 : memref<!tpu.dma_semaphore, #tpu.memory_space<semaphore_mem>>)
      %dma_start3A_917 = tpu.memref_slice %arg5[%add3A_914] : memref<320000xi32, #tpu.memory_space<hbm>> -> memref<80xi32, #tpu.memory_space<hbm>>
      %dma_start3A_918 = tpu.memref_slice %arg5[%add3A_914] : memref<320000xi32, #tpu.memory_space<hbm>> -> memref<80xi32, #tpu.memory_space<hbm>>
      tpu.enqueue_dma source(%dma_start3A_918 : memref<80xi32, #tpu.memory_space<hbm>>) target(%arg14 : memref<80xi32, #tpu.memory_space<vmem>>) target_semaphore(%arg30 : memref<!tpu.dma_semaphore, #tpu.memory_space<semaphore_mem>>)
      %mul3A_919 = arith.constant 80 : i32
      %mul3A_920 = arith.muli %add3A_891, %mul3A_919 : i32
      %add3A_921 = arith.addi %mul3A_2, %mul3A_920 : i32
      %dma_start3A_922 = arith.constant 0 : i32
      %dma_start3A_923 = tpu.memref_slice %arg6[%add3A_921, %dma_start3A_922] : memref<320000x272xf32, #tpu.memory_space<hbm>> -> memref<80x128xf32, #tpu.memory_space<hbm>>
      %dma_start3A_924 = arith.constant 0 : i32
      %dma_start3A_925 = tpu.memref_slice %arg6[%add3A_921, %dma_start3A_924] : memref<320000x272xf32, #tpu.memory_space<hbm>> -> memref<80x128xf32, #tpu.memory_space<hbm>>
      tpu.enqueue_dma source(%arg18 : memref<80x128xf32, #tpu.memory_space<vmem>>) target(%dma_start3A_925 : memref<80x128xf32, #tpu.memory_space<hbm>>) target_semaphore(%arg38 : memref<!tpu.dma_semaphore, #tpu.memory_space<semaphore_mem>>)
      %dma_start3A_926 = arith.constant 128 : i32
      %dma_start3A_927 = tpu.memref_slice %arg6[%add3A_921, %dma_start3A_926] : memref<320000x272xf32, #tpu.memory_space<hbm>> -> memref<80x128xf32, #tpu.memory_space<hbm>>
      %dma_start3A_928 = arith.constant 128 : i32
      %dma_start3A_929 = tpu.memref_slice %arg6[%add3A_921, %dma_start3A_928] : memref<320000x272xf32, #tpu.memory_space<hbm>> -> memref<80x128xf32, #tpu.memory_space<hbm>>
      tpu.enqueue_dma source(%arg22 : memref<80x128xf32, #tpu.memory_space<vmem>>) target(%dma_start3A_929 : memref<80x128xf32, #tpu.memory_space<hbm>>) target_semaphore(%arg38 : memref<!tpu.dma_semaphore, #tpu.memory_space<semaphore_mem>>)
      %dma_start3A_930 = arith.constant 256 : i32
      %dma_start3A_931 = tpu.memref_slice %arg6[%add3A_921, %dma_start3A_930] : memref<320000x272xf32, #tpu.memory_space<hbm>> -> memref<80x16xf32, #tpu.memory_space<hbm>>
      %dma_start3A_932 = arith.constant 256 : i32
      %dma_start3A_933 = tpu.memref_slice %arg6[%add3A_921, %dma_start3A_932] : memref<320000x272xf32, #tpu.memory_space<hbm>> -> memref<80x16xf32, #tpu.memory_space<hbm>>
      tpu.enqueue_dma source(%arg26 : memref<80x16xf32, #tpu.memory_space<vmem>>) target(%dma_start3A_933 : memref<80x16xf32, #tpu.memory_space<hbm>>) target_semaphore(%arg38 : memref<!tpu.dma_semaphore, #tpu.memory_space<semaphore_mem>>)
      %dma_wait3A_934 = arith.constant 0 : i32
      %dma_wait3A_935 = tpu.memref_slice %arg6[%mul3A_2, %dma_wait3A_934] : memref<320000x272xf32, #tpu.memory_space<hbm>> -> memref<80x128xf32, #tpu.memory_space<hbm>>
      %dma_wait3A_936 = arith.constant 0 : i32
      %dma_wait3A_937 = tpu.memref_slice %arg6[%mul3A_2, %dma_wait3A_936] : memref<320000x272xf32, #tpu.memory_space<hbm>> -> memref<80x128xf32, #tpu.memory_space<hbm>>
      tpu.wait_dma2 semaphore(%arg36 : memref<!tpu.dma_semaphore, #tpu.memory_space<semaphore_mem>>) src(%arg16 : memref<80x128xf32, #tpu.memory_space<vmem>>) dst(%dma_wait3A_937 : memref<80x128xf32, #tpu.memory_space<hbm>>)
      %dma_wait3A_938 = arith.constant 128 : i32
      %dma_wait3A_939 = tpu.memref_slice %arg6[%mul3A_2, %dma_wait3A_938] : memref<320000x272xf32, #tpu.memory_space<hbm>> -> memref<80x128xf32, #tpu.memory_space<hbm>>
      %dma_wait3A_940 = arith.constant 128 : i32
      %dma_wait3A_941 = tpu.memref_slice %arg6[%mul3A_2, %dma_wait3A_940] : memref<320000x272xf32, #tpu.memory_space<hbm>> -> memref<80x128xf32, #tpu.memory_space<hbm>>
      tpu.wait_dma2 semaphore(%arg36 : memref<!tpu.dma_semaphore, #tpu.memory_space<semaphore_mem>>) src(%arg20 : memref<80x128xf32, #tpu.memory_space<vmem>>) dst(%dma_wait3A_941 : memref<80x128xf32, #tpu.memory_space<hbm>>)
      %dma_wait3A_942 = arith.constant 256 : i32
      %dma_wait3A_943 = tpu.memref_slice %arg6[%mul3A_2, %dma_wait3A_942] : memref<320000x272xf32, #tpu.memory_space<hbm>> -> memref<80x16xf32, #tpu.memory_space<hbm>>
      %dma_wait3A_944 = arith.constant 256 : i32
      %dma_wait3A_945 = tpu.memref_slice %arg6[%mul3A_2, %dma_wait3A_944] : memref<320000x272xf32, #tpu.memory_space<hbm>> -> memref<80x16xf32, #tpu.memory_space<hbm>>
      tpu.wait_dma2 semaphore(%arg36 : memref<!tpu.dma_semaphore, #tpu.memory_space<semaphore_mem>>) src(%arg24 : memref<80x16xf32, #tpu.memory_space<vmem>>) dst(%dma_wait3A_945 : memref<80x16xf32, #tpu.memory_space<hbm>>)
      %dma_wait3A_946 = arith.constant 0 : i32
      %dma_wait3A_947 = tpu.memref_slice %arg4[%dma_wait3A_946] : memref<320000xi32, #tpu.memory_space<hbm>> -> memref<80xi32, #tpu.memory_space<hbm>>
      %dma_wait3A_948 = arith.constant 0 : i32
      %dma_wait3A_949 = tpu.memref_slice %arg4[%dma_wait3A_948] : memref<320000xi32, #tpu.memory_space<hbm>> -> memref<80xi32, #tpu.memory_space<hbm>>
      tpu.wait_dma2 semaphore(%arg28 : memref<!tpu.dma_semaphore, #tpu.memory_space<semaphore_mem>>) src(%dma_wait3A_949 : memref<80xi32, #tpu.memory_space<hbm>>) dst(%arg8 : memref<80xi32, #tpu.memory_space<vmem>>)
      %dma_wait3A_950 = arith.constant 0 : i32
      %dma_wait3A_951 = tpu.memref_slice %arg5[%dma_wait3A_950] : memref<320000xi32, #tpu.memory_space<hbm>> -> memref<80xi32, #tpu.memory_space<hbm>>
      %dma_wait3A_952 = arith.constant 0 : i32
      %dma_wait3A_953 = tpu.memref_slice %arg5[%dma_wait3A_952] : memref<320000xi32, #tpu.memory_space<hbm>> -> memref<80xi32, #tpu.memory_space<hbm>>
      tpu.wait_dma2 semaphore(%arg28 : memref<!tpu.dma_semaphore, #tpu.memory_space<semaphore_mem>>) src(%dma_wait3A_953 : memref<80xi32, #tpu.memory_space<hbm>>) dst(%arg12 : memref<80xi32, #tpu.memory_space<vmem>>)
      %add3A_954 = arith.constant 2 : i32
      %add3A_955 = arith.addi %add3A_891, %add3A_954 : i32
      %mul3A_956 = arith.constant 80 : i32
      %mul3A_957 = arith.muli %add3A_955, %mul3A_956 : i32
      %add3A_958 = arith.addi %mul3A_2, %mul3A_957 : i32
      %dma_start3A_959 = arith.constant 0 : i32
      %dma_start3A_960 = arith.constant 0 : i32
      %dma_start3A_961 = tpu.memref_slice %arg2[%dma_start3A_959, %dma_start3A_960] : memref<10000x128xf32, #tpu.memory_space<hbm>> -> memref<10000x128xf32, #tpu.memory_space<hbm>>
      tpu.enqueue_indirect_dma source(%dma_start3A_961 : memref<10000x128xf32, #tpu.memory_space<hbm>>) target(%arg16 : memref<80x128xf32, #tpu.memory_space<vmem>>) offsets(%arg8 : memref<80xi32, #tpu.memory_space<vmem>>) semaphore(%arg32 : memref<!tpu.dma_semaphore, #tpu.memory_space<semaphore_mem>>)
      %dma_start3A_962 = arith.constant 0 : i32
      %dma_start3A_963 = arith.constant 0 : i32
      %dma_start3A_964 = tpu.memref_slice %arg2[%dma_start3A_962, %dma_start3A_963] : memref<10000x128xf32, #tpu.memory_space<hbm>> -> memref<10000x128xf32, #tpu.memory_space<hbm>>
      tpu.enqueue_indirect_dma source(%dma_start3A_964 : memref<10000x128xf32, #tpu.memory_space<hbm>>) target(%arg20 : memref<80x128xf32, #tpu.memory_space<vmem>>) offsets(%arg12 : memref<80xi32, #tpu.memory_space<vmem>>) semaphore(%arg32 : memref<!tpu.dma_semaphore, #tpu.memory_space<semaphore_mem>>)
      %dma_start3A_965 = arith.constant 0 : i32
      %dma_start3A_966 = tpu.memref_slice %arg3[%add3A_958, %dma_start3A_965] : memref<320000x16xf32, #tpu.memory_space<hbm>> -> memref<80x16xf32, #tpu.memory_space<hbm>>
      %dma_start3A_967 = arith.constant 0 : i32
      %dma_start3A_968 = tpu.memref_slice %arg3[%add3A_958, %dma_start3A_967] : memref<320000x16xf32, #tpu.memory_space<hbm>> -> memref<80x16xf32, #tpu.memory_space<hbm>>
      tpu.enqueue_dma source(%dma_start3A_968 : memref<80x16xf32, #tpu.memory_space<hbm>>) target(%arg24 : memref<80x16xf32, #tpu.memory_space<vmem>>) target_semaphore(%arg32 : memref<!tpu.dma_semaphore, #tpu.memory_space<semaphore_mem>>)
    }
    %scan3A_325 = arith.constant 29 : i32
    %dma_wait3A_326 = arith.constant 0 : i32
    %dma_wait3A_327 = arith.constant 0 : i32
    %dma_wait3A_328 = tpu.memref_slice %arg2[%dma_wait3A_326, %dma_wait3A_327] : memref<10000x128xf32, #tpu.memory_space<hbm>> -> memref<80x128xf32, #tpu.memory_space<hbm>>
    %dma_wait3A_329 = arith.constant 0 : i32
    %dma_wait3A_330 = arith.constant 0 : i32
    %dma_wait3A_331 = tpu.memref_slice %arg2[%dma_wait3A_329, %dma_wait3A_330] : memref<10000x128xf32, #tpu.memory_space<hbm>> -> memref<80x128xf32, #tpu.memory_space<hbm>>
    tpu.wait_dma2 semaphore(%arg31 : memref<!tpu.dma_semaphore, #tpu.memory_space<semaphore_mem>>) src(%dma_wait3A_331 : memref<80x128xf32, #tpu.memory_space<hbm>>) dst(%arg15 : memref<80x128xf32, #tpu.memory_space<vmem>>)
    %dma_wait3A_332 = arith.constant 0 : i32
    %dma_wait3A_333 = arith.constant 0 : i32
    %dma_wait3A_334 = tpu.memref_slice %arg2[%dma_wait3A_332, %dma_wait3A_333] : memref<10000x128xf32, #tpu.memory_space<hbm>> -> memref<80x128xf32, #tpu.memory_space<hbm>>
    %dma_wait3A_335 = arith.constant 0 : i32
    %dma_wait3A_336 = arith.constant 0 : i32
    %dma_wait3A_337 = tpu.memref_slice %arg2[%dma_wait3A_335, %dma_wait3A_336] : memref<10000x128xf32, #tpu.memory_space<hbm>> -> memref<80x128xf32, #tpu.memory_space<hbm>>
    tpu.wait_dma2 semaphore(%arg31 : memref<!tpu.dma_semaphore, #tpu.memory_space<semaphore_mem>>) src(%dma_wait3A_337 : memref<80x128xf32, #tpu.memory_space<hbm>>) dst(%arg19 : memref<80x128xf32, #tpu.memory_space<vmem>>)
    %dma_wait3A_338 = arith.constant 0 : i32
    %dma_wait3A_339 = arith.constant 0 : i32
    %dma_wait3A_340 = tpu.memref_slice %arg3[%dma_wait3A_338, %dma_wait3A_339] : memref<320000x16xf32, #tpu.memory_space<hbm>> -> memref<80x16xf32, #tpu.memory_space<hbm>>
    %dma_wait3A_341 = arith.constant 0 : i32
    %dma_wait3A_342 = arith.constant 0 : i32
    %dma_wait3A_343 = tpu.memref_slice %arg3[%dma_wait3A_341, %dma_wait3A_342] : memref<320000x16xf32, #tpu.memory_space<hbm>> -> memref<80x16xf32, #tpu.memory_space<hbm>>
    tpu.wait_dma2 semaphore(%arg31 : memref<!tpu.dma_semaphore, #tpu.memory_space<semaphore_mem>>) src(%dma_wait3A_343 : memref<80x16xf32, #tpu.memory_space<hbm>>) dst(%arg23 : memref<80x16xf32, #tpu.memory_space<vmem>>)
    %add3A_344 = arith.constant 9920 : i32
    %add3A_345 = arith.addi %mul3A_2, %add3A_344 : i32
    %dma_start3A_346 = tpu.memref_slice %arg4[%add3A_345] : memref<320000xi32, #tpu.memory_space<hbm>> -> memref<80xi32, #tpu.memory_space<hbm>>
    %dma_start3A_347 = tpu.memref_slice %arg4[%add3A_345] : memref<320000xi32, #tpu.memory_space<hbm>> -> memref<80xi32, #tpu.memory_space<hbm>>
    tpu.enqueue_dma source(%dma_start3A_347 : memref<80xi32, #tpu.memory_space<hbm>>) target(%arg7 : memref<80xi32, #tpu.memory_space<vmem>>) target_semaphore(%arg27 : memref<!tpu.dma_semaphore, #tpu.memory_space<semaphore_mem>>)
    %dma_start3A_348 = tpu.memref_slice %arg5[%add3A_345] : memref<320000xi32, #tpu.memory_space<hbm>> -> memref<80xi32, #tpu.memory_space<hbm>>
    %dma_start3A_349 = tpu.memref_slice %arg5[%add3A_345] : memref<320000xi32, #tpu.memory_space<hbm>> -> memref<80xi32, #tpu.memory_space<hbm>>
    tpu.enqueue_dma source(%dma_start3A_349 : memref<80xi32, #tpu.memory_space<hbm>>) target(%arg11 : memref<80xi32, #tpu.memory_space<vmem>>) target_semaphore(%arg27 : memref<!tpu.dma_semaphore, #tpu.memory_space<semaphore_mem>>)
    %add3A_350 = arith.constant 9600 : i32
    %add3A_351 = arith.addi %mul3A_2, %add3A_350 : i32
    %dma_start3A_352 = arith.constant 0 : i32
    %dma_start3A_353 = tpu.memref_slice %arg6[%add3A_351, %dma_start3A_352] : memref<320000x272xf32, #tpu.memory_space<hbm>> -> memref<80x128xf32, #tpu.memory_space<hbm>>
    %dma_start3A_354 = arith.constant 0 : i32
    %dma_start3A_355 = tpu.memref_slice %arg6[%add3A_351, %dma_start3A_354] : memref<320000x272xf32, #tpu.memory_space<hbm>> -> memref<80x128xf32, #tpu.memory_space<hbm>>
    tpu.enqueue_dma source(%arg15 : memref<80x128xf32, #tpu.memory_space<vmem>>) target(%dma_start3A_355 : memref<80x128xf32, #tpu.memory_space<hbm>>) target_semaphore(%arg35 : memref<!tpu.dma_semaphore, #tpu.memory_space<semaphore_mem>>)
    %dma_start3A_356 = arith.constant 128 : i32
    %dma_start3A_357 = tpu.memref_slice %arg6[%add3A_351, %dma_start3A_356] : memref<320000x272xf32, #tpu.memory_space<hbm>> -> memref<80x128xf32, #tpu.memory_space<hbm>>
    %dma_start3A_358 = arith.constant 128 : i32
    %dma_start3A_359 = tpu.memref_slice %arg6[%add3A_351, %dma_start3A_358] : memref<320000x272xf32, #tpu.memory_space<hbm>> -> memref<80x128xf32, #tpu.memory_space<hbm>>
    tpu.enqueue_dma source(%arg19 : memref<80x128xf32, #tpu.memory_space<vmem>>) target(%dma_start3A_359 : memref<80x128xf32, #tpu.memory_space<hbm>>) target_semaphore(%arg35 : memref<!tpu.dma_semaphore, #tpu.memory_space<semaphore_mem>>)
    %dma_start3A_360 = arith.constant 256 : i32
    %dma_start3A_361 = tpu.memref_slice %arg6[%add3A_351, %dma_start3A_360] : memref<320000x272xf32, #tpu.memory_space<hbm>> -> memref<80x16xf32, #tpu.memory_space<hbm>>
    %dma_start3A_362 = arith.constant 256 : i32
    %dma_start3A_363 = tpu.memref_slice %arg6[%add3A_351, %dma_start3A_362] : memref<320000x272xf32, #tpu.memory_space<hbm>> -> memref<80x16xf32, #tpu.memory_space<hbm>>
    tpu.enqueue_dma source(%arg23 : memref<80x16xf32, #tpu.memory_space<vmem>>) target(%dma_start3A_363 : memref<80x16xf32, #tpu.memory_space<hbm>>) target_semaphore(%arg35 : memref<!tpu.dma_semaphore, #tpu.memory_space<semaphore_mem>>)
    %dma_wait3A_364 = arith.constant 0 : i32
    %dma_wait3A_365 = tpu.memref_slice %arg6[%mul3A_2, %dma_wait3A_364] : memref<320000x272xf32, #tpu.memory_space<hbm>> -> memref<80x128xf32, #tpu.memory_space<hbm>>
    %dma_wait3A_366 = arith.constant 0 : i32
    %dma_wait3A_367 = tpu.memref_slice %arg6[%mul3A_2, %dma_wait3A_366] : memref<320000x272xf32, #tpu.memory_space<hbm>> -> memref<80x128xf32, #tpu.memory_space<hbm>>
    tpu.wait_dma2 semaphore(%arg37 : memref<!tpu.dma_semaphore, #tpu.memory_space<semaphore_mem>>) src(%arg17 : memref<80x128xf32, #tpu.memory_space<vmem>>) dst(%dma_wait3A_367 : memref<80x128xf32, #tpu.memory_space<hbm>>)
    %dma_wait3A_368 = arith.constant 128 : i32
    %dma_wait3A_369 = tpu.memref_slice %arg6[%mul3A_2, %dma_wait3A_368] : memref<320000x272xf32, #tpu.memory_space<hbm>> -> memref<80x128xf32, #tpu.memory_space<hbm>>
    %dma_wait3A_370 = arith.constant 128 : i32
    %dma_wait3A_371 = tpu.memref_slice %arg6[%mul3A_2, %dma_wait3A_370] : memref<320000x272xf32, #tpu.memory_space<hbm>> -> memref<80x128xf32, #tpu.memory_space<hbm>>
    tpu.wait_dma2 semaphore(%arg37 : memref<!tpu.dma_semaphore, #tpu.memory_space<semaphore_mem>>) src(%arg21 : memref<80x128xf32, #tpu.memory_space<vmem>>) dst(%dma_wait3A_371 : memref<80x128xf32, #tpu.memory_space<hbm>>)
    %dma_wait3A_372 = arith.constant 256 : i32
    %dma_wait3A_373 = tpu.memref_slice %arg6[%mul3A_2, %dma_wait3A_372] : memref<320000x272xf32, #tpu.memory_space<hbm>> -> memref<80x16xf32, #tpu.memory_space<hbm>>
    %dma_wait3A_374 = arith.constant 256 : i32
    %dma_wait3A_375 = tpu.memref_slice %arg6[%mul3A_2, %dma_wait3A_374] : memref<320000x272xf32, #tpu.memory_space<hbm>> -> memref<80x16xf32, #tpu.memory_space<hbm>>
    tpu.wait_dma2 semaphore(%arg37 : memref<!tpu.dma_semaphore, #tpu.memory_space<semaphore_mem>>) src(%arg25 : memref<80x16xf32, #tpu.memory_space<vmem>>) dst(%dma_wait3A_375 : memref<80x16xf32, #tpu.memory_space<hbm>>)
    %dma_wait3A_376 = arith.constant 0 : i32
    %dma_wait3A_377 = tpu.memref_slice %arg4[%dma_wait3A_376] : memref<320000xi32, #tpu.memory_space<hbm>> -> memref<80xi32, #tpu.memory_space<hbm>>
    %dma_wait3A_378 = arith.constant 0 : i32
    %dma_wait3A_379 = tpu.memref_slice %arg4[%dma_wait3A_378] : memref<320000xi32, #tpu.memory_space<hbm>> -> memref<80xi32, #tpu.memory_space<hbm>>
    tpu.wait_dma2 semaphore(%arg29 : memref<!tpu.dma_semaphore, #tpu.memory_space<semaphore_mem>>) src(%dma_wait3A_379 : memref<80xi32, #tpu.memory_space<hbm>>) dst(%arg9 : memref<80xi32, #tpu.memory_space<vmem>>)
    %dma_wait3A_380 = arith.constant 0 : i32
    %dma_wait3A_381 = tpu.memref_slice %arg5[%dma_wait3A_380] : memref<320000xi32, #tpu.memory_space<hbm>> -> memref<80xi32, #tpu.memory_space<hbm>>
    %dma_wait3A_382 = arith.constant 0 : i32
    %dma_wait3A_383 = tpu.memref_slice %arg5[%dma_wait3A_382] : memref<320000xi32, #tpu.memory_space<hbm>> -> memref<80xi32, #tpu.memory_space<hbm>>
    tpu.wait_dma2 semaphore(%arg29 : memref<!tpu.dma_semaphore, #tpu.memory_space<semaphore_mem>>) src(%dma_wait3A_383 : memref<80xi32, #tpu.memory_space<hbm>>) dst(%arg13 : memref<80xi32, #tpu.memory_space<vmem>>)
    %add3A_384 = arith.constant 9760 : i32
    %add3A_385 = arith.addi %mul3A_2, %add3A_384 : i32
    %dma_start3A_386 = arith.constant 0 : i32
    %dma_start3A_387 = arith.constant 0 : i32
    %dma_start3A_388 = tpu.memref_slice %arg2[%dma_start3A_386, %dma_start3A_387] : memref<10000x128xf32, #tpu.memory_space<hbm>> -> memref<10000x128xf32, #tpu.memory_space<hbm>>
    tpu.enqueue_indirect_dma source(%dma_start3A_388 : memref<10000x128xf32, #tpu.memory_space<hbm>>) target(%arg17 : memref<80x128xf32, #tpu.memory_space<vmem>>) offsets(%arg9 : memref<80xi32, #tpu.memory_space<vmem>>) semaphore(%arg33 : memref<!tpu.dma_semaphore, #tpu.memory_space<semaphore_mem>>)
    %dma_start3A_389 = arith.constant 0 : i32
    %dma_start3A_390 = arith.constant 0 : i32
    %dma_start3A_391 = tpu.memref_slice %arg2[%dma_start3A_389, %dma_start3A_390] : memref<10000x128xf32, #tpu.memory_space<hbm>> -> memref<10000x128xf32, #tpu.memory_space<hbm>>
    tpu.enqueue_indirect_dma source(%dma_start3A_391 : memref<10000x128xf32, #tpu.memory_space<hbm>>) target(%arg21 : memref<80x128xf32, #tpu.memory_space<vmem>>) offsets(%arg13 : memref<80xi32, #tpu.memory_space<vmem>>) semaphore(%arg33 : memref<!tpu.dma_semaphore, #tpu.memory_space<semaphore_mem>>)
    %dma_start3A_392 = arith.constant 0 : i32
    %dma_start3A_393 = tpu.memref_slice %arg3[%add3A_385, %dma_start3A_392] : memref<320000x16xf32, #tpu.memory_space<hbm>> -> memref<80x16xf32, #tpu.memory_space<hbm>>
    %dma_start3A_394 = arith.constant 0 : i32
    %dma_start3A_395 = tpu.memref_slice %arg3[%add3A_385, %dma_start3A_394] : memref<320000x16xf32, #tpu.memory_space<hbm>> -> memref<80x16xf32, #tpu.memory_space<hbm>>
    tpu.enqueue_dma source(%dma_start3A_395 : memref<80x16xf32, #tpu.memory_space<hbm>>) target(%arg25 : memref<80x16xf32, #tpu.memory_space<vmem>>) target_semaphore(%arg33 : memref<!tpu.dma_semaphore, #tpu.memory_space<semaphore_mem>>)
    %dma_wait3A_396 = arith.constant 0 : i32
    %dma_wait3A_397 = arith.constant 0 : i32
    %dma_wait3A_398 = tpu.memref_slice %arg2[%dma_wait3A_396, %dma_wait3A_397] : memref<10000x128xf32, #tpu.memory_space<hbm>> -> memref<80x128xf32, #tpu.memory_space<hbm>>
    %dma_wait3A_399 = arith.constant 0 : i32
    %dma_wait3A_400 = arith.constant 0 : i32
    %dma_wait3A_401 = tpu.memref_slice %arg2[%dma_wait3A_399, %dma_wait3A_400] : memref<10000x128xf32, #tpu.memory_space<hbm>> -> memref<80x128xf32, #tpu.memory_space<hbm>>
    tpu.wait_dma2 semaphore(%arg32 : memref<!tpu.dma_semaphore, #tpu.memory_space<semaphore_mem>>) src(%dma_wait3A_401 : memref<80x128xf32, #tpu.memory_space<hbm>>) dst(%arg16 : memref<80x128xf32, #tpu.memory_space<vmem>>)
    %dma_wait3A_402 = arith.constant 0 : i32
    %dma_wait3A_403 = arith.constant 0 : i32
    %dma_wait3A_404 = tpu.memref_slice %arg2[%dma_wait3A_402, %dma_wait3A_403] : memref<10000x128xf32, #tpu.memory_space<hbm>> -> memref<80x128xf32, #tpu.memory_space<hbm>>
    %dma_wait3A_405 = arith.constant 0 : i32
    %dma_wait3A_406 = arith.constant 0 : i32
    %dma_wait3A_407 = tpu.memref_slice %arg2[%dma_wait3A_405, %dma_wait3A_406] : memref<10000x128xf32, #tpu.memory_space<hbm>> -> memref<80x128xf32, #tpu.memory_space<hbm>>
    tpu.wait_dma2 semaphore(%arg32 : memref<!tpu.dma_semaphore, #tpu.memory_space<semaphore_mem>>) src(%dma_wait3A_407 : memref<80x128xf32, #tpu.memory_space<hbm>>) dst(%arg20 : memref<80x128xf32, #tpu.memory_space<vmem>>)
    %dma_wait3A_408 = arith.constant 0 : i32
    %dma_wait3A_409 = arith.constant 0 : i32
    %dma_wait3A_410 = tpu.memref_slice %arg3[%dma_wait3A_408, %dma_wait3A_409] : memref<320000x16xf32, #tpu.memory_space<hbm>> -> memref<80x16xf32, #tpu.memory_space<hbm>>
    %dma_wait3A_411 = arith.constant 0 : i32
    %dma_wait3A_412 = arith.constant 0 : i32
    %dma_wait3A_413 = tpu.memref_slice %arg3[%dma_wait3A_411, %dma_wait3A_412] : memref<320000x16xf32, #tpu.memory_space<hbm>> -> memref<80x16xf32, #tpu.memory_space<hbm>>
    tpu.wait_dma2 semaphore(%arg32 : memref<!tpu.dma_semaphore, #tpu.memory_space<semaphore_mem>>) src(%dma_wait3A_413 : memref<80x16xf32, #tpu.memory_space<hbm>>) dst(%arg24 : memref<80x16xf32, #tpu.memory_space<vmem>>)
    %add3A_414 = arith.constant 9680 : i32
    %add3A_415 = arith.addi %mul3A_2, %add3A_414 : i32
    %dma_start3A_416 = arith.constant 0 : i32
    %dma_start3A_417 = tpu.memref_slice %arg6[%add3A_415, %dma_start3A_416] : memref<320000x272xf32, #tpu.memory_space<hbm>> -> memref<80x128xf32, #tpu.memory_space<hbm>>
    %dma_start3A_418 = arith.constant 0 : i32
    %dma_start3A_419 = tpu.memref_slice %arg6[%add3A_415, %dma_start3A_418] : memref<320000x272xf32, #tpu.memory_space<hbm>> -> memref<80x128xf32, #tpu.memory_space<hbm>>
    tpu.enqueue_dma source(%arg16 : memref<80x128xf32, #tpu.memory_space<vmem>>) target(%dma_start3A_419 : memref<80x128xf32, #tpu.memory_space<hbm>>) target_semaphore(%arg36 : memref<!tpu.dma_semaphore, #tpu.memory_space<semaphore_mem>>)
    %dma_start3A_420 = arith.constant 128 : i32
    %dma_start3A_421 = tpu.memref_slice %arg6[%add3A_415, %dma_start3A_420] : memref<320000x272xf32, #tpu.memory_space<hbm>> -> memref<80x128xf32, #tpu.memory_space<hbm>>
    %dma_start3A_422 = arith.constant 128 : i32
    %dma_start3A_423 = tpu.memref_slice %arg6[%add3A_415, %dma_start3A_422] : memref<320000x272xf32, #tpu.memory_space<hbm>> -> memref<80x128xf32, #tpu.memory_space<hbm>>
    tpu.enqueue_dma source(%arg20 : memref<80x128xf32, #tpu.memory_space<vmem>>) target(%dma_start3A_423 : memref<80x128xf32, #tpu.memory_space<hbm>>) target_semaphore(%arg36 : memref<!tpu.dma_semaphore, #tpu.memory_space<semaphore_mem>>)
    %dma_start3A_424 = arith.constant 256 : i32
    %dma_start3A_425 = tpu.memref_slice %arg6[%add3A_415, %dma_start3A_424] : memref<320000x272xf32, #tpu.memory_space<hbm>> -> memref<80x16xf32, #tpu.memory_space<hbm>>
    %dma_start3A_426 = arith.constant 256 : i32
    %dma_start3A_427 = tpu.memref_slice %arg6[%add3A_415, %dma_start3A_426] : memref<320000x272xf32, #tpu.memory_space<hbm>> -> memref<80x16xf32, #tpu.memory_space<hbm>>
    tpu.enqueue_dma source(%arg24 : memref<80x16xf32, #tpu.memory_space<vmem>>) target(%dma_start3A_427 : memref<80x16xf32, #tpu.memory_space<hbm>>) target_semaphore(%arg36 : memref<!tpu.dma_semaphore, #tpu.memory_space<semaphore_mem>>)
    %dma_wait3A_428 = arith.constant 0 : i32
    %dma_wait3A_429 = tpu.memref_slice %arg6[%mul3A_2, %dma_wait3A_428] : memref<320000x272xf32, #tpu.memory_space<hbm>> -> memref<80x128xf32, #tpu.memory_space<hbm>>
    %dma_wait3A_430 = arith.constant 0 : i32
    %dma_wait3A_431 = tpu.memref_slice %arg6[%mul3A_2, %dma_wait3A_430] : memref<320000x272xf32, #tpu.memory_space<hbm>> -> memref<80x128xf32, #tpu.memory_space<hbm>>
    tpu.wait_dma2 semaphore(%arg38 : memref<!tpu.dma_semaphore, #tpu.memory_space<semaphore_mem>>) src(%arg18 : memref<80x128xf32, #tpu.memory_space<vmem>>) dst(%dma_wait3A_431 : memref<80x128xf32, #tpu.memory_space<hbm>>)
    %dma_wait3A_432 = arith.constant 128 : i32
    %dma_wait3A_433 = tpu.memref_slice %arg6[%mul3A_2, %dma_wait3A_432] : memref<320000x272xf32, #tpu.memory_space<hbm>> -> memref<80x128xf32, #tpu.memory_space<hbm>>
    %dma_wait3A_434 = arith.constant 128 : i32
    %dma_wait3A_435 = tpu.memref_slice %arg6[%mul3A_2, %dma_wait3A_434] : memref<320000x272xf32, #tpu.memory_space<hbm>> -> memref<80x128xf32, #tpu.memory_space<hbm>>
    tpu.wait_dma2 semaphore(%arg38 : memref<!tpu.dma_semaphore, #tpu.memory_space<semaphore_mem>>) src(%arg22 : memref<80x128xf32, #tpu.memory_space<vmem>>) dst(%dma_wait3A_435 : memref<80x128xf32, #tpu.memory_space<hbm>>)
    %dma_wait3A_436 = arith.constant 256 : i32
    %dma_wait3A_437 = tpu.memref_slice %arg6[%mul3A_2, %dma_wait3A_436] : memref<320000x272xf32, #tpu.memory_space<hbm>> -> memref<80x16xf32, #tpu.memory_space<hbm>>
    %dma_wait3A_438 = arith.constant 256 : i32
    %dma_wait3A_439 = tpu.memref_slice %arg6[%mul3A_2, %dma_wait3A_438] : memref<320000x272xf32, #tpu.memory_space<hbm>> -> memref<80x16xf32, #tpu.memory_space<hbm>>
    tpu.wait_dma2 semaphore(%arg38 : memref<!tpu.dma_semaphore, #tpu.memory_space<semaphore_mem>>) src(%arg26 : memref<80x16xf32, #tpu.memory_space<vmem>>) dst(%dma_wait3A_439 : memref<80x16xf32, #tpu.memory_space<hbm>>)
    %dma_wait3A_440 = arith.constant 0 : i32
    %dma_wait3A_441 = tpu.memref_slice %arg4[%dma_wait3A_440] : memref<320000xi32, #tpu.memory_space<hbm>> -> memref<80xi32, #tpu.memory_space<hbm>>
    %dma_wait3A_442 = arith.constant 0 : i32
    %dma_wait3A_443 = tpu.memref_slice %arg4[%dma_wait3A_442] : memref<320000xi32, #tpu.memory_space<hbm>> -> memref<80xi32, #tpu.memory_space<hbm>>
    tpu.wait_dma2 semaphore(%arg30 : memref<!tpu.dma_semaphore, #tpu.memory_space<semaphore_mem>>) src(%dma_wait3A_443 : memref<80xi32, #tpu.memory_space<hbm>>) dst(%arg10 : memref<80xi32, #tpu.memory_space<vmem>>)
    %dma_wait3A_444 = arith.constant 0 : i32
    %dma_wait3A_445 = tpu.memref_slice %arg5[%dma_wait3A_444] : memref<320000xi32, #tpu.memory_space<hbm>> -> memref<80xi32, #tpu.memory_space<hbm>>
    %dma_wait3A_446 = arith.constant 0 : i32
    %dma_wait3A_447 = tpu.memref_slice %arg5[%dma_wait3A_446] : memref<320000xi32, #tpu.memory_space<hbm>> -> memref<80xi32, #tpu.memory_space<hbm>>
    tpu.wait_dma2 semaphore(%arg30 : memref<!tpu.dma_semaphore, #tpu.memory_space<semaphore_mem>>) src(%dma_wait3A_447 : memref<80xi32, #tpu.memory_space<hbm>>) dst(%arg14 : memref<80xi32, #tpu.memory_space<vmem>>)
    %add3A_448 = arith.constant 9840 : i32
    %add3A_449 = arith.addi %mul3A_2, %add3A_448 : i32
    %dma_start3A_450 = arith.constant 0 : i32
    %dma_start3A_451 = arith.constant 0 : i32
    %dma_start3A_452 = tpu.memref_slice %arg2[%dma_start3A_450, %dma_start3A_451] : memref<10000x128xf32, #tpu.memory_space<hbm>> -> memref<10000x128xf32, #tpu.memory_space<hbm>>
    tpu.enqueue_indirect_dma source(%dma_start3A_452 : memref<10000x128xf32, #tpu.memory_space<hbm>>) target(%arg18 : memref<80x128xf32, #tpu.memory_space<vmem>>) offsets(%arg10 : memref<80xi32, #tpu.memory_space<vmem>>) semaphore(%arg34 : memref<!tpu.dma_semaphore, #tpu.memory_space<semaphore_mem>>)
    %dma_start3A_453 = arith.constant 0 : i32
    %dma_start3A_454 = arith.constant 0 : i32
    %dma_start3A_455 = tpu.memref_slice %arg2[%dma_start3A_453, %dma_start3A_454] : memref<10000x128xf32, #tpu.memory_space<hbm>> -> memref<10000x128xf32, #tpu.memory_space<hbm>>
    tpu.enqueue_indirect_dma source(%dma_start3A_455 : memref<10000x128xf32, #tpu.memory_space<hbm>>) target(%arg22 : memref<80x128xf32, #tpu.memory_space<vmem>>) offsets(%arg14 : memref<80xi32, #tpu.memory_space<vmem>>) semaphore(%arg34 : memref<!tpu.dma_semaphore, #tpu.memory_space<semaphore_mem>>)
    %dma_start3A_456 = arith.constant 0 : i32
    %dma_start3A_457 = tpu.memref_slice %arg3[%add3A_449, %dma_start3A_456] : memref<320000x16xf32, #tpu.memory_space<hbm>> -> memref<80x16xf32, #tpu.memory_space<hbm>>
    %dma_start3A_458 = arith.constant 0 : i32
    %dma_start3A_459 = tpu.memref_slice %arg3[%add3A_449, %dma_start3A_458] : memref<320000x16xf32, #tpu.memory_space<hbm>> -> memref<80x16xf32, #tpu.memory_space<hbm>>
    tpu.enqueue_dma source(%dma_start3A_459 : memref<80x16xf32, #tpu.memory_space<hbm>>) target(%arg26 : memref<80x16xf32, #tpu.memory_space<vmem>>) target_semaphore(%arg34 : memref<!tpu.dma_semaphore, #tpu.memory_space<semaphore_mem>>)
    %dma_wait3A_460 = arith.constant 0 : i32
    %dma_wait3A_461 = arith.constant 0 : i32
    %dma_wait3A_462 = tpu.memref_slice %arg2[%dma_wait3A_460, %dma_wait3A_461] : memref<10000x128xf32, #tpu.memory_space<hbm>> -> memref<80x128xf32, #tpu.memory_space<hbm>>
    %dma_wait3A_463 = arith.constant 0 : i32
    %dma_wait3A_464 = arith.constant 0 : i32
    %dma_wait3A_465 = tpu.memref_slice %arg2[%dma_wait3A_463, %dma_wait3A_464] : memref<10000x128xf32, #tpu.memory_space<hbm>> -> memref<80x128xf32, #tpu.memory_space<hbm>>
    tpu.wait_dma2 semaphore(%arg33 : memref<!tpu.dma_semaphore, #tpu.memory_space<semaphore_mem>>) src(%dma_wait3A_465 : memref<80x128xf32, #tpu.memory_space<hbm>>) dst(%arg17 : memref<80x128xf32, #tpu.memory_space<vmem>>)
    %dma_wait3A_466 = arith.constant 0 : i32
    %dma_wait3A_467 = arith.constant 0 : i32
    %dma_wait3A_468 = tpu.memref_slice %arg2[%dma_wait3A_466, %dma_wait3A_467] : memref<10000x128xf32, #tpu.memory_space<hbm>> -> memref<80x128xf32, #tpu.memory_space<hbm>>
    %dma_wait3A_469 = arith.constant 0 : i32
    %dma_wait3A_470 = arith.constant 0 : i32
    %dma_wait3A_471 = tpu.memref_slice %arg2[%dma_wait3A_469, %dma_wait3A_470] : memref<10000x128xf32, #tpu.memory_space<hbm>> -> memref<80x128xf32, #tpu.memory_space<hbm>>
    tpu.wait_dma2 semaphore(%arg33 : memref<!tpu.dma_semaphore, #tpu.memory_space<semaphore_mem>>) src(%dma_wait3A_471 : memref<80x128xf32, #tpu.memory_space<hbm>>) dst(%arg21 : memref<80x128xf32, #tpu.memory_space<vmem>>)
    %dma_wait3A_472 = arith.constant 0 : i32
    %dma_wait3A_473 = arith.constant 0 : i32
    %dma_wait3A_474 = tpu.memref_slice %arg3[%dma_wait3A_472, %dma_wait3A_473] : memref<320000x16xf32, #tpu.memory_space<hbm>> -> memref<80x16xf32, #tpu.memory_space<hbm>>
    %dma_wait3A_475 = arith.constant 0 : i32
    %dma_wait3A_476 = arith.constant 0 : i32
    %dma_wait3A_477 = tpu.memref_slice %arg3[%dma_wait3A_475, %dma_wait3A_476] : memref<320000x16xf32, #tpu.memory_space<hbm>> -> memref<80x16xf32, #tpu.memory_space<hbm>>
    tpu.wait_dma2 semaphore(%arg33 : memref<!tpu.dma_semaphore, #tpu.memory_space<semaphore_mem>>) src(%dma_wait3A_477 : memref<80x16xf32, #tpu.memory_space<hbm>>) dst(%arg25 : memref<80x16xf32, #tpu.memory_space<vmem>>)
    %add3A_478 = arith.constant 9760 : i32
    %add3A_479 = arith.addi %mul3A_2, %add3A_478 : i32
    %dma_start3A_480 = arith.constant 0 : i32
    %dma_start3A_481 = tpu.memref_slice %arg6[%add3A_479, %dma_start3A_480] : memref<320000x272xf32, #tpu.memory_space<hbm>> -> memref<80x128xf32, #tpu.memory_space<hbm>>
    %dma_start3A_482 = arith.constant 0 : i32
    %dma_start3A_483 = tpu.memref_slice %arg6[%add3A_479, %dma_start3A_482] : memref<320000x272xf32, #tpu.memory_space<hbm>> -> memref<80x128xf32, #tpu.memory_space<hbm>>
    tpu.enqueue_dma source(%arg17 : memref<80x128xf32, #tpu.memory_space<vmem>>) target(%dma_start3A_483 : memref<80x128xf32, #tpu.memory_space<hbm>>) target_semaphore(%arg37 : memref<!tpu.dma_semaphore, #tpu.memory_space<semaphore_mem>>)
    %dma_start3A_484 = arith.constant 128 : i32
    %dma_start3A_485 = tpu.memref_slice %arg6[%add3A_479, %dma_start3A_484] : memref<320000x272xf32, #tpu.memory_space<hbm>> -> memref<80x128xf32, #tpu.memory_space<hbm>>
    %dma_start3A_486 = arith.constant 128 : i32
    %dma_start3A_487 = tpu.memref_slice %arg6[%add3A_479, %dma_start3A_486] : memref<320000x272xf32, #tpu.memory_space<hbm>> -> memref<80x128xf32, #tpu.memory_space<hbm>>
    tpu.enqueue_dma source(%arg21 : memref<80x128xf32, #tpu.memory_space<vmem>>) target(%dma_start3A_487 : memref<80x128xf32, #tpu.memory_space<hbm>>) target_semaphore(%arg37 : memref<!tpu.dma_semaphore, #tpu.memory_space<semaphore_mem>>)
    %dma_start3A_488 = arith.constant 256 : i32
    %dma_start3A_489 = tpu.memref_slice %arg6[%add3A_479, %dma_start3A_488] : memref<320000x272xf32, #tpu.memory_space<hbm>> -> memref<80x16xf32, #tpu.memory_space<hbm>>
    %dma_start3A_490 = arith.constant 256 : i32
    %dma_start3A_491 = tpu.memref_slice %arg6[%add3A_479, %dma_start3A_490] : memref<320000x272xf32, #tpu.memory_space<hbm>> -> memref<80x16xf32, #tpu.memory_space<hbm>>
    tpu.enqueue_dma source(%arg25 : memref<80x16xf32, #tpu.memory_space<vmem>>) target(%dma_start3A_491 : memref<80x16xf32, #tpu.memory_space<hbm>>) target_semaphore(%arg37 : memref<!tpu.dma_semaphore, #tpu.memory_space<semaphore_mem>>)
    %dma_wait3A_492 = arith.constant 0 : i32
    %dma_wait3A_493 = tpu.memref_slice %arg6[%mul3A_2, %dma_wait3A_492] : memref<320000x272xf32, #tpu.memory_space<hbm>> -> memref<80x128xf32, #tpu.memory_space<hbm>>
    %dma_wait3A_494 = arith.constant 0 : i32
    %dma_wait3A_495 = tpu.memref_slice %arg6[%mul3A_2, %dma_wait3A_494] : memref<320000x272xf32, #tpu.memory_space<hbm>> -> memref<80x128xf32, #tpu.memory_space<hbm>>
    tpu.wait_dma2 semaphore(%arg35 : memref<!tpu.dma_semaphore, #tpu.memory_space<semaphore_mem>>) src(%arg15 : memref<80x128xf32, #tpu.memory_space<vmem>>) dst(%dma_wait3A_495 : memref<80x128xf32, #tpu.memory_space<hbm>>)
    %dma_wait3A_496 = arith.constant 128 : i32
    %dma_wait3A_497 = tpu.memref_slice %arg6[%mul3A_2, %dma_wait3A_496] : memref<320000x272xf32, #tpu.memory_space<hbm>> -> memref<80x128xf32, #tpu.memory_space<hbm>>
    %dma_wait3A_498 = arith.constant 128 : i32
    %dma_wait3A_499 = tpu.memref_slice %arg6[%mul3A_2, %dma_wait3A_498] : memref<320000x272xf32, #tpu.memory_space<hbm>> -> memref<80x128xf32, #tpu.memory_space<hbm>>
    tpu.wait_dma2 semaphore(%arg35 : memref<!tpu.dma_semaphore, #tpu.memory_space<semaphore_mem>>) src(%arg19 : memref<80x128xf32, #tpu.memory_space<vmem>>) dst(%dma_wait3A_499 : memref<80x128xf32, #tpu.memory_space<hbm>>)
    %dma_wait3A_500 = arith.constant 256 : i32
    %dma_wait3A_501 = tpu.memref_slice %arg6[%mul3A_2, %dma_wait3A_500] : memref<320000x272xf32, #tpu.memory_space<hbm>> -> memref<80x16xf32, #tpu.memory_space<hbm>>
    %dma_wait3A_502 = arith.constant 256 : i32
    %dma_wait3A_503 = tpu.memref_slice %arg6[%mul3A_2, %dma_wait3A_502] : memref<320000x272xf32, #tpu.memory_space<hbm>> -> memref<80x16xf32, #tpu.memory_space<hbm>>
    tpu.wait_dma2 semaphore(%arg35 : memref<!tpu.dma_semaphore, #tpu.memory_space<semaphore_mem>>) src(%arg23 : memref<80x16xf32, #tpu.memory_space<vmem>>) dst(%dma_wait3A_503 : memref<80x16xf32, #tpu.memory_space<hbm>>)
    %dma_wait3A_504 = arith.constant 0 : i32
    %dma_wait3A_505 = tpu.memref_slice %arg4[%dma_wait3A_504] : memref<320000xi32, #tpu.memory_space<hbm>> -> memref<80xi32, #tpu.memory_space<hbm>>
    %dma_wait3A_506 = arith.constant 0 : i32
    %dma_wait3A_507 = tpu.memref_slice %arg4[%dma_wait3A_506] : memref<320000xi32, #tpu.memory_space<hbm>> -> memref<80xi32, #tpu.memory_space<hbm>>
    tpu.wait_dma2 semaphore(%arg27 : memref<!tpu.dma_semaphore, #tpu.memory_space<semaphore_mem>>) src(%dma_wait3A_507 : memref<80xi32, #tpu.memory_space<hbm>>) dst(%arg7 : memref<80xi32, #tpu.memory_space<vmem>>)
    %dma_wait3A_508 = arith.constant 0 : i32
    %dma_wait3A_509 = tpu.memref_slice %arg5[%dma_wait3A_508] : memref<320000xi32, #tpu.memory_space<hbm>> -> memref<80xi32, #tpu.memory_space<hbm>>
    %dma_wait3A_510 = arith.constant 0 : i32
    %dma_wait3A_511 = tpu.memref_slice %arg5[%dma_wait3A_510] : memref<320000xi32, #tpu.memory_space<hbm>> -> memref<80xi32, #tpu.memory_space<hbm>>
    tpu.wait_dma2 semaphore(%arg27 : memref<!tpu.dma_semaphore, #tpu.memory_space<semaphore_mem>>) src(%dma_wait3A_511 : memref<80xi32, #tpu.memory_space<hbm>>) dst(%arg11 : memref<80xi32, #tpu.memory_space<vmem>>)
    %add3A_512 = arith.constant 9920 : i32
    %add3A_513 = arith.addi %mul3A_2, %add3A_512 : i32
    %dma_start3A_514 = arith.constant 0 : i32
    %dma_start3A_515 = arith.constant 0 : i32
    %dma_start3A_516 = tpu.memref_slice %arg2[%dma_start3A_514, %dma_start3A_515] : memref<10000x128xf32, #tpu.memory_space<hbm>> -> memref<10000x128xf32, #tpu.memory_space<hbm>>
    tpu.enqueue_indirect_dma source(%dma_start3A_516 : memref<10000x128xf32, #tpu.memory_space<hbm>>) target(%arg15 : memref<80x128xf32, #tpu.memory_space<vmem>>) offsets(%arg7 : memref<80xi32, #tpu.memory_space<vmem>>) semaphore(%arg31 : memref<!tpu.dma_semaphore, #tpu.memory_space<semaphore_mem>>)
    %dma_start3A_517 = arith.constant 0 : i32
    %dma_start3A_518 = arith.constant 0 : i32
    %dma_start3A_519 = tpu.memref_slice %arg2[%dma_start3A_517, %dma_start3A_518] : memref<10000x128xf32, #tpu.memory_space<hbm>> -> memref<10000x128xf32, #tpu.memory_space<hbm>>
    tpu.enqueue_indirect_dma source(%dma_start3A_519 : memref<10000x128xf32, #tpu.memory_space<hbm>>) target(%arg19 : memref<80x128xf32, #tpu.memory_space<vmem>>) offsets(%arg11 : memref<80xi32, #tpu.memory_space<vmem>>) semaphore(%arg31 : memref<!tpu.dma_semaphore, #tpu.memory_space<semaphore_mem>>)
    %dma_start3A_520 = arith.constant 0 : i32
    %dma_start3A_521 = tpu.memref_slice %arg3[%add3A_513, %dma_start3A_520] : memref<320000x16xf32, #tpu.memory_space<hbm>> -> memref<80x16xf32, #tpu.memory_space<hbm>>
    %dma_start3A_522 = arith.constant 0 : i32
    %dma_start3A_523 = tpu.memref_slice %arg3[%add3A_513, %dma_start3A_522] : memref<320000x16xf32, #tpu.memory_space<hbm>> -> memref<80x16xf32, #tpu.memory_space<hbm>>
    tpu.enqueue_dma source(%dma_start3A_523 : memref<80x16xf32, #tpu.memory_space<hbm>>) target(%arg23 : memref<80x16xf32, #tpu.memory_space<vmem>>) target_semaphore(%arg31 : memref<!tpu.dma_semaphore, #tpu.memory_space<semaphore_mem>>)
    %dma_wait3A_524 = arith.constant 0 : i32
    %dma_wait3A_525 = arith.constant 0 : i32
    %dma_wait3A_526 = tpu.memref_slice %arg2[%dma_wait3A_524, %dma_wait3A_525] : memref<10000x128xf32, #tpu.memory_space<hbm>> -> memref<80x128xf32, #tpu.memory_space<hbm>>
    %dma_wait3A_527 = arith.constant 0 : i32
    %dma_wait3A_528 = arith.constant 0 : i32
    %dma_wait3A_529 = tpu.memref_slice %arg2[%dma_wait3A_527, %dma_wait3A_528] : memref<10000x128xf32, #tpu.memory_space<hbm>> -> memref<80x128xf32, #tpu.memory_space<hbm>>
    tpu.wait_dma2 semaphore(%arg34 : memref<!tpu.dma_semaphore, #tpu.memory_space<semaphore_mem>>) src(%dma_wait3A_529 : memref<80x128xf32, #tpu.memory_space<hbm>>) dst(%arg18 : memref<80x128xf32, #tpu.memory_space<vmem>>)
    %dma_wait3A_530 = arith.constant 0 : i32
    %dma_wait3A_531 = arith.constant 0 : i32
    %dma_wait3A_532 = tpu.memref_slice %arg2[%dma_wait3A_530, %dma_wait3A_531] : memref<10000x128xf32, #tpu.memory_space<hbm>> -> memref<80x128xf32, #tpu.memory_space<hbm>>
    %dma_wait3A_533 = arith.constant 0 : i32
    %dma_wait3A_534 = arith.constant 0 : i32
    %dma_wait3A_535 = tpu.memref_slice %arg2[%dma_wait3A_533, %dma_wait3A_534] : memref<10000x128xf32, #tpu.memory_space<hbm>> -> memref<80x128xf32, #tpu.memory_space<hbm>>
    tpu.wait_dma2 semaphore(%arg34 : memref<!tpu.dma_semaphore, #tpu.memory_space<semaphore_mem>>) src(%dma_wait3A_535 : memref<80x128xf32, #tpu.memory_space<hbm>>) dst(%arg22 : memref<80x128xf32, #tpu.memory_space<vmem>>)
    %dma_wait3A_536 = arith.constant 0 : i32
    %dma_wait3A_537 = arith.constant 0 : i32
    %dma_wait3A_538 = tpu.memref_slice %arg3[%dma_wait3A_536, %dma_wait3A_537] : memref<320000x16xf32, #tpu.memory_space<hbm>> -> memref<80x16xf32, #tpu.memory_space<hbm>>
    %dma_wait3A_539 = arith.constant 0 : i32
    %dma_wait3A_540 = arith.constant 0 : i32
    %dma_wait3A_541 = tpu.memref_slice %arg3[%dma_wait3A_539, %dma_wait3A_540] : memref<320000x16xf32, #tpu.memory_space<hbm>> -> memref<80x16xf32, #tpu.memory_space<hbm>>
    tpu.wait_dma2 semaphore(%arg34 : memref<!tpu.dma_semaphore, #tpu.memory_space<semaphore_mem>>) src(%dma_wait3A_541 : memref<80x16xf32, #tpu.memory_space<hbm>>) dst(%arg26 : memref<80x16xf32, #tpu.memory_space<vmem>>)
    %add3A_542 = arith.constant 9840 : i32
    %add3A_543 = arith.addi %mul3A_2, %add3A_542 : i32
    %dma_start3A_544 = arith.constant 0 : i32
    %dma_start3A_545 = tpu.memref_slice %arg6[%add3A_543, %dma_start3A_544] : memref<320000x272xf32, #tpu.memory_space<hbm>> -> memref<80x128xf32, #tpu.memory_space<hbm>>
    %dma_start3A_546 = arith.constant 0 : i32
    %dma_start3A_547 = tpu.memref_slice %arg6[%add3A_543, %dma_start3A_546] : memref<320000x272xf32, #tpu.memory_space<hbm>> -> memref<80x128xf32, #tpu.memory_space<hbm>>
    tpu.enqueue_dma source(%arg18 : memref<80x128xf32, #tpu.memory_space<vmem>>) target(%dma_start3A_547 : memref<80x128xf32, #tpu.memory_space<hbm>>) target_semaphore(%arg38 : memref<!tpu.dma_semaphore, #tpu.memory_space<semaphore_mem>>)
    %dma_start3A_548 = arith.constant 128 : i32
    %dma_start3A_549 = tpu.memref_slice %arg6[%add3A_543, %dma_start3A_548] : memref<320000x272xf32, #tpu.memory_space<hbm>> -> memref<80x128xf32, #tpu.memory_space<hbm>>
    %dma_start3A_550 = arith.constant 128 : i32
    %dma_start3A_551 = tpu.memref_slice %arg6[%add3A_543, %dma_start3A_550] : memref<320000x272xf32, #tpu.memory_space<hbm>> -> memref<80x128xf32, #tpu.memory_space<hbm>>
    tpu.enqueue_dma source(%arg22 : memref<80x128xf32, #tpu.memory_space<vmem>>) target(%dma_start3A_551 : memref<80x128xf32, #tpu.memory_space<hbm>>) target_semaphore(%arg38 : memref<!tpu.dma_semaphore, #tpu.memory_space<semaphore_mem>>)
    %dma_start3A_552 = arith.constant 256 : i32
    %dma_start3A_553 = tpu.memref_slice %arg6[%add3A_543, %dma_start3A_552] : memref<320000x272xf32, #tpu.memory_space<hbm>> -> memref<80x16xf32, #tpu.memory_space<hbm>>
    %dma_start3A_554 = arith.constant 256 : i32
    %dma_start3A_555 = tpu.memref_slice %arg6[%add3A_543, %dma_start3A_554] : memref<320000x272xf32, #tpu.memory_space<hbm>> -> memref<80x16xf32, #tpu.memory_space<hbm>>
    tpu.enqueue_dma source(%arg26 : memref<80x16xf32, #tpu.memory_space<vmem>>) target(%dma_start3A_555 : memref<80x16xf32, #tpu.memory_space<hbm>>) target_semaphore(%arg38 : memref<!tpu.dma_semaphore, #tpu.memory_space<semaphore_mem>>)
    %dma_wait3A_556 = arith.constant 0 : i32
    %dma_wait3A_557 = arith.constant 0 : i32
    %dma_wait3A_558 = tpu.memref_slice %arg2[%dma_wait3A_556, %dma_wait3A_557] : memref<10000x128xf32, #tpu.memory_space<hbm>> -> memref<80x128xf32, #tpu.memory_space<hbm>>
    %dma_wait3A_559 = arith.constant 0 : i32
    %dma_wait3A_560 = arith.constant 0 : i32
    %dma_wait3A_561 = tpu.memref_slice %arg2[%dma_wait3A_559, %dma_wait3A_560] : memref<10000x128xf32, #tpu.memory_space<hbm>> -> memref<80x128xf32, #tpu.memory_space<hbm>>
    tpu.wait_dma2 semaphore(%arg31 : memref<!tpu.dma_semaphore, #tpu.memory_space<semaphore_mem>>) src(%dma_wait3A_561 : memref<80x128xf32, #tpu.memory_space<hbm>>) dst(%arg15 : memref<80x128xf32, #tpu.memory_space<vmem>>)
    %dma_wait3A_562 = arith.constant 0 : i32
    %dma_wait3A_563 = arith.constant 0 : i32
    %dma_wait3A_564 = tpu.memref_slice %arg2[%dma_wait3A_562, %dma_wait3A_563] : memref<10000x128xf32, #tpu.memory_space<hbm>> -> memref<80x128xf32, #tpu.memory_space<hbm>>
    %dma_wait3A_565 = arith.constant 0 : i32
    %dma_wait3A_566 = arith.constant 0 : i32
    %dma_wait3A_567 = tpu.memref_slice %arg2[%dma_wait3A_565, %dma_wait3A_566] : memref<10000x128xf32, #tpu.memory_space<hbm>> -> memref<80x128xf32, #tpu.memory_space<hbm>>
    tpu.wait_dma2 semaphore(%arg31 : memref<!tpu.dma_semaphore, #tpu.memory_space<semaphore_mem>>) src(%dma_wait3A_567 : memref<80x128xf32, #tpu.memory_space<hbm>>) dst(%arg19 : memref<80x128xf32, #tpu.memory_space<vmem>>)
    %dma_wait3A_568 = arith.constant 0 : i32
    %dma_wait3A_569 = arith.constant 0 : i32
    %dma_wait3A_570 = tpu.memref_slice %arg3[%dma_wait3A_568, %dma_wait3A_569] : memref<320000x16xf32, #tpu.memory_space<hbm>> -> memref<80x16xf32, #tpu.memory_space<hbm>>
    %dma_wait3A_571 = arith.constant 0 : i32
    %dma_wait3A_572 = arith.constant 0 : i32
    %dma_wait3A_573 = tpu.memref_slice %arg3[%dma_wait3A_571, %dma_wait3A_572] : memref<320000x16xf32, #tpu.memory_space<hbm>> -> memref<80x16xf32, #tpu.memory_space<hbm>>
    tpu.wait_dma2 semaphore(%arg31 : memref<!tpu.dma_semaphore, #tpu.memory_space<semaphore_mem>>) src(%dma_wait3A_573 : memref<80x16xf32, #tpu.memory_space<hbm>>) dst(%arg23 : memref<80x16xf32, #tpu.memory_space<vmem>>)
    %add3A_574 = arith.constant 9920 : i32
    %add3A_575 = arith.addi %mul3A_2, %add3A_574 : i32
    %dma_start3A_576 = arith.constant 0 : i32
    %dma_start3A_577 = tpu.memref_slice %arg6[%add3A_575, %dma_start3A_576] : memref<320000x272xf32, #tpu.memory_space<hbm>> -> memref<80x128xf32, #tpu.memory_space<hbm>>
    %dma_start3A_578 = arith.constant 0 : i32
    %dma_start3A_579 = tpu.memref_slice %arg6[%add3A_575, %dma_start3A_578] : memref<320000x272xf32, #tpu.memory_space<hbm>> -> memref<80x128xf32, #tpu.memory_space<hbm>>
    tpu.enqueue_dma source(%arg15 : memref<80x128xf32, #tpu.memory_space<vmem>>) target(%dma_start3A_579 : memref<80x128xf32, #tpu.memory_space<hbm>>) target_semaphore(%arg35 : memref<!tpu.dma_semaphore, #tpu.memory_space<semaphore_mem>>)
    %dma_start3A_580 = arith.constant 128 : i32
    %dma_start3A_581 = tpu.memref_slice %arg6[%add3A_575, %dma_start3A_580] : memref<320000x272xf32, #tpu.memory_space<hbm>> -> memref<80x128xf32, #tpu.memory_space<hbm>>
    %dma_start3A_582 = arith.constant 128 : i32
    %dma_start3A_583 = tpu.memref_slice %arg6[%add3A_575, %dma_start3A_582] : memref<320000x272xf32, #tpu.memory_space<hbm>> -> memref<80x128xf32, #tpu.memory_space<hbm>>
    tpu.enqueue_dma source(%arg19 : memref<80x128xf32, #tpu.memory_space<vmem>>) target(%dma_start3A_583 : memref<80x128xf32, #tpu.memory_space<hbm>>) target_semaphore(%arg35 : memref<!tpu.dma_semaphore, #tpu.memory_space<semaphore_mem>>)
    %dma_start3A_584 = arith.constant 256 : i32
    %dma_start3A_585 = tpu.memref_slice %arg6[%add3A_575, %dma_start3A_584] : memref<320000x272xf32, #tpu.memory_space<hbm>> -> memref<80x16xf32, #tpu.memory_space<hbm>>
    %dma_start3A_586 = arith.constant 256 : i32
    %dma_start3A_587 = tpu.memref_slice %arg6[%add3A_575, %dma_start3A_586] : memref<320000x272xf32, #tpu.memory_space<hbm>> -> memref<80x16xf32, #tpu.memory_space<hbm>>
    tpu.enqueue_dma source(%arg23 : memref<80x16xf32, #tpu.memory_space<vmem>>) target(%dma_start3A_587 : memref<80x16xf32, #tpu.memory_space<hbm>>) target_semaphore(%arg35 : memref<!tpu.dma_semaphore, #tpu.memory_space<semaphore_mem>>)
    %dma_wait3A_588 = arith.constant 0 : i32
    %dma_wait3A_589 = tpu.memref_slice %arg6[%mul3A_2, %dma_wait3A_588] : memref<320000x272xf32, #tpu.memory_space<hbm>> -> memref<80x128xf32, #tpu.memory_space<hbm>>
    %dma_wait3A_590 = arith.constant 0 : i32
    %dma_wait3A_591 = tpu.memref_slice %arg6[%mul3A_2, %dma_wait3A_590] : memref<320000x272xf32, #tpu.memory_space<hbm>> -> memref<80x128xf32, #tpu.memory_space<hbm>>
    tpu.wait_dma2 semaphore(%arg36 : memref<!tpu.dma_semaphore, #tpu.memory_space<semaphore_mem>>) src(%arg16 : memref<80x128xf32, #tpu.memory_space<vmem>>) dst(%dma_wait3A_591 : memref<80x128xf32, #tpu.memory_space<hbm>>)
    %dma_wait3A_592 = arith.constant 128 : i32
    %dma_wait3A_593 = tpu.memref_slice %arg6[%mul3A_2, %dma_wait3A_592] : memref<320000x272xf32, #tpu.memory_space<hbm>> -> memref<80x128xf32, #tpu.memory_space<hbm>>
    %dma_wait3A_594 = arith.constant 128 : i32
    %dma_wait3A_595 = tpu.memref_slice %arg6[%mul3A_2, %dma_wait3A_594] : memref<320000x272xf32, #tpu.memory_space<hbm>> -> memref<80x128xf32, #tpu.memory_space<hbm>>
    tpu.wait_dma2 semaphore(%arg36 : memref<!tpu.dma_semaphore, #tpu.memory_space<semaphore_mem>>) src(%arg20 : memref<80x128xf32, #tpu.memory_space<vmem>>) dst(%dma_wait3A_595 : memref<80x128xf32, #tpu.memory_space<hbm>>)
    %dma_wait3A_596 = arith.constant 256 : i32
    %dma_wait3A_597 = tpu.memref_slice %arg6[%mul3A_2, %dma_wait3A_596] : memref<320000x272xf32, #tpu.memory_space<hbm>> -> memref<80x16xf32, #tpu.memory_space<hbm>>
    %dma_wait3A_598 = arith.constant 256 : i32
    %dma_wait3A_599 = tpu.memref_slice %arg6[%mul3A_2, %dma_wait3A_598] : memref<320000x272xf32, #tpu.memory_space<hbm>> -> memref<80x16xf32, #tpu.memory_space<hbm>>
    tpu.wait_dma2 semaphore(%arg36 : memref<!tpu.dma_semaphore, #tpu.memory_space<semaphore_mem>>) src(%arg24 : memref<80x16xf32, #tpu.memory_space<vmem>>) dst(%dma_wait3A_599 : memref<80x16xf32, #tpu.memory_space<hbm>>)
    %dma_wait3A_600 = arith.constant 0 : i32
    %dma_wait3A_601 = tpu.memref_slice %arg6[%mul3A_2, %dma_wait3A_600] : memref<320000x272xf32, #tpu.memory_space<hbm>> -> memref<80x128xf32, #tpu.memory_space<hbm>>
    %dma_wait3A_602 = arith.constant 0 : i32
    %dma_wait3A_603 = tpu.memref_slice %arg6[%mul3A_2, %dma_wait3A_602] : memref<320000x272xf32, #tpu.memory_space<hbm>> -> memref<80x128xf32, #tpu.memory_space<hbm>>
    tpu.wait_dma2 semaphore(%arg37 : memref<!tpu.dma_semaphore, #tpu.memory_space<semaphore_mem>>) src(%arg17 : memref<80x128xf32, #tpu.memory_space<vmem>>) dst(%dma_wait3A_603 : memref<80x128xf32, #tpu.memory_space<hbm>>)
    %dma_wait3A_604 = arith.constant 128 : i32
    %dma_wait3A_605 = tpu.memref_slice %arg6[%mul3A_2, %dma_wait3A_604] : memref<320000x272xf32, #tpu.memory_space<hbm>> -> memref<80x128xf32, #tpu.memory_space<hbm>>
    %dma_wait3A_606 = arith.constant 128 : i32
    %dma_wait3A_607 = tpu.memref_slice %arg6[%mul3A_2, %dma_wait3A_606] : memref<320000x272xf32, #tpu.memory_space<hbm>> -> memref<80x128xf32, #tpu.memory_space<hbm>>
    tpu.wait_dma2 semaphore(%arg37 : memref<!tpu.dma_semaphore, #tpu.memory_space<semaphore_mem>>) src(%arg21 : memref<80x128xf32, #tpu.memory_space<vmem>>) dst(%dma_wait3A_607 : memref<80x128xf32, #tpu.memory_space<hbm>>)
    %dma_wait3A_608 = arith.constant 256 : i32
    %dma_wait3A_609 = tpu.memref_slice %arg6[%mul3A_2, %dma_wait3A_608] : memref<320000x272xf32, #tpu.memory_space<hbm>> -> memref<80x16xf32, #tpu.memory_space<hbm>>
    %dma_wait3A_610 = arith.constant 256 : i32
    %dma_wait3A_611 = tpu.memref_slice %arg6[%mul3A_2, %dma_wait3A_610] : memref<320000x272xf32, #tpu.memory_space<hbm>> -> memref<80x16xf32, #tpu.memory_space<hbm>>
    tpu.wait_dma2 semaphore(%arg37 : memref<!tpu.dma_semaphore, #tpu.memory_space<semaphore_mem>>) src(%arg25 : memref<80x16xf32, #tpu.memory_space<vmem>>) dst(%dma_wait3A_611 : memref<80x16xf32, #tpu.memory_space<hbm>>)
    %dma_wait3A_612 = arith.constant 0 : i32
    %dma_wait3A_613 = tpu.memref_slice %arg6[%mul3A_2, %dma_wait3A_612] : memref<320000x272xf32, #tpu.memory_space<hbm>> -> memref<80x128xf32, #tpu.memory_space<hbm>>
    %dma_wait3A_614 = arith.constant 0 : i32
    %dma_wait3A_615 = tpu.memref_slice %arg6[%mul3A_2, %dma_wait3A_614] : memref<320000x272xf32, #tpu.memory_space<hbm>> -> memref<80x128xf32, #tpu.memory_space<hbm>>
    tpu.wait_dma2 semaphore(%arg38 : memref<!tpu.dma_semaphore, #tpu.memory_space<semaphore_mem>>) src(%arg18 : memref<80x128xf32, #tpu.memory_space<vmem>>) dst(%dma_wait3A_615 : memref<80x128xf32, #tpu.memory_space<hbm>>)
    %dma_wait3A_616 = arith.constant 128 : i32
    %dma_wait3A_617 = tpu.memref_slice %arg6[%mul3A_2, %dma_wait3A_616] : memref<320000x272xf32, #tpu.memory_space<hbm>> -> memref<80x128xf32, #tpu.memory_space<hbm>>
    %dma_wait3A_618 = arith.constant 128 : i32
    %dma_wait3A_619 = tpu.memref_slice %arg6[%mul3A_2, %dma_wait3A_618] : memref<320000x272xf32, #tpu.memory_space<hbm>> -> memref<80x128xf32, #tpu.memory_space<hbm>>
    tpu.wait_dma2 semaphore(%arg38 : memref<!tpu.dma_semaphore, #tpu.memory_space<semaphore_mem>>) src(%arg22 : memref<80x128xf32, #tpu.memory_space<vmem>>) dst(%dma_wait3A_619 : memref<80x128xf32, #tpu.memory_space<hbm>>)
    %dma_wait3A_620 = arith.constant 256 : i32
    %dma_wait3A_621 = tpu.memref_slice %arg6[%mul3A_2, %dma_wait3A_620] : memref<320000x272xf32, #tpu.memory_space<hbm>> -> memref<80x16xf32, #tpu.memory_space<hbm>>
    %dma_wait3A_622 = arith.constant 256 : i32
    %dma_wait3A_623 = tpu.memref_slice %arg6[%mul3A_2, %dma_wait3A_622] : memref<320000x272xf32, #tpu.memory_space<hbm>> -> memref<80x16xf32, #tpu.memory_space<hbm>>
    tpu.wait_dma2 semaphore(%arg38 : memref<!tpu.dma_semaphore, #tpu.memory_space<semaphore_mem>>) src(%arg26 : memref<80x16xf32, #tpu.memory_space<vmem>>) dst(%dma_wait3A_623 : memref<80x16xf32, #tpu.memory_space<hbm>>)
    %dma_wait3A_624 = arith.constant 0 : i32
    %dma_wait3A_625 = tpu.memref_slice %arg6[%mul3A_2, %dma_wait3A_624] : memref<320000x272xf32, #tpu.memory_space<hbm>> -> memref<80x128xf32, #tpu.memory_space<hbm>>
    %dma_wait3A_626 = arith.constant 0 : i32
    %dma_wait3A_627 = tpu.memref_slice %arg6[%mul3A_2, %dma_wait3A_626] : memref<320000x272xf32, #tpu.memory_space<hbm>> -> memref<80x128xf32, #tpu.memory_space<hbm>>
    tpu.wait_dma2 semaphore(%arg35 : memref<!tpu.dma_semaphore, #tpu.memory_space<semaphore_mem>>) src(%arg15 : memref<80x128xf32, #tpu.memory_space<vmem>>) dst(%dma_wait3A_627 : memref<80x128xf32, #tpu.memory_space<hbm>>)
    %dma_wait3A_628 = arith.constant 128 : i32
    %dma_wait3A_629 = tpu.memref_slice %arg6[%mul3A_2, %dma_wait3A_628] : memref<320000x272xf32, #tpu.memory_space<hbm>> -> memref<80x128xf32, #tpu.memory_space<hbm>>
    %dma_wait3A_630 = arith.constant 128 : i32
    %dma_wait3A_631 = tpu.memref_slice %arg6[%mul3A_2, %dma_wait3A_630] : memref<320000x272xf32, #tpu.memory_space<hbm>> -> memref<80x128xf32, #tpu.memory_space<hbm>>
    tpu.wait_dma2 semaphore(%arg35 : memref<!tpu.dma_semaphore, #tpu.memory_space<semaphore_mem>>) src(%arg19 : memref<80x128xf32, #tpu.memory_space<vmem>>) dst(%dma_wait3A_631 : memref<80x128xf32, #tpu.memory_space<hbm>>)
    %dma_wait3A_632 = arith.constant 256 : i32
    %dma_wait3A_633 = tpu.memref_slice %arg6[%mul3A_2, %dma_wait3A_632] : memref<320000x272xf32, #tpu.memory_space<hbm>> -> memref<80x16xf32, #tpu.memory_space<hbm>>
    %dma_wait3A_634 = arith.constant 256 : i32
    %dma_wait3A_635 = tpu.memref_slice %arg6[%mul3A_2, %dma_wait3A_634] : memref<320000x272xf32, #tpu.memory_space<hbm>> -> memref<80x16xf32, #tpu.memory_space<hbm>>
    tpu.wait_dma2 semaphore(%arg35 : memref<!tpu.dma_semaphore, #tpu.memory_space<semaphore_mem>>) src(%arg23 : memref<80x16xf32, #tpu.memory_space<vmem>>) dst(%dma_wait3A_635 : memref<80x16xf32, #tpu.memory_space<hbm>>)
    return
  }
}

</mosaic_0001>

<sc_bundles>
// kernel: kernel.3.cloned.1.call-start
scs
__scs_entry_jumppad:
0x0: {  	(pc) =	sbr.rel $0x88, $3  }
0x1: {  	(tag) =	ssettag $0x0;
	lr =	simm.s32 $0x1  }
0x2: {  	[smem:$0x3F9D] =	sst lr;
	_ =	strace $0xD0000000  }
0x3: {  	_ = 	snop  }
0x4: {  	_ = 	snop  }
0x5: {  	_ = 	snop  }
0x6: {  	_ = 	snop  }
0x7: {  	_ = 	snop  }
__scs_overlays_trampoline_lowered:
0x8: {  	[smem:$0x3FAC] =	sst s0  }
0x9: {  	[smem:$0x3FAD] =	sst s1  }
0xa: {  	[smem:$0x3FAE] =	sst s2  }
0xb: {  	[smem:$0x3FAF] =	sst s3  }
0xc: {  	[smem:$0x3FB0] =	sst s4  }
0xd: {  	[smem:$0x3FB1] =	sst s5  }
0xe: {  	[smem:$0x3FB2] =	sst s6  }
0xf: {  	[smem:$0x3FB3] =	sst s7  }
0x10: {  	[smem:$0x3FB4] =	sst s8  }
0x11: {  	[smem:$0x3FB5] =	sst s9;
	s0 =	simm.s32 @!p0 $0x0  }
0x12: {  	s1 =	sld [smem:$0x3F9B];
	s0 =	simm.s32 @p0 $0x1  }
0x13: {  	[smem:$0x3FB6] =	sst s0;
	s0 =	simm.s32 @!p1 $0x0  }
0x14: {  	s2 =	sld [smem:$0x3F9A];
	s0 =	simm.s32 @p1 $0x1  }
0x15: {  	[smem:$0x3FB7] =	sst s0;
	s0 =	simm.s32 @!p2 $0x0  }
0x16: {  	s3 =	sld [smem:$0x3FDB];
	s0 =	simm.s32 @p2 $0x1  }
0x17: {  	s4 =	simm.s32 $0x1BF5;
	[smem:$0x3FB9] =	sst s0  }
0x18: {  	s0 =	sld [smem:$0x3F9C];
	_ =	swait.ge [sflag:s4], $0x0  }
0x19: {  	s7 =	sld [smem:$0x3F9D]  }
0x1a: {  	s8 =	sadd.s32 $0xFFFFE003, lr  }
0x1b: {  	s9 =	sadd.s32 $0xFFFFFEF7, lr;
	s5 =	simm.s32 $0xFFFFFFFF;
	p2 =	slt.u32 s8, $0xFFFFF086  }
0x1c: {  	p1 =	slt.u32 s9, $0xF7A;
	s5 =	simm.s32 @!p2 $0x0  }
0x1d: {  	s5 =	simm.s32 @p1 $0x1;
	p0 =	seq.s32 s7, s2  }
0x1e: {  	s7 =	smul.u32 @!p0 $0xF7A, s2;
	p2 =	seq.s32 @!p0 s5, $0x0  }
0x1f: {  	s9 =	smul.u32 $0xF7A, s1;
	s8 =	simm.s32 @!p0 $0x1BF5;
	p2 =	por !p2, p0  }
0x20: {  	[sflag:s8] =	ssyncset.s32 @!p0 $0xFFFFF086;
	s6 =	sadd.s32 @!p0 s3, s7;
	s7 =	simm.s32 @!p0 $0x108  }
0x21: {  	s3 =	sadd.s32 s3, s9;
	s6 =	sadd.s32 @!p0 $0x88, s6;
	s7 =	simm.s32 @p2 $0x1082  }
0x22: {  	[simem:s7], [sflag:s8] =	dma.local @!p0 [hbm:s6], $0xF7A  }
0x23: {  	s9 =	sor.u32 $0xD0000000, s2;
	s6 =	simm.s32 $0x108;
	_ =	swait.ge @!p0 [sflag:s8], $0x0  }
0x24: {  	s3 =	sadd.s32 $0x88, s3;
	s6 =	simm.s32 @!p1 $0x1082;
	[sflag:s4] =	ssyncset.s32 $0xFFFFF086  }
0x25: {  	[simem:s6], [sflag:s4] =	dma.local [hbm:s3], $0xF7A  }
0x26: {  	[smem:$0x3F9D] =	sst s1;
	(tag) =	ssettag s2;
	_ =	strace s9  }
0x27: {  	s1 =	sld [smem:$0x3FAD]  }
0x28: {  	s2 =	sld [smem:$0x3FAE]  }
0x29: {  	s4 =	sld [smem:$0x3FB0]  }
0x2a: {  	p0 =	seq.s32 s5, $0x0;
	s5 =	sld [smem:$0x3FB1]  }
0x2b: {  	s6 =	sld [smem:$0x3FB2]  }
0x2c: {  	s7 =	sld [smem:$0x3FB3]  }
0x2d: {  	s3 =	simm.s32 $0x108;
	s8 =	sld [smem:$0x3FB4]  }
0x2e: {  	s3 =	simm.s32 @!p0 $0x1082;
	s9 =	sld [smem:$0x3FB5]  }
0x2f: {  	lr =	sadd.s32 s0, s3;
	s0 =	sld [smem:$0x3FAC]  }
0x30: {  	s3 =	sld [smem:$0x3FAF]  }
0x31: {  	[smem:$0x3FB8] =	sst s10  }
0x32: {  	s10 =	sld [smem:$0x3FB6];
	_ =	sdelay $0x3  }
0x33: {  	p0 =	seq.s32 s10, $0x1;
	s10 =	sld [smem:$0x3FB8];
	_ =	sdelay $0x3  }
0x34: {  	[smem:$0x3FB8] =	sst s10  }
0x35: {  	s10 =	sld [smem:$0x3FB7];
	_ =	sdelay $0x3  }
0x36: {  	p1 =	seq.s32 s10, $0x1;
	s10 =	sld [smem:$0x3FB8];
	_ =	sdelay $0x3  }
0x37: {  	[smem:$0x3FB8] =	sst s10  }
0x38: {  	s10 =	sld [smem:$0x3FB9]  }
0x39: {  	_ = 	snop;
	(pc) =	sbr.ind lr, $3  }
0x3a: {  	_ = 	snop  }
0x3b: {  	_ = 	snop  }
0x3c: {  	p2 =	seq.s32 s10, $0x1;
	s10 =	sld [smem:$0x3FB8]  }
0x3d: {  	_ =	shalt  }
0x3e: {  	_ =	shalt  }
0x3f: {  	_ =	shalt  }
0x40: {  	_ =	shalt  }
0x41: {  	_ =	shalt  }
0x42: {  	_ =	shalt  }
0x43: {  	_ =	shalt  }
0x44: {  	_ =	shalt  }
0x45: {  	_ =	shalt  }
0x46: {  	_ =	shalt  }
0x47: {  	_ =	shalt  }
0x48: {  	_ =	shalt  }
0x49: {  	_ =	shalt  }
0x4a: {  	_ =	shalt  }
0x4b: {  	_ =	shalt  }
0x4c: {  	_ =	shalt  }
0x4d: {  	_ =	shalt  }
0x4e: {  	_ =	shalt  }
0x4f: {  	_ =	shalt  }
0x50: {  	_ =	shalt  }
0x51: {  	_ =	shalt  }
0x52: {  	_ =	shalt  }
0x53: {  	_ =	shalt  }
0x54: {  	_ =	shalt  }
0x55: {  	_ =	shalt  }
0x56: {  	_ =	shalt  }
0x57: {  	_ =	shalt  }
0x58: {  	_ =	shalt  }
0x59: {  	_ =	shalt  }
0x5a: {  	_ =	shalt  }
0x5b: {  	_ =	shalt  }
0x5c: {  	_ =	shalt  }
0x5d: {  	_ =	shalt  }
0x5e: {  	_ =	shalt  }
0x5f: {  	_ =	shalt  }
0x60: {  	_ =	shalt  }
0x61: {  	_ =	shalt  }
0x62: {  	_ =	shalt  }
0x63: {  	_ =	shalt  }
0x64: {  	_ =	shalt  }
0x65: {  	_ =	shalt  }
0x66: {  	_ =	shalt  }
0x67: {  	_ =	shalt  }
0x68: {  	_ =	shalt  }
0x69: {  	_ =	shalt  }
0x6a: {  	_ =	shalt  }
0x6b: {  	_ =	shalt  }
0x6c: {  	_ =	shalt  }
0x6d: {  	_ =	shalt  }
0x6e: {  	_ =	shalt  }
0x6f: {  	_ =	shalt  }
0x70: {  	_ =	shalt  }
0x71: {  	_ =	shalt  }
0x72: {  	_ =	shalt  }
0x73: {  	_ =	shalt  }
0x74: {  	_ =	shalt  }
0x75: {  	_ =	shalt  }
0x76: {  	_ =	shalt  }
0x77: {  	_ =	shalt  }
0x78: {  	_ =	shalt  }
0x79: {  	_ =	shalt  }
0x7a: {  	_ =	shalt  }
0x7b: {  	_ =	shalt  }
0x7c: {  	_ =	shalt  }
0x7d: {  	_ =	shalt  }
0x7e: {  	_ =	shalt  }
0x7f: {  	_ =	shalt  }
0x80: {  	_ =	shalt  }
0x81: {  	_ =	shalt  }
0x82: {  	_ =	shalt  }
0x83: {  	_ =	shalt  }
0x84: {  	_ =	shalt  }
0x85: {  	_ =	shalt  }
0x86: {  	_ =	shalt  }
0x87: {  	_ =	shalt  }
.Lfunc_end0:
.L_simem_size_0:
called_computation_lowered:
.L_overlay_start_0:
0x88: {  	s2 =	sld [smem:$0x3FD9]  }
0x89: {  	s3 =	sld [smem:$0x3FFE];
	_ =	sdelay $0x1  }
0x8a: {  	s1 =	srdreg.scid  }
0x8b: {  	s0 =	sand.u32 $0x1, s1  }
0x8c: {  	s17 =	sshll.u32 s0, $0xA;
	s2 =	sadd.s32 s3, s2  }
0x8d: {  	s2 =	sadd.s32 s2, s17  }
0x8e: {  	[smem:$0x3FC4] =	sst s2  }
0x8f: {  	_ = 	snop  }
0x90: {  	s2 =	sld [smem:$0x3FC9]  }
0x91: {  	s18 =	sld [smem:$0x3FC7]  }
0x92: {  	s4 =	sld [smem:$0x3FC6]  }
0x93: {  	s5 =	sld [smem:$0x3FD0];
	(tm) =	ssettm $0x1  }
0x94: {  	s6 =	sld [smem:$0x3FFB];
	_ =	sdelay $0x3  }
0x95: {  	_ =	strace s6  }
0x96: {  	s6 =	sld [smem:$0x3FFC];
	_ =	sdelay $0x3  }
0x97: {  	_ =	strace s6  }
0x98: {  	s6 =	sld [smem:$0x3FFD];
	_ =	sdelay $0x3  }
0x99: {  	_ =	strace s6  }
0x9a: {  	_ =	strace $0x8FFFFFFF  }
0x9b: {  	s19 =	sld [smem:$0x3FDB];
	_ =	sdelay $0x1  }
0x9c: {  	s7 =	simm.s32 $_scs_section_size  }
0x9d: {  	s8 =	simm.s32 $_size__tile_overlayer_lowered;
	s9 =	simm.s32 $_tile_overlayer_lowered  }
0x9e: {  	s22 =	simm.s32 $0x1BFF;
	s21 =	sshll.u32 s9, $0x1;
	s6 =	sadd.s32 s7, s19  }
0x9f: {  	s10 =	simm.s32 $0x0;
	s20 =	sshll.u32 s8, $0x1;
	s8 =	sadd.s32 s21, s6  }
0xa0: {  	[timem:s10], [sflag:s22] =	dma.local [hbm:s8], s20  }
0xa1: {  	_ =	swait.ge [sflag:s22], s20  }
0xa2: {  	s7 =	ssub.s32 $0x0, s20;
	[sflag:s22] =	ssyncset.done $0x0  }
0xa3: {  	[sflag:s22] =	ssyncadd.s32 s7;
	_ =	sdelay $0x1  }
0xa4: {  	s23 =	simm.s32 $0x1B8B  }
0xa5: {  	_ =	swait.ge [sflag:s23], $0x1  }
0xa6: {  	[sflag:s23] =	ssyncset.done $0x0  }
0xa7: {  	s25 =	simm.s32 $0x1B8E;
	s24 =	sld [smem:$0x3FFE];
	[sflag:s23] =	ssyncadd.s32 $0xFFFFFFFF  }
0xa8: {  	s26 =	simm.s32 $execute0_lowered;
	[smem:$0x3FD2] =	sst s25  }
0xa9: {  	s8 =	sshll.u32 s26, $0x1;
	_ =	strace $0x80000046;
	[dreg:$0x1] =	wrdreg $0xFFFFFFFF  }
0xaa: {  	s28 =	simm.s32 $_size_execute0_lowered;
	s6 =	sadd.s32 s6, s8;
	[dreg:$0x0] =	wrdreg $0x0  }
0xab: {  	s8 =	sshll.u32 s28, $0x1;
	[dreg:$0x2] =	wrdreg s6  }
0xac: {  	[dreg:$0x3] =	wrdreg s8  }
0xad: {  	[dreg:$0x4] =	wrdreg $0xC0  }
0xae: {  	_ =	task [dreg:s10], $0x5FFFF  }
0xaf: {  	[dreg:$0x1] =	wrdreg $0xFFFFFFFF  }
0xb0: {  	[dreg:$0x0] =	wrdreg $0x60  }
0xb1: {  	[dreg:$0x2] =	wrdreg s2  }
0xb2: {  	[dreg:$0x3] =	wrdreg s5  }
0xb3: {  	[dreg:$0x4] =	wrdreg s18  }
0xb4: {  	[dreg:$0x5] =	wrdreg s4  }
0xb5: {  	[dreg:$0x6] =	wrdreg s24  }
0xb6: {  	[dreg:$0x7] =	wrdreg $0x9  }
0xb7: {  	_ =	task.clear_ibuf [dreg:s10], $0x8FFFF;
	_ =	strace $0x90000046  }
0xb8: {  	s29 =	simm.s32 $0x9;
	_ =	strace $0x80000048  }
0xb9: {  	_ =	swait.ge [sflag:s29], $0x1  }
0xba: {  	[sflag:s29] =	ssyncadd.s32 $0xFFFFFFFF  }
0xbb: {  	_ =	strace $0x90000048  }
0xbc: {  	_ =	sfence  }
0xbd: {  	s30 =	sld [smem:$0x0];
	_ =	sdelay $0x2  }
0xbe: {  	s31 =	sshll.u32 s1, $0xD;
	s1 =	sshrl.u32 s1, $0x2  }
0xbf: {  	s3 =	sand.u32 $0x4000, s31;
	s1 =	sadd.s32 s1, s30  }
0xc0: {  	s0 =	sor.u32 s3, s0;
	s1 =	sshll.u32 s1, $0x11  }
0xc1: {  	s0 =	sor.u32 s1, s0  }
0xc2: {  	s0 =	sadd.s32 $0x8F2B, s0  }
0xc3: {  	[sflag:s0] =	ssyncadd.remote.s32 $0x1  }
0xc4: {  	_ =	sfence.sel $0xFFFF  }
0xc5: {  	[dreg:$0x0] =	wrdreg $0xFFFFFFFF;
	(pc) =	sbr.abs _section_cstart, $3  }
0xc6: {  	[dreg:$0x1] =	wrdreg $0xFFFFFFFF  }
0xc7: {  	_ =	task.clear_ibuf [dreg:s10], $0x2FFFF;
	_ =	strace $0x9FFFFFFF  }
0xc8: {  	(tm) =	ssettm $0x7FFFFFFF  }
0xc9: {  	_ =	shalt  }
tec
execute0_lowered:
.L_overlay_start_1:
0x0: {  	(tag) =	ssettag $0x1  }
0x1: {  	s7 =	rddreg [dreg:$0x1]  }
0x2: {  	s2 =	rddreg [dreg:$0x2]  }
0x3: {  	s4 =	rddreg [dreg:$0x3];
	s1 =	srdreg.scid  }
0x4: {  	s20 =	stileid.u32;
	s6 =	rddreg [dreg:$0x4]  }
0x5: {  	s3 =	simm.s32 $0x0;
	s9 =	sand.u32 $0x1, s1;
	s14 =	smul.u32 $0x4E20, s20  }
0x6: {  	s22 =	sshll.u32 s20, $0x1;
	[smem:$0x7FF] =	sst s3;
	s20 =	smul.u32 $0x4E200, s20  }
0x7: {  	s21 =	sadd.s32 $0x400, s6;
	s1 =	sor.u32 s9, s22;
	s24 =	smul.u32 $0x2710, s9  }
0x8: {  	_ =	strace $0x80000047;
	s5 =	ssub.s32 $0x2, s9;
	s8 =	smul.u32 $0x2710, s1  }
0x9: {  	[dreg:$0x12] =	wrdreg s21;
	s12 =	smul.u32 $0x27100, s1;
	s23 =	sshrl.u32 s5, $0x1  }
0xa: {  	s1 =	ssub.s32 s5, s23;
	s5 =	sadd.s32 s24, s14;
	s10 =	sadd.s32 $0x50, s8  }
0xb: {  	s13 =	sadd.s32 $0xA0, s8;
	s11 =	sadd.s32 $0xF0, s8;
	s12 =	sadd.s32 s7, s12  }
0xc: {  	s16 =	sadd.s32 $0x140, s8;
	s14 =	sadd.s32 $0x370, s5;
	s30 =	sadd.s32 $0x320, s5  }
0xd: {  	s18 =	sadd.s32 $0x230, s5;
	s19 =	sadd.s32 $0x190, s5;
	s24 =	sadd.s32 $0x2D0, s5  }
0xe: {  	s1 =	smax.u32 s1, $0x1;
	s15 =	sshll.u32 s10, $0x4;
	[dreg:$0x13] =	wrdreg s12  }
0xf: {  	s26 =	sshll.u32 s13, $0x4;
	s28 =	sshll.u32 s11, $0x4;
	s14 =	sshrl.u32 s14, $0x3  }
0x10: {  	s17 =	sshll.u32 s16, $0x4;
	[smem:$0x7E9] =	sst s1;
	s25 =	sadd.s32 s7, s15  }
0x11: {  	s18 =	sshrl.u32 s18, $0x3;
	s12 =	sadd.s32 s7, s26;
	[dreg:$0x14] =	wrdreg s25  }
0x12: {  	s22 =	sshrl.u32 s19, $0x3;
	s15 =	sadd.s32 s7, s28;
	[dreg:$0x15] =	wrdreg s12  }
0x13: {  	s29 =	sadd.s32 s14, s4;
	s14 =	sadd.s32 s14, s2;
	[dreg:$0x16] =	wrdreg s15  }
0x14: {  	s0 =	smul.u32 $0x180, s18;
	s17 =	sadd.s32 s7, s17;
	[dreg:$0x6] =	wrdreg s29  }
0x15: {  	s23 =	smul.u32 $0x180, s22;
	s15 =	sshrl.u32 s30, $0x3;
	[dreg:$0x7] =	wrdreg s14  }
0x16: {  	s12 =	sadd.s32 $0x190, s8;
	[dreg:$0x17] =	wrdreg s17;
	s31 =	sadd.s32 s15, s4  }
0x17: {  	s25 =	sadd.s32 $0x1E0, s5;
	s15 =	sadd.s32 s15, s2;
	[dreg:$0x8] =	wrdreg s31  }
0x18: {  	s14 =	sadd.s32 s0, s21;
	s17 =	sshrl.u32 s25, $0x3;
	[dreg:$0x9] =	wrdreg s15  }
0x19: {  	s28 =	sshll.u32 s12, $0x4;
	[dreg:$0xa] =	wrdreg s14;
	s15 =	sadd.s32 s23, s21  }
0x1a: {  	s25 =	sshrl.u32 s16, $0x3;
	s18 =	sadd.s32 s7, s28;
	[dreg:$0xb] =	wrdreg s15  }
0x1b: {  	s14 =	sshrl.u32 s24, $0x3;
	s16 =	sadd.s32 s2, s25;
	[dreg:$0x18] =	wrdreg s18  }
0x1c: {  	s24 =	sshrl.u32 s13, $0x3;
	s13 =	sadd.s32 s4, s25;
	[dreg:$0x1c] =	wrdreg s16  }
0x1d: {  	s22 =	sadd.s32 $0x2620, s8;
	s26 =	sadd.s32 s14, s4;
	[dreg:$0x1d] =	wrdreg s13  }
0x1e: {  	s23 =	sshrl.u32 s10, $0x3;
	s14 =	sadd.s32 s14, s2;
	[dreg:$0xc] =	wrdreg s26  }
0x1f: {  	s17 =	smul.u32 $0x180, s17;
	s28 =	sadd.s32 s4, s23;
	[dreg:$0xd] =	wrdreg s14  }
0x20: {  	s30 =	sshll.u32 s22, $0x4;
	s13 =	sadd.s32 s2, s24;
	[dreg:$0x1f] =	wrdreg s28  }
0x21: {  	s0 =	sadd.s32 $0x280, s5;
	s29 =	sadd.s32 s17, s21;
	[smem:$0x7D5] =	sst s13  }
0x22: {  	s18 =	sshrl.u32 s0, $0x3;
	s17 =	sadd.s32 s7, s30;
	[dreg:$0xe] =	wrdreg s29  }
0x23: {  	s9 =	smul.u32 $0x27100, s9;
	s14 =	sadd.s32 s18, s4;
	[dreg:$0x19] =	wrdreg s17  }
0x24: {  	s15 =	sadd.s32 $0x2670, s8;
	s18 =	sadd.s32 s18, s2;
	[dreg:$0xf] =	wrdreg s14  }
0x25: {  	s0 =	sshrl.u32 s11, $0x3;
	s26 =	sadd.s32 s2, s23;
	[dreg:$0x10] =	wrdreg s18  }
0x26: {  	s31 =	sshll.u32 s15, $0x4;
	s28 =	sadd.s32 s2, s0;
	[dreg:$0x1e] =	wrdreg s26  }
0x27: {  	s17 =	sadd.s32 s7, s31;
	s31 =	sshrl.u32 s12, $0x3;
	[smem:$0x7DC] =	sst s28  }
0x28: {  	s18 =	sadd.s32 s4, s24;
	[dreg:$0x1a] =	wrdreg s17;
	s17 =	sadd.s32 $0x26C0, s8  }
0x29: {  	s8 =	sshrl.u32 s8, $0x3;
	s12 =	sadd.s32 s2, s31;
	[smem:$0x7D6] =	sst s18  }
0x2a: {  	s29 =	smul.u32 $0xC00, s23;
	[smem:$0x7D3] =	sst s12;
	s25 =	sadd.s32 s2, s8  }
0x2b: {  	s19 =	sshll.u32 s17, $0x4;
	s26 =	sadd.s32 s4, s8;
	[smem:$0x7DA] =	sst s25  }
0x2c: {  	s16 =	smul.u32 $0xC00, s8;
	s19 =	sadd.s32 s7, s19;
	[smem:$0x7DB] =	sst s26  }
0x2d: {  	s7 =	sadd.s32 s20, s7;
	s20 =	sadd.s32 $0x3C, s8;
	[dreg:$0x1b] =	wrdreg s19  }
0x2e: {  	s14 =	sadd.s32 s9, s7;
	s7 =	sadd.s32 $0x480, s6;
	s23 =	sadd.s32 s2, s20  }
0x2f: {  	s6 =	sshrl.u32 s29, $0x3;
	s29 =	sadd.s32 s4, s0;
	[smem:$0x7D8] =	sst s23  }
0x30: {  	s30 =	sshrl.u32 s16, $0x3;
	[smem:$0x7DD] =	sst s29  }
0x31: {  	s12 =	sshrl.u32 s17, $0x3;
	s9 =	sadd.s32 s30, s7;
	[dreg:$0x11] =	wrdreg s7  }
0x32: {  	s10 =	sadd.s32 s21, s6;
	s6 =	sadd.s32 s6, s7;
	[smem:$0x7D2] =	sst s9  }
0x33: {  	s23 =	sadd.s32 s4, s12;
	[smem:$0x7D7] =	sst s6  }
0x34: {  	s11 =	sadd.s32 s21, s30;
	[smem:$0x7E3] =	sst s23  }
0x35: {  	[smem:$0x7EC] =	sst s11  }
0x36: {  	s9 =	sadd.s32 s4, s31;
	[smem:$0x7EE] =	sst s10  }
0x37: {  	s8 =	sadd.s32 $0x46, s8;
	s6 =	sadd.s32 s4, s20;
	[smem:$0x7D4] =	sst s9  }
0x38: {  	s31 =	sadd.s32 s2, s8;
	[smem:$0x7D9] =	sst s6  }
0x39: {  	s19 =	smul.u32 $0xC00, s24;
	s8 =	sadd.s32 s4, s8;
	[smem:$0x7DF] =	sst s31  }
0x3a: {  	s2 =	sadd.s32 s2, s12;
	[smem:$0x7E0] =	sst s8  }
0x3b: {  	s24 =	sshrl.u32 s19, $0x3;
	s19 =	sadd.s32 $0x2D00, s14;
	[smem:$0x7E2] =	sst s2  }
0x3c: {  	s26 =	sshrl.u32 s22, $0x3;
	s20 =	sadd.s32 $0x140, s5;
	[smem:$0x7EA] =	sst s19  }
0x3d: {  	s25 =	sadd.s32 $0x38B800, s16;
	s22 =	sadd.s32 $0x100, s11;
	[smem:$0x7EB] =	sst s20  }
0x3e: {  	s30 =	smul.u32 $0xC00, s0;
	s23 =	sadd.s32 $0x100, s10;
	[smem:$0x7ED] =	sst s22  }
0x3f: {  	s4 =	sshrl.u32 s25, $0x3;
	s6 =	sadd.s32 s24, s7;
	[smem:$0x7EF] =	sst s23  }
0x40: {  	s31 =	sadd.s32 s21, s4;
	s4 =	sadd.s32 s4, s7;
	[smem:$0x7DE] =	sst s6  }
0x41: {  	s0 =	sadd.s32 s21, s24;
	[smem:$0x7E5] =	sst s4  }
0x42: {  	s9 =	sshrl.u32 s30, $0x3;
	[smem:$0x7F0] =	sst s0  }
0x43: {  	s24 =	sadd.s32 $0x384000, s16;
	s6 =	sadd.s32 s9, s7;
	[smem:$0x7F6] =	sst s31  }
0x44: {  	s2 =	sshrl.u32 s24, $0x3;
	s24 =	sadd.s32 $0x100, s0;
	[smem:$0x7E1] =	sst s6  }
0x45: {  	s28 =	sshrl.u32 s15, $0x3;
	s13 =	sadd.s32 s21, s9;
	[smem:$0x7F1] =	sst s24  }
0x46: {  	s30 =	smul.u32 $0xC00, s28;
	s28 =	sadd.s32 $0x100, s31;
	[smem:$0x7F2] =	sst s13  }
0x47: {  	s29 =	sadd.s32 s21, s2;
	s2 =	sadd.s32 s2, s7;
	[smem:$0x7F7] =	sst s28  }
0x48: {  	s15 =	smul.u32 $0xC00, s12;
	s25 =	sadd.s32 $0x100, s13;
	[smem:$0x7E4] =	sst s2  }
0x49: {  	s6 =	smul.u32 $0xC00, s26;
	[smem:$0x7F3] =	sst s25  }
0x4a: {  	s2 =	sshrl.u32 s30, $0x3;
	[smem:$0x7F4] =	sst s29;
	s26 =	sadd.s32 $0x100, s29  }
0x4b: {  	s17 =	sadd.s32 s21, s2;
	s2 =	sadd.s32 s2, s7;
	[smem:$0x7F5] =	sst s26  }
0x4c: {  	s6 =	sshrl.u32 s6, $0x3;
	[smem:$0x7E7] =	sst s2  }
0x4d: {  	s18 =	sshrl.u32 s15, $0x3;
	s4 =	sadd.s32 s6, s7;
	[smem:$0x7FA] =	sst s17  }
0x4e: {  	s2 =	sadd.s32 s18, s7;
	[smem:$0x7E6] =	sst s4  }
0x4f: {  	s16 =	sadd.s32 s21, s6;
	[smem:$0x7E8] =	sst s2  }
0x50: {  	s15 =	simm.s32 $0x80;
	s30 =	sadd.s32 $0x100, s17;
	[smem:$0x7F8] =	sst s16  }
0x51: {  	s19 =	simm.s32 $0x2;
	s6 =	sadd.s32 s21, s18;
	[smem:$0x7FB] =	sst s30  }
0x52: {  	s8 =	simm.s32 $0xC00;
	s29 =	sadd.s32 $0x100, s16;
	[smem:$0x7FC] =	sst s6  }
0x53: {  	s0 =	simm.s32 $0x0;
	s31 =	sadd.s32 $0x100, s6;
	[smem:$0x7F9] =	sst s29  }
0x54: {  	s26 =	simm.s32 $0x400;
	s17 =	simm.s32 $0x280;
	[smem:$0x7FD] =	sst s31  }
.LBB2_1:
0x55: {  	s1 =	sld [smem:$0x7DA];
	_ =	sdelay $0x1  }
0x56: {  	s4 =	sld [smem:$0x7DB]  }
0x57: {  	[tilespmem:s3], [sflag:$0x1] =	stream.linear.gather [hbm4b:s1+s3], $0x50, $0x38;
	[tilespmem:$0x1E400] =	vst v63  }
0x58: {  	s29 =	simm.s32 $0x200;
	s5 =	rddreg [dreg:$0x1e]  }
0x59: {  	[tilespmem:s29], [sflag:$0x1] =	stream.linear.gather [hbm4b:s4+s3], $0x50, $0x38;
	[tilespmem:$0x1E400] =	vst v63  }
0x5a: {  	s6 =	rddreg [dreg:$0x1f]  }
0x5b: {  	[tilespmem:s15], [sflag:$0x2] =	stream.linear.gather [hbm4b:s5+s3], $0x50, $0x38;
	[tilespmem:$0x1E400] =	vst v63  }
0x5c: {  	s9 =	sld [smem:$0x7D5]  }
0x5d: {  	[tilespmem:s17], [sflag:$0x2] =	stream.linear.gather [hbm4b:s6+s3], $0x50, $0x38;
	[tilespmem:$0x1E400] =	vst v63  }
0x5e: {  	s10 =	simm.s32 $0x100;
	s11 =	sld [smem:$0x7D6]  }
0x5f: {  	[tilespmem:s10], [sflag:$0x3] =	stream.linear.gather [hbm4b:s9+s3], $0x50, $0x38;
	[tilespmem:$0x1E400] =	vst v63  }
0x60: {  	s12 =	simm.s32 $0x300;
	s13 =	sld [smem:$0x7DC]  }
0x61: {  	[tilespmem:s12], [sflag:$0x3] =	stream.linear.gather [hbm4b:s11+s3], $0x50, $0x38;
	[tilespmem:$0x1E400] =	vst v63  }
0x62: {  	s14 =	simm.s32 $0x180;
	s16 =	sld [smem:$0x7DD]  }
0x63: {  	[tilespmem:s14], [sflag:$0x4] =	stream.linear.gather [hbm4b:s13+s3], $0x50, $0x38;
	[tilespmem:$0x1E400] =	vst v63  }
0x64: {  	[smem:$0x7D1] =	sst s0;
	s18 =	simm.s32 $0x380;
	s22 =	simm.s32 $0x1  }
0x65: {  	[tilespmem:s18], [sflag:$0x4] =	stream.linear.gather [hbm4b:s16+s3], $0x50, $0x38;
	[tilespmem:$0x1E400] =	vst v63  }
0x66: {  	_ =	swait.ge [sflag:s22], $0x50  }
0x67: {  	[sflag:s22] =	ssyncset.done $0x0  }
0x68: {  	[sflag:s22] =	ssyncadd.s32 $0xFFFFFFB0  }
0x69: {  	_ =	swait.ge [sflag:s22], $0x50  }
0x6a: {  	[sflag:s22] =	ssyncset.done $0x0  }
0x6b: {  	[sflag:s22] =	ssyncadd.s32 $0xFFFFFFB0  }
0x6c: {  	s24 =	simm.s32 $0x50;
	s0 =	rddreg [dreg:$0x0]  }
0x6d: {  	[tilespmem:s26], [sflag:$0x5] =	stream.indirect.gather [hbm4b:s0+s24], $0x80, s3, s24, $0xb8;
	[tilespmem:$0x1E400] =	vst v63  }
0x6e: {  	s20 =	simm.s32 $0xA400  }
0x6f: {  	[tilespmem:s20], [sflag:$0x5] =	stream.indirect.gather [hbm4b:s0+s24], $0x80, s29, s24, $0xb8;
	[tilespmem:$0x1E400] =	vst v63  }
0x70: {  	s2 =	simm.s32 $0x14400;
	s23 =	rddreg [dreg:$0x13]  }
0x71: {  	[tilespmem:s2], [sflag:$0x5] =	stream.linear.gather [hbm4b:s23+s3], $0x2800, $0x38;
	[tilespmem:$0x1E400] =	vst v63  }
0x72: {  	_ =	swait.ge [sflag:s19], $0x50  }
0x73: {  	[sflag:s19] =	ssyncset.done $0x0  }
0x74: {  	[sflag:s19] =	ssyncadd.s32 $0xFFFFFFB0  }
0x75: {  	_ =	swait.ge [sflag:s19], $0x50  }
0x76: {  	[sflag:s19] =	ssyncset.done $0x0  }
0x77: {  	s25 =	simm.s32 $0x2C00;
	[sflag:s19] =	ssyncadd.s32 $0xFFFFFFB0  }
0x78: {  	[tilespmem:s25], [sflag:$0x6] =	stream.indirect.gather [hbm4b:s0+s24], $0x80, s15, s24, $0xb8;
	[tilespmem:$0x1E400] =	vst v63  }
0x79: {  	s28 =	simm.s32 $0xCC00  }
0x7a: {  	[tilespmem:s28], [sflag:$0x6] =	stream.indirect.gather [hbm4b:s0+s24], $0x80, s17, s24, $0xb8;
	[tilespmem:$0x1E400] =	vst v63  }
0x7b: {  	s30 =	simm.s32 $0x5;
	s20 =	simm.s32 $0x16C00;
	s31 =	rddreg [dreg:$0x14]  }
0x7c: {  	[tilespmem:s20], [sflag:$0x6] =	stream.linear.gather [hbm4b:s31+s3], $0x2800, $0x38;
	[tilespmem:$0x1E400] =	vst v63  }
0x7d: {  	_ =	swait.ge [sflag:s30], $0x2800  }
0x7e: {  	[sflag:s30] =	ssyncset.done $0x0  }
0x7f: {  	[sflag:s30] =	ssyncadd.s32 $0xFFFFD800  }
0x80: {  	_ =	swait.ge [sflag:s30], $0x2800  }
0x81: {  	[sflag:s30] =	ssyncset.done $0x0  }
0x82: {  	[sflag:s30] =	ssyncadd.s32 $0xFFFFD800  }
0x83: {  	_ =	swait.ge [sflag:s30], $0x2800  }
0x84: {  	[sflag:s30] =	ssyncset.done $0x0;
	s10 =	rddreg [dreg:$0x1c]  }
0x85: {  	s12 =	rddreg [dreg:$0x1d];
	[sflag:s30] =	ssyncadd.s32 $0xFFFFD800  }
0x86: {  	[tilespmem:s3], [sflag:$0x1] =	stream.linear.gather [hbm4b:s10+s3], $0x50, $0x38;
	[tilespmem:$0x1E400] =	vst v63  }
0x87: {  	s13 =	sld [smem:$0x7EC]  }
0x88: {  	[tilespmem:s29], [sflag:$0x1] =	stream.linear.gather [hbm4b:s12+s3], $0x50, $0x38;
	[tilespmem:$0x1E400] =	vst v63  }
0x89: {  	s14 =	sld [smem:$0x7D2]  }
0x8a: {  	[hbm4b:s13+s26] =	stream.strided.scatter [tilespmem:s26], [sflag:$0x9], $0x2800, s8, s26, $0x38;
	[tilespmem:$0x1E400] =	vst v63  }
0x8b: {  	s11 =	simm.s32 $0xA400;
	s16 =	sld [smem:$0x7ED]  }
0x8c: {  	[hbm4b:s14+s26] =	stream.strided.scatter [tilespmem:s11], [sflag:$0x9], $0x2800, s8, s26, $0x38;
	[tilespmem:$0x1E400] =	vst v63  }
0x8d: {  	s4 =	simm.s32 $0x14400  }
0x8e: {  	[hbm4b:s16+s26] =	stream.strided.scatter [tilespmem:s4], [sflag:$0x9], $0x2800, s8, s26, $0x38;
	[tilespmem:$0x1E400] =	vst v63  }
0x8f: {  	s4 =	smov.u32 s21;
	s21 =	simm.s32 $0x3  }
0x90: {  	_ =	swait.ge [sflag:s21], $0x50  }
0x91: {  	[sflag:s21] =	ssyncset.done $0x0  }
0x92: {  	[sflag:s21] =	ssyncadd.s32 $0xFFFFFFB0  }
0x93: {  	_ =	swait.ge [sflag:s21], $0x50  }
0x94: {  	[sflag:s21] =	ssyncset.done $0x0  }
0x95: {  	s18 =	simm.s32 $0x5400;
	s23 =	simm.s32 $0x100;
	[sflag:s21] =	ssyncadd.s32 $0xFFFFFFB0  }
0x96: {  	[tilespmem:s18], [sflag:$0x7] =	stream.indirect.gather [hbm4b:s0+s24], $0x80, s23, s24, $0xb8;
	[tilespmem:$0x1E400] =	vst v63  }
0x97: {  	s25 =	simm.s32 $0xF400;
	s10 =	simm.s32 $0x300  }
0x98: {  	[tilespmem:s25], [sflag:$0x7] =	stream.indirect.gather [hbm4b:s0+s24], $0x80, s10, s24, $0xb8;
	[tilespmem:$0x1E400] =	vst v63  }
0x99: {  	s13 =	simm.s32 $0x19400;
	s16 =	simm.s32 $0x6;
	s31 =	rddreg [dreg:$0x15]  }
0x9a: {  	[tilespmem:s13], [sflag:$0x7] =	stream.linear.gather [hbm4b:s31+s3], $0x2800, $0x38;
	[tilespmem:$0x1E400] =	vst v63  }
0x9b: {  	_ =	swait.ge [sflag:s16], $0x2800  }
0x9c: {  	[sflag:s16] =	ssyncset.done $0x0  }
0x9d: {  	[sflag:s16] =	ssyncadd.s32 $0xFFFFD800  }
0x9e: {  	_ =	swait.ge [sflag:s16], $0x2800  }
0x9f: {  	[sflag:s16] =	ssyncset.done $0x0  }
0xa0: {  	[sflag:s16] =	ssyncadd.s32 $0xFFFFD800  }
0xa1: {  	_ =	swait.ge [sflag:s16], $0x2800  }
0xa2: {  	s13 =	sld [smem:$0x7D3]  }
0xa3: {  	[sflag:s16] =	ssyncset.done $0x0  }
0xa4: {  	s18 =	sld [smem:$0x7D4];
	[sflag:s16] =	ssyncadd.s32 $0xFFFFD800  }
0xa5: {  	[tilespmem:s15], [sflag:$0x2] =	stream.linear.gather [hbm4b:s13+s3], $0x50, $0x38;
	[tilespmem:$0x1E400] =	vst v63  }
0xa6: {  	s25 =	sld [smem:$0x7EE]  }
0xa7: {  	[tilespmem:s17], [sflag:$0x2] =	stream.linear.gather [hbm4b:s18+s3], $0x50, $0x38;
	[tilespmem:$0x1E400] =	vst v63  }
0xa8: {  	s2 =	simm.s32 $0x2C00  }
0xa9: {  	[hbm4b:s25+s26] =	stream.strided.scatter [tilespmem:s2], [sflag:$0xA], $0x2800, s8, s26, $0x38;
	[tilespmem:$0x1E400] =	vst v63  }
0xaa: {  	s2 =	sld [smem:$0x7D7];
	_ =	sdelay $0x1  }
0xab: {  	s5 =	simm.s32 $0xCC00;
	s13 =	sld [smem:$0x7EF]  }
0xac: {  	[hbm4b:s2+s26] =	stream.strided.scatter [tilespmem:s5], [sflag:$0xA], $0x2800, s8, s26, $0x38;
	[tilespmem:$0x1E400] =	vst v63  }
0xad: {  	_ = 	snop  }
0xae: {  	[hbm4b:s13+s26] =	stream.strided.scatter [tilespmem:s20], [sflag:$0xA], $0x2800, s8, s26, $0x38;
	[tilespmem:$0x1E400] =	vst v63  }
0xaf: {  	s13 =	simm.s32 $0x4  }
0xb0: {  	_ =	swait.ge [sflag:s13], $0x50  }
0xb1: {  	[sflag:s13] =	ssyncset.done $0x0  }
0xb2: {  	[sflag:s13] =	ssyncadd.s32 $0xFFFFFFB0  }
0xb3: {  	_ =	swait.ge [sflag:s13], $0x50  }
0xb4: {  	[sflag:s13] =	ssyncset.done $0x0  }
0xb5: {  	s9 =	simm.s32 $0x180;
	s18 =	simm.s32 $0x7C00;
	[sflag:s13] =	ssyncadd.s32 $0xFFFFFFB0  }
0xb6: {  	[tilespmem:s18], [sflag:$0x8] =	stream.indirect.gather [hbm4b:s0+s24], $0x80, s9, s24, $0xb8;
	[tilespmem:$0x1E400] =	vst v63  }
0xb7: {  	s6 =	simm.s32 $0x380;
	s25 =	simm.s32 $0x11C00  }
0xb8: {  	[tilespmem:s25], [sflag:$0x8] =	stream.indirect.gather [hbm4b:s0+s24], $0x80, s6, s24, $0xb8;
	[tilespmem:$0x1E400] =	vst v63  }
0xb9: {  	s5 =	rddreg [dreg:$0x16];
	s25 =	simm.s32 $0x1BC00  }
0xba: {  	[tilespmem:s25], [sflag:$0x8] =	stream.linear.gather [hbm4b:s5+s3], $0x2800, $0x38;
	[tilespmem:$0x1E400] =	vst v63  }
0xbb: {  	s25 =	simm.s32 $0x7  }
0xbc: {  	_ =	swait.ge [sflag:s25], $0x2800  }
0xbd: {  	[sflag:s25] =	ssyncset.done $0x0  }
0xbe: {  	[sflag:s25] =	ssyncadd.s32 $0xFFFFD800  }
0xbf: {  	_ =	swait.ge [sflag:s25], $0x2800  }
0xc0: {  	[sflag:s25] =	ssyncset.done $0x0  }
0xc1: {  	[sflag:s25] =	ssyncadd.s32 $0xFFFFD800  }
0xc2: {  	_ =	swait.ge [sflag:s25], $0x2800  }
0xc3: {  	s1 =	sld [smem:$0x7D8]  }
0xc4: {  	[sflag:s25] =	ssyncset.done $0x0  }
0xc5: {  	[sflag:s25] =	ssyncadd.s32 $0xFFFFD800  }
0xc6: {  	[tilespmem:s23], [sflag:$0x3] =	stream.linear.gather [hbm4b:s1+s3], $0x50, $0x38;
	[tilespmem:$0x1E400] =	vst v63  }
0xc7: {  	s23 =	sld [smem:$0x7D9];
	_ =	sdelay $0x2  }
0xc8: {  	[tilespmem:s10], [sflag:$0x3] =	stream.linear.gather [hbm4b:s23+s3], $0x50, $0x38;
	[tilespmem:$0x1E400] =	vst v63  }
0xc9: {  	s10 =	sld [smem:$0x7F0];
	_ =	sdelay $0x1  }
0xca: {  	s14 =	simm.s32 $0x5400  }
0xcb: {  	[hbm4b:s10+s26] =	stream.strided.scatter [tilespmem:s14], [sflag:$0xB], $0x2800, s8, s26, $0x38;
	[tilespmem:$0x1E400] =	vst v63  }
0xcc: {  	s14 =	sld [smem:$0x7DE];
	_ =	sdelay $0x1  }
0xcd: {  	s12 =	simm.s32 $0xF400;
	s23 =	sld [smem:$0x7F1]  }
0xce: {  	[hbm4b:s14+s26] =	stream.strided.scatter [tilespmem:s12], [sflag:$0xB], $0x2800, s8, s26, $0x38;
	[tilespmem:$0x1E400] =	vst v63  }
0xcf: {  	s31 =	simm.s32 $0x19400  }
0xd0: {  	[hbm4b:s23+s26] =	stream.strided.scatter [tilespmem:s31], [sflag:$0xB], $0x2800, s8, s26, $0x38;
	[tilespmem:$0x1E400] =	vst v63  }
0xd1: {  	s31 =	simm.s32 $0x9  }
0xd2: {  	_ =	swait.ge [sflag:s31], $0x2800  }
0xd3: {  	[sflag:s31] =	ssyncset.done $0x0  }
0xd4: {  	[sflag:s31] =	ssyncadd.s32 $0xFFFFD800  }
0xd5: {  	_ =	swait.ge [sflag:s31], $0x2800  }
0xd6: {  	[sflag:s31] =	ssyncset.done $0x0  }
0xd7: {  	[sflag:s31] =	ssyncadd.s32 $0xFFFFD800  }
0xd8: {  	_ =	swait.ge [sflag:s31], $0x2800  }
0xd9: {  	[sflag:s31] =	ssyncset.done $0x0  }
0xda: {  	[sflag:s31] =	ssyncadd.s32 $0xFFFFD800  }
0xdb: {  	_ =	swait.ge [sflag:s22], $0x50  }
0xdc: {  	[sflag:s22] =	ssyncset.done $0x0  }
0xdd: {  	[sflag:s22] =	ssyncadd.s32 $0xFFFFFFB0  }
0xde: {  	_ =	swait.ge [sflag:s22], $0x50  }
0xdf: {  	[sflag:s22] =	ssyncset.done $0x0  }
0xe0: {  	[sflag:s22] =	ssyncadd.s32 $0xFFFFFFB0  }
0xe1: {  	[tilespmem:s26], [sflag:$0x5] =	stream.indirect.gather [hbm4b:s0+s24], $0x80, s3, s24, $0xb8;
	[tilespmem:$0x1E400] =	vst v63  }
0xe2: {  	s28 =	simm.s32 $0xA400  }
0xe3: {  	[tilespmem:s28], [sflag:$0x5] =	stream.indirect.gather [hbm4b:s0+s24], $0x80, s29, s24, $0xb8;
	[tilespmem:$0x1E400] =	vst v63  }
0xe4: {  	s11 =	simm.s32 $0x14400;
	s28 =	rddreg [dreg:$0x17]  }
0xe5: {  	[tilespmem:s11], [sflag:$0x5] =	stream.linear.gather [hbm4b:s28+s3], $0x2800, $0x38;
	[tilespmem:$0x1E400] =	vst v63  }
0xe6: {  	s11 =	simm.s32 $0x8  }
0xe7: {  	_ =	swait.ge [sflag:s11], $0x2800  }
0xe8: {  	[sflag:s11] =	ssyncset.done $0x0  }
0xe9: {  	[sflag:s11] =	ssyncadd.s32 $0xFFFFD800  }
0xea: {  	_ =	swait.ge [sflag:s11], $0x2800  }
0xeb: {  	[sflag:s11] =	ssyncset.done $0x0  }
0xec: {  	[sflag:s11] =	ssyncadd.s32 $0xFFFFD800  }
0xed: {  	_ =	swait.ge [sflag:s11], $0x2800  }
0xee: {  	s10 =	sld [smem:$0x7DF]  }
0xef: {  	[sflag:s11] =	ssyncset.done $0x0  }
0xf0: {  	s23 =	sld [smem:$0x7E0];
	[sflag:s11] =	ssyncadd.s32 $0xFFFFD800  }
0xf1: {  	[tilespmem:s9], [sflag:$0x4] =	stream.linear.gather [hbm4b:s10+s3], $0x50, $0x38;
	[tilespmem:$0x1E400] =	vst v63  }
0xf2: {  	s18 =	simm.s32 $0x380;
	s28 =	sld [smem:$0x7F2]  }
0xf3: {  	[tilespmem:s18], [sflag:$0x4] =	stream.linear.gather [hbm4b:s23+s3], $0x50, $0x38;
	[tilespmem:$0x1E400] =	vst v63  }
0xf4: {  	s2 =	simm.s32 $0x7C00;
	s9 =	sld [smem:$0x7E1]  }
0xf5: {  	[hbm4b:s28+s26] =	stream.strided.scatter [tilespmem:s2], [sflag:$0xC], $0x2800, s8, s26, $0x38;
	[tilespmem:$0x1E400] =	vst v63  }
0xf6: {  	s6 =	simm.s32 $0x11C00;
	s10 =	sld [smem:$0x7F3]  }
0xf7: {  	[hbm4b:s9+s26] =	stream.strided.scatter [tilespmem:s6], [sflag:$0xC], $0x2800, s8, s26, $0x38;
	[tilespmem:$0x1E400] =	vst v63  }
0xf8: {  	s5 =	simm.s32 $0x1BC00;
	s28 =	simm.s32 $0xA  }
0xf9: {  	[hbm4b:s10+s26] =	stream.strided.scatter [tilespmem:s5], [sflag:$0xC], $0x2800, s8, s26, $0x38;
	[tilespmem:$0x1E400] =	vst v63  }
0xfa: {  	_ =	swait.ge [sflag:s28], $0x2800  }
0xfb: {  	[sflag:s28] =	ssyncset.done $0x0  }
0xfc: {  	[sflag:s28] =	ssyncadd.s32 $0xFFFFD800  }
0xfd: {  	_ =	swait.ge [sflag:s28], $0x2800  }
0xfe: {  	[sflag:s28] =	ssyncset.done $0x0  }
0xff: {  	[sflag:s28] =	ssyncadd.s32 $0xFFFFD800  }
0x100: {  	_ =	swait.ge [sflag:s28], $0x2800  }
0x101: {  	[sflag:s28] =	ssyncset.done $0x0  }
0x102: {  	[sflag:s28] =	ssyncadd.s32 $0xFFFFD800  }
0x103: {  	_ =	swait.ge [sflag:s19], $0x50  }
0x104: {  	[sflag:s19] =	ssyncset.done $0x0  }
0x105: {  	[sflag:s19] =	ssyncadd.s32 $0xFFFFFFB0  }
0x106: {  	_ =	swait.ge [sflag:s19], $0x50  }
0x107: {  	[sflag:s19] =	ssyncset.done $0x0  }
0x108: {  	s18 =	simm.s32 $0x2C00;
	[sflag:s19] =	ssyncadd.s32 $0xFFFFFFB0  }
0x109: {  	[tilespmem:s18], [sflag:$0x6] =	stream.indirect.gather [hbm4b:s0+s24], $0x80, s15, s24, $0xb8;
	[tilespmem:$0x1E400] =	vst v63  }
0x10a: {  	s23 =	simm.s32 $0xCC00  }
0x10b: {  	[tilespmem:s23], [sflag:$0x6] =	stream.indirect.gather [hbm4b:s0+s24], $0x80, s17, s24, $0xb8;
	[tilespmem:$0x1E400] =	vst v63  }
0x10c: {  	s2 =	rddreg [dreg:$0x18]  }
0x10d: {  	[tilespmem:s20], [sflag:$0x6] =	stream.linear.gather [hbm4b:s2+s3], $0x2800, $0x38;
	[tilespmem:$0x1E400] =	vst v63  }
0x10e: {  	_ =	swait.ge [sflag:s30], $0x2800  }
0x10f: {  	[sflag:s30] =	ssyncset.done $0x0  }
0x110: {  	[sflag:s30] =	ssyncadd.s32 $0xFFFFD800  }
0x111: {  	_ =	swait.ge [sflag:s30], $0x2800  }
0x112: {  	[sflag:s30] =	ssyncset.done $0x0  }
0x113: {  	[sflag:s30] =	ssyncadd.s32 $0xFFFFD800  }
0x114: {  	_ =	swait.ge [sflag:s30], $0x2800  }
0x115: {  	s5 =	rddreg [dreg:$0x10]  }
0x116: {  	[sflag:s30] =	ssyncset.done $0x0;
	s23 =	sld [smem:$0x7EB]  }
0x117: {  	[sflag:s30] =	ssyncadd.s32 $0xFFFFD800;
	s2 =	sadd.s32 $0x0, s5  }
0x118: {  	[tilespmem:s3], [sflag:$0x1] =	stream.linear.gather [hbm4b:s2+s3], $0x50, $0x38;
	[tilespmem:$0x1E400] =	vst v63  }
0x119: {  	s6 =	rddreg [dreg:$0xf];
	s10 =	sshrl.u32 s23, $0x3  }
0x11a: {  	s18 =	sadd.s32 $0x0, s6;
	s9 =	smul.u32 $0xC00, s10  }
0x11b: {  	[tilespmem:s29], [sflag:$0x1] =	stream.linear.gather [hbm4b:s18+s3], $0x50, $0x38;
	[tilespmem:$0x1E400] =	vst v63  }
0x11c: {  	s1 =	sshrl.u32 s9, $0x3  }
0x11d: {  	s6 =	sadd.s32 s4, s1  }
0x11e: {  	[hbm4b:s6+s26] =	stream.strided.scatter [tilespmem:s26], [sflag:$0x9], $0x2800, s8, s26, $0x38;
	[tilespmem:$0x1E400] =	vst v63  }
0x11f: {  	s14 =	simm.s32 $0xA400;
	s5 =	sadd.s32 s1, s7  }
0x120: {  	[hbm4b:s5+s26] =	stream.strided.scatter [tilespmem:s14], [sflag:$0x9], $0x2800, s8, s26, $0x38;
	[tilespmem:$0x1E400] =	vst v63  }
0x121: {  	s12 =	simm.s32 $0x14400;
	s7 =	simm.s32 $0xB;
	s2 =	sadd.s32 $0x100, s6  }
0x122: {  	[hbm4b:s2+s26] =	stream.strided.scatter [tilespmem:s12], [sflag:$0x9], $0x2800, s8, s26, $0x38;
	[tilespmem:$0x1E400] =	vst v63  }
0x123: {  	_ =	swait.ge [sflag:s7], $0x2800  }
0x124: {  	[sflag:s7] =	ssyncset.done $0x0  }
0x125: {  	[sflag:s7] =	ssyncadd.s32 $0xFFFFD800  }
0x126: {  	_ =	swait.ge [sflag:s7], $0x2800  }
0x127: {  	[sflag:s7] =	ssyncset.done $0x0  }
0x128: {  	[sflag:s7] =	ssyncadd.s32 $0xFFFFD800  }
0x129: {  	_ =	swait.ge [sflag:s7], $0x2800  }
0x12a: {  	[sflag:s7] =	ssyncset.done $0x0  }
0x12b: {  	[sflag:s7] =	ssyncadd.s32 $0xFFFFD800  }
0x12c: {  	_ =	swait.ge [sflag:s21], $0x50  }
0x12d: {  	[sflag:s21] =	ssyncset.done $0x0  }
0x12e: {  	[sflag:s21] =	ssyncadd.s32 $0xFFFFFFB0  }
0x12f: {  	_ =	swait.ge [sflag:s21], $0x50  }
0x130: {  	s10 =	simm.s32 $0x5400;
	[sflag:s21] =	ssyncset.done $0x0  }
0x131: {  	s6 =	simm.s32 $0x100;
	s1 =	sld [smem:$0x7EA];
	[sflag:s21] =	ssyncadd.s32 $0xFFFFFFB0  }
0x132: {  	[tilespmem:s10], [sflag:$0x7] =	stream.indirect.gather [hbm4b:s0+s24], $0x80, s6, s24, $0xb8;
	[tilespmem:$0x1E400] =	vst v63  }
0x133: {  	s18 =	simm.s32 $0xF400;
	s7 =	simm.s32 $0x300  }
0x134: {  	[tilespmem:s18], [sflag:$0x7] =	stream.indirect.gather [hbm4b:s0+s24], $0x80, s7, s24, $0xb8;
	[tilespmem:$0x1E400] =	vst v63  }
0x135: {  	s12 =	simm.s32 $0x19400;
	s9 =	sadd.s32 $0xFFFFF100, s1  }
0x136: {  	[tilespmem:s12], [sflag:$0x7] =	stream.linear.gather [hbm4b:s9+s3], $0x2800, $0x38;
	[tilespmem:$0x1E400] =	vst v63  }
0x137: {  	_ =	swait.ge [sflag:s16], $0x2800  }
0x138: {  	[sflag:s16] =	ssyncset.done $0x0  }
0x139: {  	[sflag:s16] =	ssyncadd.s32 $0xFFFFD800  }
0x13a: {  	_ =	swait.ge [sflag:s16], $0x2800  }
0x13b: {  	[sflag:s16] =	ssyncset.done $0x0  }
0x13c: {  	[sflag:s16] =	ssyncadd.s32 $0xFFFFD800  }
0x13d: {  	_ =	swait.ge [sflag:s16], $0x2800  }
0x13e: {  	s14 =	rddreg [dreg:$0xd];
	[sflag:s16] =	ssyncset.done $0x0  }
0x13f: {  	s21 =	rddreg [dreg:$0xc];
	[sflag:s16] =	ssyncadd.s32 $0xFFFFD800;
	s2 =	sadd.s32 $0x0, s14  }
0x140: {  	[tilespmem:s15], [sflag:$0x2] =	stream.linear.gather [hbm4b:s2+s3], $0x50, $0x38;
	[tilespmem:$0x1E400] =	vst v63  }
0x141: {  	s4 =	rddreg [dreg:$0xb];
	s5 =	sadd.s32 $0x0, s21  }
0x142: {  	[tilespmem:s17], [sflag:$0x2] =	stream.linear.gather [hbm4b:s5+s3], $0x50, $0x38;
	[tilespmem:$0x1E400] =	vst v63  }
0x143: {  	s9 =	sadd.s32 $0x0, s4;
	s16 =	simm.s32 $0x2C00  }
0x144: {  	[hbm4b:s9+s26] =	stream.strided.scatter [tilespmem:s16], [sflag:$0xA], $0x2800, s8, s26, $0x38;
	[tilespmem:$0x1E400] =	vst v63  }
0x145: {  	s21 =	simm.s32 $0xCC00;
	s14 =	sadd.s32 $0x80, s9  }
0x146: {  	[hbm4b:s14+s26] =	stream.strided.scatter [tilespmem:s21], [sflag:$0xA], $0x2800, s8, s26, $0x38;
	[tilespmem:$0x1E400] =	vst v63  }
0x147: {  	s2 =	sadd.s32 $0x100, s9;
	s5 =	simm.s32 $0xC  }
0x148: {  	[hbm4b:s2+s26] =	stream.strided.scatter [tilespmem:s20], [sflag:$0xA], $0x2800, s8, s26, $0x38;
	[tilespmem:$0x1E400] =	vst v63  }
0x149: {  	_ =	swait.ge [sflag:s5], $0x2800  }
0x14a: {  	[sflag:s5] =	ssyncset.done $0x0  }
0x14b: {  	[sflag:s5] =	ssyncadd.s32 $0xFFFFD800  }
0x14c: {  	_ =	swait.ge [sflag:s5], $0x2800  }
0x14d: {  	[sflag:s5] =	ssyncset.done $0x0  }
0x14e: {  	[sflag:s5] =	ssyncadd.s32 $0xFFFFD800  }
0x14f: {  	_ =	swait.ge [sflag:s5], $0x2800  }
0x150: {  	[sflag:s5] =	ssyncset.done $0x0  }
0x151: {  	[sflag:s5] =	ssyncadd.s32 $0xFFFFD800  }
0x152: {  	_ =	swait.ge [sflag:s13], $0x50  }
0x153: {  	[sflag:s13] =	ssyncset.done $0x0  }
0x154: {  	[sflag:s13] =	ssyncadd.s32 $0xFFFFFFB0  }
0x155: {  	_ =	swait.ge [sflag:s13], $0x50  }
0x156: {  	[sflag:s13] =	ssyncset.done $0x0  }
0x157: {  	s4 =	simm.s32 $0x180;
	s20 =	simm.s32 $0x7C00;
	[sflag:s13] =	ssyncadd.s32 $0xFFFFFFB0  }
0x158: {  	[tilespmem:s20], [sflag:$0x8] =	stream.indirect.gather [hbm4b:s0+s24], $0x80, s4, s24, $0xb8;
	[tilespmem:$0x1E400] =	vst v63  }
0x159: {  	s21 =	simm.s32 $0x11C00;
	s13 =	simm.s32 $0x380  }
0x15a: {  	[tilespmem:s21], [sflag:$0x8] =	stream.indirect.gather [hbm4b:s0+s24], $0x80, s13, s24, $0xb8;
	[tilespmem:$0x1E400] =	vst v63  }
0x15b: {  	s9 =	sadd.s32 $0xFFFFF600, s1;
	s14 =	simm.s32 $0x1BC00  }
0x15c: {  	[tilespmem:s14], [sflag:$0x8] =	stream.linear.gather [hbm4b:s9+s3], $0x2800, $0x38;
	[tilespmem:$0x1E400] =	vst v63  }
0x15d: {  	_ =	swait.ge [sflag:s25], $0x2800  }
0x15e: {  	[sflag:s25] =	ssyncset.done $0x0  }
0x15f: {  	[sflag:s25] =	ssyncadd.s32 $0xFFFFD800  }
0x160: {  	_ =	swait.ge [sflag:s25], $0x2800  }
0x161: {  	[sflag:s25] =	ssyncset.done $0x0  }
0x162: {  	[sflag:s25] =	ssyncadd.s32 $0xFFFFD800  }
0x163: {  	_ =	swait.ge [sflag:s25], $0x2800  }
0x164: {  	s5 =	rddreg [dreg:$0x9];
	[sflag:s25] =	ssyncset.done $0x0  }
0x165: {  	s9 =	rddreg [dreg:$0x8];
	[sflag:s25] =	ssyncadd.s32 $0xFFFFD800;
	s2 =	sadd.s32 $0x0, s5  }
0x166: {  	[tilespmem:s6], [sflag:$0x3] =	stream.linear.gather [hbm4b:s2+s3], $0x50, $0x38;
	[tilespmem:$0x1E400] =	vst v63  }
0x167: {  	s25 =	rddreg [dreg:$0xe];
	s6 =	sadd.s32 $0x0, s9  }
0x168: {  	[tilespmem:s7], [sflag:$0x3] =	stream.linear.gather [hbm4b:s6+s3], $0x50, $0x38;
	[tilespmem:$0x1E400] =	vst v63  }
0x169: {  	s25 =	sadd.s32 $0x0, s25  }
0x16a: {  	[hbm4b:s25+s26] =	stream.strided.scatter [tilespmem:s10], [sflag:$0xB], $0x2800, s8, s26, $0x38;
	[tilespmem:$0x1E400] =	vst v63  }
0x16b: {  	s6 =	sadd.s32 $0x80, s25  }
0x16c: {  	[hbm4b:s6+s26] =	stream.strided.scatter [tilespmem:s18], [sflag:$0xB], $0x2800, s8, s26, $0x38;
	[tilespmem:$0x1E400] =	vst v63  }
0x16d: {  	s2 =	sadd.s32 $0x100, s25  }
0x16e: {  	[hbm4b:s2+s26] =	stream.strided.scatter [tilespmem:s12], [sflag:$0xB], $0x2800, s8, s26, $0x38;
	[tilespmem:$0x1E400] =	vst v63  }
0x16f: {  	_ =	swait.ge [sflag:s31], $0x2800  }
0x170: {  	[sflag:s31] =	ssyncset.done $0x0  }
0x171: {  	[sflag:s31] =	ssyncadd.s32 $0xFFFFD800  }
0x172: {  	_ =	swait.ge [sflag:s31], $0x2800  }
0x173: {  	[sflag:s31] =	ssyncset.done $0x0  }
0x174: {  	[sflag:s31] =	ssyncadd.s32 $0xFFFFD800  }
0x175: {  	_ =	swait.ge [sflag:s31], $0x2800  }
0x176: {  	[sflag:s31] =	ssyncset.done $0x0  }
0x177: {  	[sflag:s31] =	ssyncadd.s32 $0xFFFFD800  }
0x178: {  	_ =	swait.ge [sflag:s22], $0x50  }
0x179: {  	[sflag:s22] =	ssyncset.done $0x0  }
0x17a: {  	[sflag:s22] =	ssyncadd.s32 $0xFFFFFFB0  }
0x17b: {  	_ =	swait.ge [sflag:s22], $0x50  }
0x17c: {  	[sflag:s22] =	ssyncset.done $0x0  }
0x17d: {  	[sflag:s22] =	ssyncadd.s32 $0xFFFFFFB0  }
0x17e: {  	[tilespmem:s26], [sflag:$0x5] =	stream.indirect.gather [hbm4b:s0+s24], $0x80, s3, s24, $0xb8;
	[tilespmem:$0x1E400] =	vst v63  }
0x17f: {  	s30 =	simm.s32 $0xA400  }
0x180: {  	[tilespmem:s30], [sflag:$0x5] =	stream.indirect.gather [hbm4b:s0+s24], $0x80, s29, s24, $0xb8;
	[tilespmem:$0x1E400] =	vst v63  }
0x181: {  	s9 =	simm.s32 $0x14400;
	s7 =	sadd.s32 $0xFFFFFB00, s1  }
0x182: {  	[tilespmem:s9], [sflag:$0x5] =	stream.linear.gather [hbm4b:s7+s3], $0x2800, $0x38;
	[tilespmem:$0x1E400] =	vst v63  }
0x183: {  	_ =	swait.ge [sflag:s11], $0x2800  }
0x184: {  	[sflag:s11] =	ssyncset.done $0x0  }
0x185: {  	[sflag:s11] =	ssyncadd.s32 $0xFFFFD800  }
0x186: {  	_ =	swait.ge [sflag:s11], $0x2800  }
0x187: {  	[sflag:s11] =	ssyncset.done $0x0  }
0x188: {  	[sflag:s11] =	ssyncadd.s32 $0xFFFFD800  }
0x189: {  	_ =	swait.ge [sflag:s11], $0x2800  }
0x18a: {  	s10 =	rddreg [dreg:$0x7];
	[sflag:s11] =	ssyncset.done $0x0  }
0x18b: {  	s12 =	rddreg [dreg:$0x6];
	[sflag:s11] =	ssyncadd.s32 $0xFFFFD800;
	s2 =	sadd.s32 $0x0, s10  }
0x18c: {  	[tilespmem:s4], [sflag:$0x4] =	stream.linear.gather [hbm4b:s2+s3], $0x50, $0x38;
	[tilespmem:$0x1E400] =	vst v63  }
0x18d: {  	s18 =	rddreg [dreg:$0xa];
	s22 =	sadd.s32 $0x0, s12  }
0x18e: {  	[tilespmem:s13], [sflag:$0x4] =	stream.linear.gather [hbm4b:s22+s3], $0x50, $0x38;
	[tilespmem:$0x1E400] =	vst v63  }
0x18f: {  	s25 =	sadd.s32 $0x0, s18  }
0x190: {  	[hbm4b:s25+s26] =	stream.strided.scatter [tilespmem:s20], [sflag:$0xC], $0x2800, s8, s26, $0x38;
	[tilespmem:$0x1E400] =	vst v63  }
0x191: {  	s29 =	sadd.s32 $0x80, s25  }
0x192: {  	[hbm4b:s29+s26] =	stream.strided.scatter [tilespmem:s21], [sflag:$0xC], $0x2800, s8, s26, $0x38;
	[tilespmem:$0x1E400] =	vst v63  }
0x193: {  	s2 =	sadd.s32 $0x100, s25  }
0x194: {  	[hbm4b:s2+s26] =	stream.strided.scatter [tilespmem:s14], [sflag:$0xC], $0x2800, s8, s26, $0x38;
	[tilespmem:$0x1E400] =	vst v63  }
0x195: {  	_ =	swait.ge [sflag:s28], $0x2800  }
0x196: {  	[sflag:s28] =	ssyncset.done $0x0  }
0x197: {  	[sflag:s28] =	ssyncadd.s32 $0xFFFFD800  }
0x198: {  	_ =	swait.ge [sflag:s28], $0x2800  }
0x199: {  	[sflag:s28] =	ssyncset.done $0x0  }
0x19a: {  	[sflag:s28] =	ssyncadd.s32 $0xFFFFD800  }
0x19b: {  	_ =	swait.ge [sflag:s28], $0x2800  }
0x19c: {  	[sflag:s28] =	ssyncset.done $0x0  }
0x19d: {  	[sflag:s28] =	ssyncadd.s32 $0xFFFFD800  }
0x19e: {  	_ =	swait.ge [sflag:s19], $0x50  }
0x19f: {  	[sflag:s19] =	ssyncset.done $0x0  }
0x1a0: {  	[sflag:s19] =	ssyncadd.s32 $0xFFFFFFB0  }
0x1a1: {  	_ =	swait.ge [sflag:s19], $0x50  }
0x1a2: {  	[sflag:s19] =	ssyncset.done $0x0  }
0x1a3: {  	[sflag:s19] =	ssyncadd.s32 $0xFFFFFFB0  }
0x1a4: {  	[tilespmem:s16], [sflag:$0x6] =	stream.indirect.gather [hbm4b:s0+s24], $0x80, s15, s24, $0xb8;
	[tilespmem:$0x1E400] =	vst v63  }
0x1a5: {  	s5 =	smov.u32 s1;
	s31 =	simm.s32 $0xCC00;
	s30 =	smov.u32 s1  }
0x1a6: {  	[tilespmem:s31], [sflag:$0x6] =	stream.indirect.gather [hbm4b:s0+s24], $0x80, s17, s24, $0xb8;
	[tilespmem:$0x1E400] =	vst v63  }
0x1a7: {  	s9 =	smov.u32 s23;
	s20 =	simm.s32 $0x0;
	s17 =	simm.s32 $0x3C00  }
.LBB2_2:
0x1a8: {  	s15 =	simm.s32 $0x16C00;
	s0 =	simm.s32 $0x5  }
0x1a9: {  	[tilespmem:s15], [sflag:$0x6] =	stream.linear.gather [hbm4b:s30+s3], $0x2800, $0x38;
	[tilespmem:$0x1E400] =	vst v63  }
0x1aa: {  	_ =	swait.ge [sflag:s0], $0x2800  }
0x1ab: {  	[sflag:s0] =	ssyncset.done $0x0  }
0x1ac: {  	[sflag:s0] =	ssyncadd.s32 $0xFFFFD800  }
0x1ad: {  	_ =	swait.ge [sflag:s0], $0x2800  }
0x1ae: {  	[sflag:s0] =	ssyncset.done $0x0  }
0x1af: {  	s20 =	sadd.s32 $0x28, s20;
	s9 =	sadd.s32 $0x140, s9;
	[sflag:s0] =	ssyncadd.s32 $0xFFFFD800  }
0x1b0: {  	s23 =	simm.s32 $0x200;
	s10 =	sshrl.u32 s9, $0x3;
	_ =	swait.ge [sflag:s0], $0x2800  }
0x1b1: {  	s10 =	smul.u32 $0xC00, s10;
	s1 =	rddreg [dreg:$0x10];
	[sflag:s0] =	ssyncset.done $0x0  }
0x1b2: {  	s6 =	rddreg [dreg:$0xf];
	[sflag:s0] =	ssyncadd.s32 $0xFFFFD800;
	s1 =	sadd.s32 s20, s1  }
0x1b3: {  	[tilespmem:s3], [sflag:$0x1] =	stream.linear.gather [hbm4b:s1+s3], $0x50, $0x38;
	[tilespmem:$0x1E400] =	vst v63  }
0x1b4: {  	s31 =	sshrl.u32 s10, $0x3;
	s29 =	sadd.s32 s20, s6;
	s1 =	rddreg [dreg:$0x12]  }
0x1b5: {  	[tilespmem:s23], [sflag:$0x1] =	stream.linear.gather [hbm4b:s29+s3], $0x50, $0x38;
	[tilespmem:$0x1E400] =	vst v63  }
0x1b6: {  	s7 =	rddreg [dreg:$0x11];
	s4 =	sadd.s32 s1, s31  }
0x1b7: {  	[hbm4b:s4+s26] =	stream.strided.scatter [tilespmem:s26], [sflag:$0x9], $0x2800, s8, s26, $0x38;
	[tilespmem:$0x1E400] =	vst v63  }
0x1b8: {  	s6 =	sadd.s32 s31, s7;
	s31 =	simm.s32 $0xA400  }
0x1b9: {  	[hbm4b:s6+s26] =	stream.strided.scatter [tilespmem:s31], [sflag:$0x9], $0x2800, s8, s26, $0x38;
	[tilespmem:$0x1E400] =	vst v63  }
0x1ba: {  	s19 =	simm.s32 $0x14400;
	s10 =	simm.s32 $0xB;
	s1 =	sadd.s32 $0x100, s4  }
0x1bb: {  	[hbm4b:s1+s26] =	stream.strided.scatter [tilespmem:s19], [sflag:$0x9], $0x2800, s8, s26, $0x38;
	[tilespmem:$0x1E400] =	vst v63  }
0x1bc: {  	_ =	swait.ge [sflag:s10], $0x2800  }
0x1bd: {  	[sflag:s10] =	ssyncset.done $0x0  }
0x1be: {  	[sflag:s10] =	ssyncadd.s32 $0xFFFFD800  }
0x1bf: {  	_ =	swait.ge [sflag:s10], $0x2800  }
0x1c0: {  	[sflag:s10] =	ssyncset.done $0x0  }
0x1c1: {  	[sflag:s10] =	ssyncadd.s32 $0xFFFFD800  }
0x1c2: {  	_ =	swait.ge [sflag:s10], $0x2800  }
0x1c3: {  	[sflag:s10] =	ssyncset.done $0x0  }
0x1c4: {  	s11 =	simm.s32 $0x3;
	[sflag:s10] =	ssyncadd.s32 $0xFFFFD800  }
0x1c5: {  	_ =	swait.ge [sflag:s11], $0x50  }
0x1c6: {  	[sflag:s11] =	ssyncset.done $0x0  }
0x1c7: {  	[sflag:s11] =	ssyncadd.s32 $0xFFFFFFB0  }
0x1c8: {  	_ =	swait.ge [sflag:s11], $0x50  }
0x1c9: {  	[sflag:s11] =	ssyncset.done $0x0  }
0x1ca: {  	s13 =	simm.s32 $0x100;
	[sflag:s11] =	ssyncadd.s32 $0xFFFFFFB0  }
0x1cb: {  	s18 =	simm.s32 $0x5400;
	s7 =	simm.s32 $0x50;
	s24 =	rddreg [dreg:$0x0]  }
0x1cc: {  	[tilespmem:s18], [sflag:$0x7] =	stream.indirect.gather [hbm4b:s24+s7], $0x80, s13, s7, $0xb8;
	[tilespmem:$0x1E400] =	vst v63  }
0x1cd: {  	s5 =	sadd.s32 $0x1400, s5;
	s28 =	simm.s32 $0x300;
	s4 =	simm.s32 $0xF400  }
0x1ce: {  	[tilespmem:s4], [sflag:$0x7] =	stream.indirect.gather [hbm4b:s24+s7], $0x80, s28, s7, $0xb8;
	[tilespmem:$0x1E400] =	vst v63  }
0x1cf: {  	s16 =	simm.s32 $0x19400;
	s14 =	simm.s32 $0x6;
	s12 =	sadd.s32 $0xFFFFF100, s5  }
0x1d0: {  	[tilespmem:s16], [sflag:$0x7] =	stream.linear.gather [hbm4b:s12+s3], $0x2800, $0x38;
	[tilespmem:$0x1E400] =	vst v63  }
0x1d1: {  	_ =	swait.ge [sflag:s14], $0x2800  }
0x1d2: {  	[sflag:s14] =	ssyncset.done $0x0  }
0x1d3: {  	[sflag:s14] =	ssyncadd.s32 $0xFFFFD800  }
0x1d4: {  	_ =	swait.ge [sflag:s14], $0x2800  }
0x1d5: {  	[sflag:s14] =	ssyncset.done $0x0  }
0x1d6: {  	[sflag:s14] =	ssyncadd.s32 $0xFFFFD800  }
0x1d7: {  	s2 =	smov.u32 s17;
	_ =	swait.ge [sflag:s14], $0x2800  }
0x1d8: {  	s29 =	simm.s32 $0x80;
	s21 =	rddreg [dreg:$0xd];
	[sflag:s14] =	ssyncset.done $0x0  }
0x1d9: {  	s22 =	rddreg [dreg:$0xc];
	[sflag:s14] =	ssyncadd.s32 $0xFFFFD800;
	s1 =	sadd.s32 s20, s21  }
0x1da: {  	[tilespmem:s29], [sflag:$0x2] =	stream.linear.gather [hbm4b:s1+s3], $0x50, $0x38;
	[tilespmem:$0x1E400] =	vst v63  }
0x1db: {  	s25 =	rddreg [dreg:$0xb];
	s0 =	sadd.s32 s20, s22;
	s14 =	simm.s32 $0x280  }
0x1dc: {  	[tilespmem:s14], [sflag:$0x2] =	stream.linear.gather [hbm4b:s0+s3], $0x50, $0x38;
	[tilespmem:$0x1E400] =	vst v63  }
0x1dd: {  	s6 =	sadd.s32 s2, s25;
	s21 =	simm.s32 $0x2C00  }
0x1de: {  	[hbm4b:s6+s26] =	stream.strided.scatter [tilespmem:s21], [sflag:$0xA], $0x2800, s8, s26, $0x38;
	[tilespmem:$0x1E400] =	vst v63  }
0x1df: {  	s10 =	sadd.s32 $0x80, s6;
	s0 =	simm.s32 $0xCC00  }
0x1e0: {  	[hbm4b:s10+s26] =	stream.strided.scatter [tilespmem:s0], [sflag:$0xA], $0x2800, s8, s26, $0x38;
	[tilespmem:$0x1E400] =	vst v63  }
0x1e1: {  	s11 =	simm.s32 $0xC;
	s1 =	sadd.s32 $0x100, s6  }
0x1e2: {  	[hbm4b:s1+s26] =	stream.strided.scatter [tilespmem:s15], [sflag:$0xA], $0x2800, s8, s26, $0x38;
	[tilespmem:$0x1E400] =	vst v63  }
0x1e3: {  	_ =	swait.ge [sflag:s11], $0x2800  }
0x1e4: {  	[sflag:s11] =	ssyncset.done $0x0  }
0x1e5: {  	[sflag:s11] =	ssyncadd.s32 $0xFFFFD800  }
0x1e6: {  	_ =	swait.ge [sflag:s11], $0x2800  }
0x1e7: {  	[sflag:s11] =	ssyncset.done $0x0  }
0x1e8: {  	[sflag:s11] =	ssyncadd.s32 $0xFFFFD800  }
0x1e9: {  	_ =	swait.ge [sflag:s11], $0x2800  }
0x1ea: {  	[sflag:s11] =	ssyncset.done $0x0  }
0x1eb: {  	s12 =	simm.s32 $0x4;
	[sflag:s11] =	ssyncadd.s32 $0xFFFFD800  }
0x1ec: {  	_ =	swait.ge [sflag:s12], $0x50  }
0x1ed: {  	[sflag:s12] =	ssyncset.done $0x0  }
0x1ee: {  	[sflag:s12] =	ssyncadd.s32 $0xFFFFFFB0  }
0x1ef: {  	_ =	swait.ge [sflag:s12], $0x50  }
0x1f0: {  	[sflag:s12] =	ssyncset.done $0x0  }
0x1f1: {  	s29 =	simm.s32 $0x180;
	s11 =	simm.s32 $0x7C00;
	[sflag:s12] =	ssyncadd.s32 $0xFFFFFFB0  }
0x1f2: {  	[tilespmem:s11], [sflag:$0x8] =	stream.indirect.gather [hbm4b:s24+s7], $0x80, s29, s7, $0xb8;
	[tilespmem:$0x1E400] =	vst v63  }
0x1f3: {  	s22 =	simm.s32 $0x380;
	s12 =	simm.s32 $0x11C00  }
0x1f4: {  	[tilespmem:s12], [sflag:$0x8] =	stream.indirect.gather [hbm4b:s24+s7], $0x80, s22, s7, $0xb8;
	[tilespmem:$0x1E400] =	vst v63  }
0x1f5: {  	s25 =	simm.s32 $0x1BC00;
	s15 =	sadd.s32 $0xFFFFF600, s5;
	s1 =	simm.s32 $0x7  }
0x1f6: {  	[tilespmem:s25], [sflag:$0x8] =	stream.linear.gather [hbm4b:s15+s3], $0x2800, $0x38;
	[tilespmem:$0x1E400] =	vst v63  }
0x1f7: {  	_ =	swait.ge [sflag:s1], $0x2800  }
0x1f8: {  	[sflag:s1] =	ssyncset.done $0x0  }
0x1f9: {  	[sflag:s1] =	ssyncadd.s32 $0xFFFFD800  }
0x1fa: {  	_ =	swait.ge [sflag:s1], $0x2800  }
0x1fb: {  	[sflag:s1] =	ssyncset.done $0x0  }
0x1fc: {  	[sflag:s1] =	ssyncadd.s32 $0xFFFFD800  }
0x1fd: {  	_ =	swait.ge [sflag:s1], $0x2800  }
0x1fe: {  	s15 =	rddreg [dreg:$0x9];
	[sflag:s1] =	ssyncset.done $0x0  }
0x1ff: {  	s6 =	rddreg [dreg:$0x8];
	[sflag:s1] =	ssyncadd.s32 $0xFFFFD800;
	s1 =	sadd.s32 s20, s15  }
0x200: {  	[tilespmem:s13], [sflag:$0x3] =	stream.linear.gather [hbm4b:s1+s3], $0x50, $0x38;
	[tilespmem:$0x1E400] =	vst v63  }
0x201: {  	s10 =	rddreg [dreg:$0xe];
	s6 =	sadd.s32 s20, s6  }
0x202: {  	[tilespmem:s28], [sflag:$0x3] =	stream.linear.gather [hbm4b:s6+s3], $0x50, $0x38;
	[tilespmem:$0x1E400] =	vst v63  }
0x203: {  	s6 =	sadd.s32 s2, s10  }
0x204: {  	[hbm4b:s6+s26] =	stream.strided.scatter [tilespmem:s18], [sflag:$0xB], $0x2800, s8, s26, $0x38;
	[tilespmem:$0x1E400] =	vst v63  }
0x205: {  	s10 =	sadd.s32 $0x80, s6  }
0x206: {  	[hbm4b:s10+s26] =	stream.strided.scatter [tilespmem:s4], [sflag:$0xB], $0x2800, s8, s26, $0x38;
	[tilespmem:$0x1E400] =	vst v63  }
0x207: {  	s1 =	sadd.s32 $0x100, s6  }
0x208: {  	[hbm4b:s1+s26] =	stream.strided.scatter [tilespmem:s16], [sflag:$0xB], $0x2800, s8, s26, $0x38;
	[tilespmem:$0x1E400] =	vst v63  }
0x209: {  	s16 =	simm.s32 $0x9  }
0x20a: {  	_ =	swait.ge [sflag:s16], $0x2800  }
0x20b: {  	[sflag:s16] =	ssyncset.done $0x0  }
0x20c: {  	[sflag:s16] =	ssyncadd.s32 $0xFFFFD800  }
0x20d: {  	_ =	swait.ge [sflag:s16], $0x2800  }
0x20e: {  	[sflag:s16] =	ssyncset.done $0x0  }
0x20f: {  	[sflag:s16] =	ssyncadd.s32 $0xFFFFD800  }
0x210: {  	_ =	swait.ge [sflag:s16], $0x2800  }
0x211: {  	[sflag:s16] =	ssyncset.done $0x0  }
0x212: {  	s18 =	simm.s32 $0x1;
	[sflag:s16] =	ssyncadd.s32 $0xFFFFD800  }
0x213: {  	_ =	swait.ge [sflag:s18], $0x50  }
0x214: {  	[sflag:s18] =	ssyncset.done $0x0  }
0x215: {  	[sflag:s18] =	ssyncadd.s32 $0xFFFFFFB0  }
0x216: {  	_ =	swait.ge [sflag:s18], $0x50  }
0x217: {  	[sflag:s18] =	ssyncset.done $0x0  }
0x218: {  	[sflag:s18] =	ssyncadd.s32 $0xFFFFFFB0  }
0x219: {  	[tilespmem:s26], [sflag:$0x5] =	stream.indirect.gather [hbm4b:s24+s7], $0x80, s3, s7, $0xb8;
	[tilespmem:$0x1E400] =	vst v63  }
0x21a: {  	_ = 	snop  }
0x21b: {  	[tilespmem:s31], [sflag:$0x5] =	stream.indirect.gather [hbm4b:s24+s7], $0x80, s23, s7, $0xb8;
	[tilespmem:$0x1E400] =	vst v63  }
0x21c: {  	s28 =	sadd.s32 $0xFFFFFB00, s5;
	s1 =	simm.s32 $0x8  }
0x21d: {  	[tilespmem:s19], [sflag:$0x5] =	stream.linear.gather [hbm4b:s28+s3], $0x2800, $0x38;
	[tilespmem:$0x1E400] =	vst v63  }
0x21e: {  	_ =	swait.ge [sflag:s1], $0x2800  }
0x21f: {  	[sflag:s1] =	ssyncset.done $0x0  }
0x220: {  	[sflag:s1] =	ssyncadd.s32 $0xFFFFD800  }
0x221: {  	_ =	swait.ge [sflag:s1], $0x2800  }
0x222: {  	[sflag:s1] =	ssyncset.done $0x0  }
0x223: {  	[sflag:s1] =	ssyncadd.s32 $0xFFFFD800  }
0x224: {  	_ =	swait.ge [sflag:s1], $0x2800  }
0x225: {  	s6 =	rddreg [dreg:$0x7];
	[sflag:s1] =	ssyncset.done $0x0  }
0x226: {  	s10 =	rddreg [dreg:$0x6];
	[sflag:s1] =	ssyncadd.s32 $0xFFFFD800;
	s1 =	sadd.s32 s20, s6  }
0x227: {  	[tilespmem:s29], [sflag:$0x4] =	stream.linear.gather [hbm4b:s1+s3], $0x50, $0x38;
	[tilespmem:$0x1E400] =	vst v63  }
0x228: {  	s16 =	rddreg [dreg:$0xa];
	s18 =	sadd.s32 s20, s10  }
0x229: {  	[tilespmem:s22], [sflag:$0x4] =	stream.linear.gather [hbm4b:s18+s3], $0x50, $0x38;
	[tilespmem:$0x1E400] =	vst v63  }
0x22a: {  	s28 =	sadd.s32 s2, s16  }
0x22b: {  	[hbm4b:s28+s26] =	stream.strided.scatter [tilespmem:s11], [sflag:$0xC], $0x2800, s8, s26, $0x38;
	[tilespmem:$0x1E400] =	vst v63  }
0x22c: {  	s2 =	sadd.s32 $0x80, s28  }
0x22d: {  	[hbm4b:s2+s26] =	stream.strided.scatter [tilespmem:s12], [sflag:$0xC], $0x2800, s8, s26, $0x38;
	[tilespmem:$0x1E400] =	vst v63  }
0x22e: {  	s1 =	sadd.s32 $0x100, s28;
	s29 =	simm.s32 $0xA  }
0x22f: {  	[hbm4b:s1+s26] =	stream.strided.scatter [tilespmem:s25], [sflag:$0xC], $0x2800, s8, s26, $0x38;
	[tilespmem:$0x1E400] =	vst v63  }
0x230: {  	_ =	swait.ge [sflag:s29], $0x2800  }
0x231: {  	[sflag:s29] =	ssyncset.done $0x0  }
0x232: {  	[sflag:s29] =	ssyncadd.s32 $0xFFFFD800  }
0x233: {  	_ =	swait.ge [sflag:s29], $0x2800  }
0x234: {  	[sflag:s29] =	ssyncset.done $0x0  }
0x235: {  	[sflag:s29] =	ssyncadd.s32 $0xFFFFD800  }
0x236: {  	_ =	swait.ge [sflag:s29], $0x2800  }
0x237: {  	[sflag:s29] =	ssyncset.done $0x0  }
0x238: {  	s19 =	simm.s32 $0x2;
	[sflag:s29] =	ssyncadd.s32 $0xFFFFD800  }
0x239: {  	_ =	swait.ge [sflag:s19], $0x50  }
0x23a: {  	[sflag:s19] =	ssyncset.done $0x0  }
0x23b: {  	p0 =	sne.s32 s17, $0x69000;
	s17 =	sadd.s32 $0x3C00, s17;
	[sflag:s19] =	ssyncadd.s32 $0xFFFFFFB0  }
0x23c: {  	s30 =	smov.u32 s5;
	s15 =	simm.s32 $0x100;
	_ =	swait.ge [sflag:s19], $0x50  }
.Ltmp0:
0x23d: {  	s13 =	simm.s32 $0x300;
	[sflag:s19] =	ssyncset.done $0x0;
	(pc) =	sbr.rel @p0 .LBB2_2-.Ltmp0, $4  }
0x23e: {  	s23 =	simm.s32 $0x180;
	s31 =	simm.s32 $0x80;
	[sflag:s19] =	ssyncadd.s32 $0xFFFFFFB0  }
0x23f: {  	[tilespmem:s21], [sflag:$0x6] =	stream.indirect.gather [hbm4b:s24+s7], $0x80, s31, s7, $0xb8;
	[tilespmem:$0x1E400] =	vst v63  }
0x240: {  	s6 =	simm.s32 $0x380;
	s10 =	simm.s32 $0x2C00;
	s21 =	simm.s32 $0xCC00  }
0x241: {  	[tilespmem:s0], [sflag:$0x6] =	stream.indirect.gather [hbm4b:s24+s7], $0x80, s14, s7, $0xb8;
	[tilespmem:$0x1E400] =	vst v63  }
0x242: {  	s17 =	simm.s32 $0x16C00;
	s20 =	simm.s32 $0x5  }
0x243: {  	[tilespmem:s17], [sflag:$0x6] =	stream.linear.gather [hbm4b:s30+s3], $0x2800, $0x38;
	[tilespmem:$0x1E400] =	vst v63  }
0x244: {  	_ =	swait.ge [sflag:s20], $0x2800  }
0x245: {  	[sflag:s20] =	ssyncset.done $0x0  }
0x246: {  	[sflag:s20] =	ssyncadd.s32 $0xFFFFD800  }
0x247: {  	_ =	swait.ge [sflag:s20], $0x2800  }
0x248: {  	[sflag:s20] =	ssyncset.done $0x0  }
0x249: {  	[sflag:s20] =	ssyncadd.s32 $0xFFFFD800  }
0x24a: {  	_ =	swait.ge [sflag:s20], $0x2800  }
0x24b: {  	s1 =	sld [smem:$0x7E2]  }
0x24c: {  	[sflag:s20] =	ssyncset.done $0x0  }
0x24d: {  	s31 =	sld [smem:$0x7E3];
	[sflag:s20] =	ssyncadd.s32 $0xFFFFD800  }
0x24e: {  	[tilespmem:s3], [sflag:$0x1] =	stream.linear.gather [hbm4b:s1+s3], $0x50, $0x38;
	[tilespmem:$0x1E400] =	vst v63  }
0x24f: {  	s2 =	simm.s32 $0x200;
	s0 =	sld [smem:$0x7F4]  }
0x250: {  	[tilespmem:s2], [sflag:$0x1] =	stream.linear.gather [hbm4b:s31+s3], $0x50, $0x38;
	[tilespmem:$0x1E400] =	vst v63  }
0x251: {  	s4 =	sld [smem:$0x7E4]  }
0x252: {  	[hbm4b:s0+s26] =	stream.strided.scatter [tilespmem:s26], [sflag:$0x9], $0x2800, s8, s26, $0x38;
	[tilespmem:$0x1E400] =	vst v63  }
0x253: {  	s5 =	simm.s32 $0xA400;
	s7 =	sld [smem:$0x7F5]  }
0x254: {  	[hbm4b:s4+s26] =	stream.strided.scatter [tilespmem:s5], [sflag:$0x9], $0x2800, s8, s26, $0x38;
	[tilespmem:$0x1E400] =	vst v63  }
0x255: {  	s9 =	simm.s32 $0x14400;
	s12 =	simm.s32 $0xB  }
0x256: {  	[hbm4b:s7+s26] =	stream.strided.scatter [tilespmem:s9], [sflag:$0x9], $0x2800, s8, s26, $0x38;
	[tilespmem:$0x1E400] =	vst v63  }
0x257: {  	_ =	swait.ge [sflag:s12], $0x2800  }
0x258: {  	[sflag:s12] =	ssyncset.done $0x0  }
0x259: {  	[sflag:s12] =	ssyncadd.s32 $0xFFFFD800  }
0x25a: {  	_ =	swait.ge [sflag:s12], $0x2800  }
0x25b: {  	[sflag:s12] =	ssyncset.done $0x0  }
0x25c: {  	[sflag:s12] =	ssyncadd.s32 $0xFFFFD800  }
0x25d: {  	_ =	swait.ge [sflag:s12], $0x2800  }
0x25e: {  	[sflag:s12] =	ssyncset.done $0x0  }
0x25f: {  	s0 =	simm.s32 $0x3;
	[sflag:s12] =	ssyncadd.s32 $0xFFFFD800  }
0x260: {  	_ =	swait.ge [sflag:s0], $0x50  }
0x261: {  	[sflag:s0] =	ssyncset.done $0x0  }
0x262: {  	[sflag:s0] =	ssyncadd.s32 $0xFFFFFFB0  }
0x263: {  	_ =	swait.ge [sflag:s0], $0x50  }
0x264: {  	[sflag:s0] =	ssyncset.done $0x0  }
0x265: {  	[sflag:s0] =	ssyncadd.s32 $0xFFFFFFB0  }
0x266: {  	s18 =	simm.s32 $0x5400;
	s7 =	simm.s32 $0x50;
	s0 =	rddreg [dreg:$0x0]  }
0x267: {  	[tilespmem:s18], [sflag:$0x7] =	stream.indirect.gather [hbm4b:s0+s7], $0x80, s15, s7, $0xb8;
	[tilespmem:$0x1E400] =	vst v63  }
0x268: {  	s4 =	simm.s32 $0xF400  }
0x269: {  	[tilespmem:s4], [sflag:$0x7] =	stream.indirect.gather [hbm4b:s0+s7], $0x80, s13, s7, $0xb8;
	[tilespmem:$0x1E400] =	vst v63  }
0x26a: {  	s14 =	simm.s32 $0x6;
	s11 =	rddreg [dreg:$0x19];
	s13 =	simm.s32 $0x19400  }
0x26b: {  	[tilespmem:s13], [sflag:$0x7] =	stream.linear.gather [hbm4b:s11+s3], $0x2800, $0x38;
	[tilespmem:$0x1E400] =	vst v63  }
0x26c: {  	_ =	swait.ge [sflag:s14], $0x2800  }
0x26d: {  	[sflag:s14] =	ssyncset.done $0x0  }
0x26e: {  	[sflag:s14] =	ssyncadd.s32 $0xFFFFD800  }
0x26f: {  	_ =	swait.ge [sflag:s14], $0x2800  }
0x270: {  	[sflag:s14] =	ssyncset.done $0x0  }
0x271: {  	[sflag:s14] =	ssyncadd.s32 $0xFFFFD800  }
0x272: {  	_ =	swait.ge [sflag:s14], $0x2800  }
0x273: {  	s15 =	sld [smem:$0x7F6]  }
0x274: {  	[sflag:s14] =	ssyncset.done $0x0  }
0x275: {  	s16 =	sld [smem:$0x7E5];
	[sflag:s14] =	ssyncadd.s32 $0xFFFFD800  }
0x276: {  	[hbm4b:s15+s26] =	stream.strided.scatter [tilespmem:s10], [sflag:$0xA], $0x2800, s8, s26, $0x38;
	[tilespmem:$0x1E400] =	vst v63  }
0x277: {  	_ = 	snop  }
0x278: {  	[hbm4b:s16+s26] =	stream.strided.scatter [tilespmem:s21], [sflag:$0xA], $0x2800, s8, s26, $0x38;
	[tilespmem:$0x1E400] =	vst v63  }
0x279: {  	s21 =	sld [smem:$0x7F7];
	_ =	sdelay $0x1  }
0x27a: {  	s14 =	simm.s32 $0xC  }
0x27b: {  	[hbm4b:s21+s26] =	stream.strided.scatter [tilespmem:s17], [sflag:$0xA], $0x2800, s8, s26, $0x38;
	[tilespmem:$0x1E400] =	vst v63  }
0x27c: {  	_ =	swait.ge [sflag:s14], $0x2800  }
0x27d: {  	[sflag:s14] =	ssyncset.done $0x0  }
0x27e: {  	[sflag:s14] =	ssyncadd.s32 $0xFFFFD800  }
0x27f: {  	_ =	swait.ge [sflag:s14], $0x2800  }
0x280: {  	[sflag:s14] =	ssyncset.done $0x0  }
0x281: {  	[sflag:s14] =	ssyncadd.s32 $0xFFFFD800  }
0x282: {  	_ =	swait.ge [sflag:s14], $0x2800  }
0x283: {  	[sflag:s14] =	ssyncset.done $0x0  }
0x284: {  	s22 =	simm.s32 $0x4;
	[sflag:s14] =	ssyncadd.s32 $0xFFFFD800  }
0x285: {  	_ =	swait.ge [sflag:s22], $0x50  }
0x286: {  	[sflag:s22] =	ssyncset.done $0x0  }
0x287: {  	[sflag:s22] =	ssyncadd.s32 $0xFFFFFFB0  }
0x288: {  	_ =	swait.ge [sflag:s22], $0x50  }
0x289: {  	[sflag:s22] =	ssyncset.done $0x0  }
0x28a: {  	s24 =	simm.s32 $0x7C00;
	[sflag:s22] =	ssyncadd.s32 $0xFFFFFFB0  }
0x28b: {  	[tilespmem:s24], [sflag:$0x8] =	stream.indirect.gather [hbm4b:s0+s7], $0x80, s23, s7, $0xb8;
	[tilespmem:$0x1E400] =	vst v63  }
0x28c: {  	s11 =	simm.s32 $0x11C00  }
0x28d: {  	[tilespmem:s11], [sflag:$0x8] =	stream.indirect.gather [hbm4b:s0+s7], $0x80, s6, s7, $0xb8;
	[tilespmem:$0x1E400] =	vst v63  }
0x28e: {  	s28 =	simm.s32 $0x1BC00;
	s29 =	simm.s32 $0x7;
	s25 =	rddreg [dreg:$0x1a]  }
0x28f: {  	[tilespmem:s28], [sflag:$0x8] =	stream.linear.gather [hbm4b:s25+s3], $0x2800, $0x38;
	[tilespmem:$0x1E400] =	vst v63  }
0x290: {  	_ =	swait.ge [sflag:s29], $0x2800  }
0x291: {  	[sflag:s29] =	ssyncset.done $0x0  }
0x292: {  	[sflag:s29] =	ssyncadd.s32 $0xFFFFD800  }
0x293: {  	_ =	swait.ge [sflag:s29], $0x2800  }
0x294: {  	[sflag:s29] =	ssyncset.done $0x0  }
0x295: {  	[sflag:s29] =	ssyncadd.s32 $0xFFFFD800  }
0x296: {  	_ =	swait.ge [sflag:s29], $0x2800  }
0x297: {  	s30 =	sld [smem:$0x7F8]  }
0x298: {  	[sflag:s29] =	ssyncset.done $0x0  }
0x299: {  	s31 =	sld [smem:$0x7E6];
	[sflag:s29] =	ssyncadd.s32 $0xFFFFD800  }
0x29a: {  	[hbm4b:s30+s26] =	stream.strided.scatter [tilespmem:s18], [sflag:$0xB], $0x2800, s8, s26, $0x38;
	[tilespmem:$0x1E400] =	vst v63  }
0x29b: {  	_ = 	snop  }
0x29c: {  	[hbm4b:s31+s26] =	stream.strided.scatter [tilespmem:s4], [sflag:$0xB], $0x2800, s8, s26, $0x38;
	[tilespmem:$0x1E400] =	vst v63  }
0x29d: {  	s4 =	sld [smem:$0x7F9];
	_ =	sdelay $0x1  }
0x29e: {  	s15 =	simm.s32 $0x9  }
0x29f: {  	[hbm4b:s4+s26] =	stream.strided.scatter [tilespmem:s13], [sflag:$0xB], $0x2800, s8, s26, $0x38;
	[tilespmem:$0x1E400] =	vst v63  }
0x2a0: {  	_ =	swait.ge [sflag:s15], $0x2800  }
0x2a1: {  	[sflag:s15] =	ssyncset.done $0x0  }
0x2a2: {  	[sflag:s15] =	ssyncadd.s32 $0xFFFFD800  }
0x2a3: {  	_ =	swait.ge [sflag:s15], $0x2800  }
0x2a4: {  	[sflag:s15] =	ssyncset.done $0x0  }
0x2a5: {  	[sflag:s15] =	ssyncadd.s32 $0xFFFFD800  }
0x2a6: {  	_ =	swait.ge [sflag:s15], $0x2800  }
0x2a7: {  	[sflag:s15] =	ssyncset.done $0x0  }
0x2a8: {  	s16 =	simm.s32 $0x1;
	[sflag:s15] =	ssyncadd.s32 $0xFFFFD800  }
0x2a9: {  	_ =	swait.ge [sflag:s16], $0x50  }
0x2aa: {  	[sflag:s16] =	ssyncset.done $0x0  }
0x2ab: {  	[sflag:s16] =	ssyncadd.s32 $0xFFFFFFB0  }
0x2ac: {  	_ =	swait.ge [sflag:s16], $0x50  }
0x2ad: {  	[sflag:s16] =	ssyncset.done $0x0  }
0x2ae: {  	[sflag:s16] =	ssyncadd.s32 $0xFFFFFFB0  }
0x2af: {  	[tilespmem:s26], [sflag:$0x5] =	stream.indirect.gather [hbm4b:s0+s7], $0x80, s3, s7, $0xb8;
	[tilespmem:$0x1E400] =	vst v63  }
0x2b0: {  	_ = 	snop  }
0x2b1: {  	[tilespmem:s5], [sflag:$0x5] =	stream.indirect.gather [hbm4b:s0+s7], $0x80, s2, s7, $0xb8;
	[tilespmem:$0x1E400] =	vst v63  }
0x2b2: {  	s18 =	simm.s32 $0x8;
	s17 =	rddreg [dreg:$0x1b]  }
0x2b3: {  	[tilespmem:s9], [sflag:$0x5] =	stream.linear.gather [hbm4b:s17+s3], $0x2800, $0x38;
	[tilespmem:$0x1E400] =	vst v63  }
0x2b4: {  	_ =	swait.ge [sflag:s18], $0x2800  }
0x2b5: {  	[sflag:s18] =	ssyncset.done $0x0  }
0x2b6: {  	[sflag:s18] =	ssyncadd.s32 $0xFFFFD800  }
0x2b7: {  	_ =	swait.ge [sflag:s18], $0x2800  }
0x2b8: {  	[sflag:s18] =	ssyncset.done $0x0  }
0x2b9: {  	[sflag:s18] =	ssyncadd.s32 $0xFFFFD800  }
0x2ba: {  	_ =	swait.ge [sflag:s18], $0x2800  }
0x2bb: {  	s21 =	sld [smem:$0x7FA]  }
0x2bc: {  	[sflag:s18] =	ssyncset.done $0x0  }
0x2bd: {  	s22 =	sld [smem:$0x7E7];
	[sflag:s18] =	ssyncadd.s32 $0xFFFFD800  }
0x2be: {  	[hbm4b:s21+s26] =	stream.strided.scatter [tilespmem:s24], [sflag:$0xC], $0x2800, s8, s26, $0x38;
	[tilespmem:$0x1E400] =	vst v63  }
0x2bf: {  	s23 =	sld [smem:$0x7FB]  }
0x2c0: {  	[hbm4b:s22+s26] =	stream.strided.scatter [tilespmem:s11], [sflag:$0xC], $0x2800, s8, s26, $0x38;
	[tilespmem:$0x1E400] =	vst v63  }
0x2c1: {  	_ = 	snop  }
0x2c2: {  	[hbm4b:s23+s26] =	stream.strided.scatter [tilespmem:s28], [sflag:$0xC], $0x2800, s8, s26, $0x38;
	[tilespmem:$0x1E400] =	vst v63  }
0x2c3: {  	_ =	swait.ge [sflag:s20], $0x2800  }
0x2c4: {  	[sflag:s20] =	ssyncset.done $0x0  }
0x2c5: {  	[sflag:s20] =	ssyncadd.s32 $0xFFFFD800  }
0x2c6: {  	_ =	swait.ge [sflag:s20], $0x2800  }
0x2c7: {  	[sflag:s20] =	ssyncset.done $0x0  }
0x2c8: {  	[sflag:s20] =	ssyncadd.s32 $0xFFFFD800  }
0x2c9: {  	_ =	swait.ge [sflag:s20], $0x2800  }
0x2ca: {  	s24 =	sld [smem:$0x7FC]  }
0x2cb: {  	[sflag:s20] =	ssyncset.done $0x0  }
0x2cc: {  	s25 =	sld [smem:$0x7E8];
	[sflag:s20] =	ssyncadd.s32 $0xFFFFD800  }
0x2cd: {  	[hbm4b:s24+s26] =	stream.strided.scatter [tilespmem:s26], [sflag:$0x9], $0x2800, s8, s26, $0x38;
	[tilespmem:$0x1E400] =	vst v63  }
0x2ce: {  	s28 =	sld [smem:$0x7FD]  }
0x2cf: {  	[hbm4b:s25+s26] =	stream.strided.scatter [tilespmem:s5], [sflag:$0x9], $0x2800, s8, s26, $0x38;
	[tilespmem:$0x1E400] =	vst v63  }
0x2d0: {  	s29 =	simm.s32 $0xA  }
0x2d1: {  	[hbm4b:s28+s26] =	stream.strided.scatter [tilespmem:s9], [sflag:$0x9], $0x2800, s8, s26, $0x38;
	[tilespmem:$0x1E400] =	vst v63  }
0x2d2: {  	_ =	swait.ge [sflag:s29], $0x2800  }
0x2d3: {  	[sflag:s29] =	ssyncset.done $0x0  }
0x2d4: {  	[sflag:s29] =	ssyncadd.s32 $0xFFFFD800  }
0x2d5: {  	_ =	swait.ge [sflag:s29], $0x2800  }
0x2d6: {  	[sflag:s29] =	ssyncset.done $0x0  }
0x2d7: {  	[sflag:s29] =	ssyncadd.s32 $0xFFFFD800  }
0x2d8: {  	_ =	swait.ge [sflag:s29], $0x2800  }
0x2d9: {  	[sflag:s29] =	ssyncset.done $0x0  }
0x2da: {  	[sflag:s29] =	ssyncadd.s32 $0xFFFFD800  }
0x2db: {  	_ =	swait.ge [sflag:s12], $0x2800  }
0x2dc: {  	[sflag:s12] =	ssyncset.done $0x0  }
0x2dd: {  	[sflag:s12] =	ssyncadd.s32 $0xFFFFD800  }
0x2de: {  	_ =	swait.ge [sflag:s12], $0x2800  }
0x2df: {  	[sflag:s12] =	ssyncset.done $0x0  }
0x2e0: {  	[sflag:s12] =	ssyncadd.s32 $0xFFFFD800  }
0x2e1: {  	_ =	swait.ge [sflag:s12], $0x2800  }
0x2e2: {  	[sflag:s12] =	ssyncset.done $0x0  }
0x2e3: {  	[sflag:s12] =	ssyncadd.s32 $0xFFFFD800  }
0x2e4: {  	_ =	swait.ge [sflag:s14], $0x2800  }
0x2e5: {  	[sflag:s14] =	ssyncset.done $0x0  }
0x2e6: {  	[sflag:s14] =	ssyncadd.s32 $0xFFFFD800  }
0x2e7: {  	_ =	swait.ge [sflag:s14], $0x2800  }
0x2e8: {  	[sflag:s14] =	ssyncset.done $0x0  }
0x2e9: {  	[sflag:s14] =	ssyncadd.s32 $0xFFFFD800  }
0x2ea: {  	_ =	swait.ge [sflag:s14], $0x2800  }
0x2eb: {  	[sflag:s14] =	ssyncset.done $0x0  }
0x2ec: {  	[sflag:s14] =	ssyncadd.s32 $0xFFFFD800  }
0x2ed: {  	_ =	swait.ge [sflag:s15], $0x2800  }
0x2ee: {  	[sflag:s15] =	ssyncset.done $0x0  }
0x2ef: {  	[sflag:s15] =	ssyncadd.s32 $0xFFFFD800  }
0x2f0: {  	_ =	swait.ge [sflag:s15], $0x2800  }
0x2f1: {  	[sflag:s15] =	ssyncset.done $0x0  }
0x2f2: {  	[sflag:s15] =	ssyncadd.s32 $0xFFFFD800  }
0x2f3: {  	_ =	swait.ge [sflag:s15], $0x2800  }
0x2f4: {  	s30 =	sld [smem:$0x7D1]  }
0x2f5: {  	s31 =	sld [smem:$0x7E9];
	_ =	sdelay $0x1  }
0x2f6: {  	s0 =	sadd.s32 $0x1, s30  }
0x2f7: {  	p0 =	sne.s32 s0, s31  }
.Ltmp1:
0x2f8: {  	_ = 	snop;
	(pc) =	sbr.rel @p0 .LBB2_1-.Ltmp1, $3  }
0x2f9: {  	_ =	sdelay $0x1  }
0x2fa: {  	s17 =	simm.s32 $0x280;
	[sflag:s15] =	ssyncset.done $0x0;
	s21 =	rddreg [dreg:$0x12]  }
0x2fb: {  	s7 =	rddreg [dreg:$0x11];
	[sflag:s15] =	ssyncadd.s32 $0xFFFFD800;
	s15 =	simm.s32 $0x80  }
0x2fc: {  	_ =	sfence.sel $0x180000  }
0x2fd: {  	[bflag:$0x0] =	sbarrier.arrive $0xFFFF  }
0x2fe: {  	_ =	strace $0x90000047  }
0x2ff: {  	s0 =	stileid.u32;
	[bflag:$0x2] =	sbarrier.arrive $0xFFFF  }
0x300: {  	p0 =	sne.s32 s0, $0x0;
	s0 =	rddreg [dreg:$0x5]  }
0x301: {  	s0 =	sadd.s32 @!p0 $0x100000, s0  }
0x302: {  	[sflag:s0] =	ssyncadd.tile.s32 @!p0 $0x1;
	_ =	shalt  }
.Lfunc_end2:
_tile_overlayer_lowered:
.L_overlay_start_2:
0x303: {  	(tag) =	ssettag $0x2  }
0x304: {  	s0 =	rddreg [dreg:$0x0];
	s2 =	stileid.u32  }
0x305: {  	s1 =	rddreg [dreg:$0x1];
	p0 =	sne.s32 s2, $0x0  }
0x306: {  	s3 =	rddreg [dreg:$0x2];
	[bflag:$0x3] =	sbarrier.arrive $0xFFFF;
	s2 =	simm.s32 @!p0 $0x1C0D  }
0x307: {  	[timem:s3], [sflag:s2] =	dma.local @!p0 [hbm:s0], s1  }
0x308: {  	s0 =	simm.s32 @!p0 $0xD  }
0x309: {  	_ =	swait.ge @!p0 [sflag:s0], s1  }
0x30a: {  	s1 =	ssub.s32 @!p0 $0x0, s1;
	[sflag:s0] =	ssyncset.done @!p0 $0x0  }
0x30b: {  	[sflag:s0] =	ssyncadd.s32 @!p0 s1  }
0x30c: {  	[bflag:$0x3] =	sbarrier.arrive $0xFFFF  }
0x30d: {  	_ =	shalt  }

</sc_bundles>
